<compile_context>
chip_gen: v7x
topology: tpu7x:2x2x1
jax: 0.10.2.dev20260603
libtpu: 0.0.44.dev20260713+nightly
codegen_flags: <defaults>
</compile_context>

<pallas_src>
import itertools

import numpy as np
import jax
import jax.numpy as jnp
from jax import lax
from jax.experimental import pallas as pl
from jax.experimental.pallas import tpu as pltpu
from jax.experimental.pallas import tpu_sc as plsc

_S = 2
_N = 100
_D = 48
_NCOLS = 1 + _D

_SI = np.array(list(itertools.combinations(range(_N), _S)), np.int32)
_FI = np.array(list(itertools.combinations(range(_D), _S)), np.int32)
_NSC = _SI.shape[0]
_NFC = _FI.shape[0]
_NI = _NSC * _S
_NV = _NFC * _NI

_NT = 620
_UNROLL = 10
_TPC = 624
_NTS = _TPC // 16
_ROWL = _TPC * 16
_NF = 36
_FSMAX = _NFC - _NF
_NPAIR = _NF // 2
_STG = _NI + _NT * 16

_R = np.zeros(_ROWL, np.int32)
_R[:_NI] = _SI.reshape(-1)

_mesh = plsc.VectorSubcoreMesh(core_axis_name="c", subcore_axis_name="s")




def _sc_body(distr_h, r_h, out_h,
             distr_v, rb, av, bvs, rbb0, rbb1,
             p0row, p1a, p1b, stg_a, stg_b, p1s,
             sem_a, sem_b, sem_c, sem_d, semp_a, semp_b):
    tid = lax.axis_index("s")
    wid = tid * 2 + lax.axis_index("c")
    c0 = tid * _TPC

    pltpu.sync_copy(distr_h, distr_v)
    pltpu.sync_copy(r_h, rb)

    iota = lax.iota(jnp.int32, 16)
    ieven = jnp.bitwise_and(iota, -2)

    @plsc.parallel_loop(0, _NT, unroll=_UNROLL)
    def _(ck):
        sl = pl.ds(ck * 16, 16)
        rv = rb[sl]
        s0v = plsc.load_gather(rb, [ck * 16 + ieven])
        graw = plsc.load_gather(distr_v, [rv * _NCOLS])
        g0 = plsc.load_gather(distr_v, [s0v * _NCOLS])
        labv = 2.0 * graw - 1.0
        av[sl] = labv * (2.0 * g0 - 2.0)

    @plsc.parallel_loop(0, _NTS, unroll=13)
    def _(ck):
        sl = pl.ds(c0 + ck * 16, 16)
        rv = rb[sl]
        s1v = plsc.load_gather(rb, [c0 + ck * 16 + ieven + 1])
        graw = plsc.load_gather(distr_v, [rv * _NCOLS])
        g1 = plsc.load_gather(distr_v, [s1v * _NCOLS])
        labv = 2.0 * graw - 1.0
        bvs[pl.ds(ck * 16, 16)] = labv * (2.0 * g1 - 2.0)

    def mk_row_copy(buf, d, sem):
        return pltpu.make_async_copy(
            buf, p1s.at[pl.ds(d * _ROWL + c0, _TPC)], sem)

    def build_d(d, buf, sem):
        @plsc.parallel_loop(0, _NTS, unroll=13)
        def _(ck):
            gv = plsc.load_gather(
                distr_v, [rb[pl.ds(c0 + ck * 16, 16)] * _NCOLS + 1 + d])
            buf[pl.ds(ck * 16, 16)] = bvs[pl.ds(ck * 16, 16)] * gv

        mk_row_copy(buf, d, sem).start()

    def d_pair(dd, carry):
        pl.when(dd > 0)(lambda: mk_row_copy(rbb0, 0, sem_c).wait())
        build_d(2 * dd, rbb0, sem_c)
        pl.when(dd > 0)(lambda: mk_row_copy(rbb1, 0, sem_d).wait())
        build_d(2 * dd + 1, rbb1, sem_d)
        return carry

    lax.fori_loop(0, _D // 2, d_pair, 0)
    mk_row_copy(rbb0, 0, sem_c).wait()
    mk_row_copy(rbb1, 0, sem_d).wait()

    plsc.subcore_barrier()

    fs = jnp.minimum(wid * _NF, _FSMAX)

    def j_scan(m, j):
        return j + jnp.where((m * (95 - m)) >> 1 <= fs, 1, 0)

    j0 = lax.fori_loop(1, _D, j_scan, jnp.int32(0))
    k0 = fs - ((j0 * (95 - j0)) >> 1) + j0 + 1

    def fill_p0(jj):
        @plsc.parallel_loop(0, _NT, unroll=_UNROLL)
        def _(ck):
            sl = pl.ds(ck * 16, 16)
            gv = plsc.load_gather(distr_v, [rb[sl] * _NCOLS + 1 + jj])
            p0row[sl] = av[sl] * gv

    fill_p0(j0)

    def mk_pre(buf, sem, k):
        return pltpu.make_async_copy(p1s.at[pl.ds(k * _ROWL, _ROWL)], buf, sem)

    mk_pre(p1a, semp_a, k0).start()

    def mk_out(stg, sem, base):
        return pltpu.make_async_copy(
            stg.at[pl.ds(0, 2 * _NI)],
            out_h.at[pl.ds(base, 2 * _NI)],
            sem)

    def pair2_body(tt, jk):
        j, k = jk
        for half, (stg, sem) in ((0, (stg_a, sem_a)), (1, (stg_b, sem_b))):
            t = 2 * tt + half
            pl.when(t >= 2)(
                lambda stg=stg, sem=sem, t=t:
                    mk_out(stg, sem, (fs + 2 * (t - 2)) * _NI).wait())
            for fl in (0, 1):
                par = (2 * half + fl) % 2
                p1cur, semcur = (p1a, semp_a) if par == 0 else (p1b, semp_b)
                p1nxt, semnxt = (p1b, semp_b) if par == 0 else (p1a, semp_a)
                mk_pre(p1cur, semcur, k).wait()
                kn = k + 1
                wrap = kn >= _D
                jn = jnp.where(wrap, j + 1, j)
                kn = jnp.where(wrap, jn + 1, kn)
                mk_pre(p1nxt, semnxt, jnp.minimum(kn, _D - 1)).start()

                @plsc.parallel_loop(0, _NT, unroll=_UNROLL)
                def _(ck, p1cur=p1cur, stg=stg, fl=fl):
                    sl = pl.ds(ck * 16, 16)
                    stg[pl.ds(fl * _NI + ck * 16, 16)] = p0row[sl] + p1cur[sl]

                pl.when(wrap)(lambda jn=jn: fill_p0(jn))
                j, k = jn, kn
            mk_out(stg, sem, (fs + 2 * t) * _NI).start()
        return j, k

    lax.fori_loop(0, _NPAIR // 2, pair2_body, (j0, k0))

    for t in (_NPAIR - 2, _NPAIR - 1):
        stg, sem = (stg_a, sem_a) if t % 2 == 0 else (stg_b, sem_b)
        mk_out(stg, sem, (fs + 2 * t) * _NI).wait()
    mk_pre(p1a, semp_a, 0).wait()


_sc_call = pl.kernel(
    _sc_body,
    out_type=jax.ShapeDtypeStruct((_NV,), jnp.float32),
    mesh=_mesh,
    compiler_params=pltpu.CompilerParams(needs_layout_passes=False),
    scratch_types=[
        pltpu.VMEM((_N * _NCOLS,), jnp.float32),
        pltpu.VMEM((_ROWL,), jnp.int32),
        pltpu.VMEM((_ROWL,), jnp.float32),
        pltpu.VMEM((_TPC,), jnp.float32),
        pltpu.VMEM((_TPC,), jnp.float32),
        pltpu.VMEM((_TPC,), jnp.float32),
        pltpu.VMEM((_ROWL,), jnp.float32),
        pltpu.VMEM((_ROWL,), jnp.float32),
        pltpu.VMEM((_ROWL,), jnp.float32),
        pltpu.VMEM((_STG,), jnp.float32),
        pltpu.VMEM((_STG,), jnp.float32),
        pltpu.VMEM_SHARED((_D * _ROWL,), jnp.float32),
        pltpu.SemaphoreType.DMA,
        pltpu.SemaphoreType.DMA,
        pltpu.SemaphoreType.DMA,
        pltpu.SemaphoreType.DMA,
        pltpu.SemaphoreType.DMA,
        pltpu.SemaphoreType.DMA,
    ],
)


_IDX = np.stack([
    np.arange(_NV, dtype=np.int32) // _S,
    np.repeat(_FI, _NSC, axis=0).reshape(-1).astype(np.int32),
])


def kernel(distr):
    vals = _sc_call(distr.reshape(-1), jnp.asarray(_R))
    return jnp.asarray(_IDX), vals

# --- scband reference (transcript-rebuilt; emitter-appended) ---
"""Pipeline reference for scband-robust-list-learner-52441550684463 (READ-ONLY COPY).

The authoritative reference and input builder live on the scoring server;
editing this copy changes nothing except your own understanding.
"""

import jax, jax.numpy as jnp
import numpy as np
import itertools

SPARSITY = 2
MARGIN = 1
SAMPLE_SIZE = 100
SAMPLE_DIM = 48


def _combinations(n, r):
    return np.array(list(itertools.combinations(range(n), r)), dtype=np.int32)


def setup_inputs(seed: int = 0) -> dict:
    key = jax.random.key(seed)
    k1, k2 = jax.random.split(key)
    labels = jax.random.bernoulli(k1, 0.5, (SAMPLE_SIZE,)).astype(jnp.float32)
    feats = jax.random.normal(k2, (SAMPLE_SIZE, SAMPLE_DIM), dtype=jnp.float32)
    distr = jnp.concatenate([labels[:, None], feats], axis=1)
    return {"distr": distr}


def reference(distr):
    # labels in {0,1} -> {-1,+1}
    labels = distr[:, 0] * 2 - 1
    labeled_features = labels[:, None] * distr[:, 1:]
    sample_size, sample_dim = labeled_features.shape

    # all size-`sparsity` combinations of sample indices (static, shape-derived)
    sample_indices = _combinations(sample_size, SPARSITY)  # [nsc, s]
    nsc = sample_indices.shape[0]

    label_combinations = jnp.take(
        labels, jnp.asarray(sample_indices.reshape(-1)), axis=0
    ).reshape(-1, SPARSITY)  # [nsc, s]

    lfc = jnp.take(
        labeled_features, jnp.asarray(sample_indices.reshape(-1)), axis=0
    )  # [nsc*s, sample_dim]

    feature_indices = _combinations(sample_dim, SPARSITY)  # [nfc, s]
    nfc = feature_indices.shape[0]

    # gather feature combinations along dim 1 -> [nsc*s, nfc*s]
    lfc = jnp.take(lfc, jnp.asarray(feature_indices.reshape(-1)), axis=1)
    # transpose -> [nfc*s, nsc*s]; reshape -> [nfc, s, nsc*s]
    lfc = lfc.T.reshape(-1, SPARSITY, nsc * SPARSITY)
    # transpose(1,2) -> [nfc, nsc*s, s]; reshape -> [nfc*nsc, s, s]
    lfc = jnp.transpose(lfc, (0, 2, 1)).reshape(-1, SPARSITY, SPARSITY)

    label_combinations = jnp.tile(label_combinations, (nfc, 1))  # [nfc*nsc, s]

    # batched (s x s) @ (s x 1) matmul, squeeze last dim
    weight_list = jnp.matmul(
        lfc, (label_combinations - MARGIN)[..., None]
    ).squeeze(-1)  # [nfc*nsc, s]

    # COO representation of the sparse weight list
    row_indices = jnp.repeat(jnp.arange(nfc * nsc, dtype=jnp.int32), SPARSITY)
    col_indices = jnp.asarray(
        np.repeat(feature_indices, nsc, axis=0).reshape(-1).astype(np.int32)
    )
    indices = jnp.stack((row_indices, col_indices))  # [2, nfc*nsc*s]
    values = weight_list.reshape(-1)  # [nfc*nsc*s]
    # dense size would be [nfc*nsc, sample_dim]
    return indices, values

if __name__ == "__main__":
    import jax
    _d = setup_inputs()
    print(jax.jit(kernel)(*tuple(_d.values())))

</pallas_src>

<mosaic_0001>
#map = affine_map<(d0, d1) -> (0)>
module attributes {stable_mosaic.version = 14 : i64} {
  func.func @_sc_body(%arg0: i32, %arg1: i32, %arg2: memref<4900xf32, #tpu.memory_space<hbm>>, %arg3: memref<9984xi32, #tpu.memory_space<hbm>>, %arg4: memref<11167200xf32, #tpu.memory_space<hbm>>, %arg5: memref<4900xf32, #tpu.memory_space<vmem>>, %arg6: memref<9984xi32, #tpu.memory_space<vmem>>, %arg7: memref<9984xf32, #tpu.memory_space<vmem>>, %arg8: memref<624xf32, #tpu.memory_space<vmem>>, %arg9: memref<624xf32, #tpu.memory_space<vmem>>, %arg10: memref<624xf32, #tpu.memory_space<vmem>>, %arg11: memref<9984xf32, #tpu.memory_space<vmem>>, %arg12: memref<9984xf32, #tpu.memory_space<vmem>>, %arg13: memref<9984xf32, #tpu.memory_space<vmem>>, %arg14: memref<19820xf32, #tpu.memory_space<vmem>>, %arg15: memref<19820xf32, #tpu.memory_space<vmem>>, %arg16: memref<479232xf32, #tpu.memory_space<vmem_shared>>, %arg17: memref<!tpu.dma_semaphore, #tpu.memory_space<semaphore_mem>>, %arg18: memref<!tpu.dma_semaphore, #tpu.memory_space<semaphore_mem>>, %arg19: memref<!tpu.dma_semaphore, #tpu.memory_space<semaphore_mem>>, %arg20: memref<!tpu.dma_semaphore, #tpu.memory_space<semaphore_mem>>, %arg21: memref<!tpu.dma_semaphore, #tpu.memory_space<semaphore_mem>>, %arg22: memref<!tpu.dma_semaphore, #tpu.memory_space<semaphore_mem>>) attributes {dimension_semantics = [#tpu.dimension_semantics<core_parallel>, #tpu.dimension_semantics<subcore_parallel>], iteration_bounds = array<i64: 2, 16>, scalar_prefetch = 0 : i64, scratch_operands = 18 : i64, tpu.core_type = #tpu.core_type<sc_vector_subcore>, window_params = [{transform_indices = #map}, {transform_indices = #map}, {transform_indices = #map}]} {
    %mul3A = arith.constant 2 : i32
    %mul3A_0 = arith.muli %arg1, %mul3A : i32
    %add3A = arith.addi %mul3A_0, %arg0 : i32
    %mul3A_1 = arith.constant 624 : i32
    %mul3A_2 = arith.muli %arg1, %mul3A_1 : i32
    "tpu.region"() ({
      %run_scoped3A = tpu.sem_alloc : memref<!tpu.dma_semaphore, #tpu.memory_space<semaphore_mem>>
      tpu.enqueue_dma source(%arg2 : memref<4900xf32, #tpu.memory_space<hbm>>) target(%arg5 : memref<4900xf32, #tpu.memory_space<vmem>>) target_semaphore(%run_scoped3A : memref<!tpu.dma_semaphore, #tpu.memory_space<semaphore_mem>>)
      tpu.wait_dma2 semaphore(%run_scoped3A : memref<!tpu.dma_semaphore, #tpu.memory_space<semaphore_mem>>) src(%arg2 : memref<4900xf32, #tpu.memory_space<hbm>>) dst(%arg5 : memref<4900xf32, #tpu.memory_space<vmem>>)
      tpu.yield
    }) : () -> ()
    "tpu.region"() ({
      %run_scoped3A = tpu.sem_alloc : memref<!tpu.dma_semaphore, #tpu.memory_space<semaphore_mem>>
      tpu.enqueue_dma source(%arg3 : memref<9984xi32, #tpu.memory_space<hbm>>) target(%arg6 : memref<9984xi32, #tpu.memory_space<vmem>>) target_semaphore(%run_scoped3A : memref<!tpu.dma_semaphore, #tpu.memory_space<semaphore_mem>>)
      tpu.wait_dma2 semaphore(%run_scoped3A : memref<!tpu.dma_semaphore, #tpu.memory_space<semaphore_mem>>) src(%arg3 : memref<9984xi32, #tpu.memory_space<hbm>>) dst(%arg6 : memref<9984xi32, #tpu.memory_space<vmem>>)
      tpu.yield
    }) : () -> ()
    %iota3A = tpu.iota {dimensions = array<i32: 0>} : vector<16xi32>
    %and3A = arith.constant -2 : i32
    %and3A_3 = vector.broadcast %and3A : i32 to vector<16xi32>
    %and3A_4 = arith.andi %iota3A, %and3A_3 : vector<16xi32>
    %parallel_loop3A = arith.constant 0 : i32
    %parallel_loop3A_5 = arith.constant 620 : i32
    %parallel_loop3A_6 = arith.constant 1 : i32
    scf.for %parallel_loop3A_75 = %parallel_loop3A to %parallel_loop3A_5 step %parallel_loop3A_6  : i32 {
      %parallel_loop3A_76 = arith.constant 16 : i32
      %parallel_loop3A_77 = arith.muli %parallel_loop3A_75, %parallel_loop3A_76 : i32
      %parallel_loop3A_78 = arith.index_cast %parallel_loop3A_77 : i32 to index
      %parallel_loop3A_79 = tpu.vector_load %arg6[%parallel_loop3A_78] {strides = array<i32>} : memref<9984xi32, #tpu.memory_space<vmem>>, vector<16xi32>,
      %parallel_loop3A_80 = arith.constant 16 : i32
      %parallel_loop3A_81 = arith.muli %parallel_loop3A_75, %parallel_loop3A_80 : i32
      %parallel_loop3A_82 = vector.broadcast %parallel_loop3A_81 : i32 to vector<16xi32>
      %parallel_loop3A_83 = arith.addi %parallel_loop3A_82, %and3A_4 : vector<16xi32>
      %parallel_loop3A_84 = tpu.vector_load_idx %arg6[%parallel_loop3A_83] : memref<9984xi32, #tpu.memory_space<vmem>>[vector<16xi32>], vector<16xi32>,
      %parallel_loop3A_85 = arith.constant 49 : i32
      %parallel_loop3A_86 = vector.broadcast %parallel_loop3A_85 : i32 to vector<16xi32>
      %parallel_loop3A_87 = arith.muli %parallel_loop3A_79, %parallel_loop3A_86 : vector<16xi32>
      %parallel_loop3A_88 = tpu.vector_load_idx %arg5[%parallel_loop3A_87] : memref<4900xf32, #tpu.memory_space<vmem>>[vector<16xi32>], vector<16xf32>,
      %parallel_loop3A_89 = arith.constant 49 : i32
      %parallel_loop3A_90 = vector.broadcast %parallel_loop3A_89 : i32 to vector<16xi32>
      %parallel_loop3A_91 = arith.muli %parallel_loop3A_84, %parallel_loop3A_90 : vector<16xi32>
      %parallel_loop3A_92 = tpu.vector_load_idx %arg5[%parallel_loop3A_91] : memref<4900xf32, #tpu.memory_space<vmem>>[vector<16xi32>], vector<16xf32>,
      %parallel_loop3A_93 = arith.constant 2.000000e+00 : f32
      %parallel_loop3A_94 = vector.broadcast %parallel_loop3A_93 : f32 to vector<16xf32>
      %parallel_loop3A_95 = arith.mulf %parallel_loop3A_94, %parallel_loop3A_88 : vector<16xf32>
      %parallel_loop3A_96 = arith.constant 1.000000e+00 : f32
      %parallel_loop3A_97 = vector.broadcast %parallel_loop3A_96 : f32 to vector<16xf32>
      %parallel_loop3A_98 = arith.subf %parallel_loop3A_95, %parallel_loop3A_97 : vector<16xf32>
      %parallel_loop3A_99 = arith.constant 2.000000e+00 : f32
      %parallel_loop3A_100 = vector.broadcast %parallel_loop3A_99 : f32 to vector<16xf32>
      %parallel_loop3A_101 = arith.mulf %parallel_loop3A_100, %parallel_loop3A_92 : vector<16xf32>
      %parallel_loop3A_102 = arith.constant 2.000000e+00 : f32
      %parallel_loop3A_103 = vector.broadcast %parallel_loop3A_102 : f32 to vector<16xf32>
      %parallel_loop3A_104 = arith.subf %parallel_loop3A_101, %parallel_loop3A_103 : vector<16xf32>
      %parallel_loop3A_105 = arith.mulf %parallel_loop3A_98, %parallel_loop3A_104 : vector<16xf32>
      %parallel_loop3A_106 = arith.index_cast %parallel_loop3A_77 : i32 to index
      %parallel_loop3A_107 = tpu.vector_load %arg7[%parallel_loop3A_106] {strides = array<i32>} : memref<9984xf32, #tpu.memory_space<vmem>>, vector<16xf32>,
      tpu.vector_store %arg7[%parallel_loop3A_106], %parallel_loop3A_105 {strides = array<i32>} : memref<9984xf32, #tpu.memory_space<vmem>>, vector<16xf32>,
    } {sc.loop_unroll_factor = 10 : i64, sc.parallel_access}
    %parallel_loop3A_7 = arith.constant 0 : i32
    %parallel_loop3A_8 = arith.constant 39 : i32
    %parallel_loop3A_9 = arith.constant 1 : i32
    scf.for %parallel_loop3A_75 = %parallel_loop3A_7 to %parallel_loop3A_8 step %parallel_loop3A_9  : i32 {
      %parallel_loop3A_76 = arith.constant 16 : i32
      %parallel_loop3A_77 = arith.muli %parallel_loop3A_75, %parallel_loop3A_76 : i32
      %parallel_loop3A_78 = arith.addi %mul3A_2, %parallel_loop3A_77 : i32
      %parallel_loop3A_79 = arith.index_cast %parallel_loop3A_78 : i32 to index
      %parallel_loop3A_80 = tpu.vector_load %arg6[%parallel_loop3A_79] {strides = array<i32>} : memref<9984xi32, #tpu.memory_space<vmem>>, vector<16xi32>,
      %parallel_loop3A_81 = arith.constant 16 : i32
      %parallel_loop3A_82 = arith.muli %parallel_loop3A_75, %parallel_loop3A_81 : i32
      %parallel_loop3A_83 = arith.addi %mul3A_2, %parallel_loop3A_82 : i32
      %parallel_loop3A_84 = vector.broadcast %parallel_loop3A_83 : i32 to vector<16xi32>
      %parallel_loop3A_85 = arith.addi %parallel_loop3A_84, %and3A_4 : vector<16xi32>
      %parallel_loop3A_86 = arith.constant 1 : i32
      %parallel_loop3A_87 = vector.broadcast %parallel_loop3A_86 : i32 to vector<16xi32>
      %parallel_loop3A_88 = arith.addi %parallel_loop3A_85, %parallel_loop3A_87 : vector<16xi32>
      %parallel_loop3A_89 = tpu.vector_load_idx %arg6[%parallel_loop3A_88] : memref<9984xi32, #tpu.memory_space<vmem>>[vector<16xi32>], vector<16xi32>,
      %parallel_loop3A_90 = arith.constant 49 : i32
      %parallel_loop3A_91 = vector.broadcast %parallel_loop3A_90 : i32 to vector<16xi32>
      %parallel_loop3A_92 = arith.muli %parallel_loop3A_80, %parallel_loop3A_91 : vector<16xi32>
      %parallel_loop3A_93 = tpu.vector_load_idx %arg5[%parallel_loop3A_92] : memref<4900xf32, #tpu.memory_space<vmem>>[vector<16xi32>], vector<16xf32>,
      %parallel_loop3A_94 = arith.constant 49 : i32
      %parallel_loop3A_95 = vector.broadcast %parallel_loop3A_94 : i32 to vector<16xi32>
      %parallel_loop3A_96 = arith.muli %parallel_loop3A_89, %parallel_loop3A_95 : vector<16xi32>
      %parallel_loop3A_97 = tpu.vector_load_idx %arg5[%parallel_loop3A_96] : memref<4900xf32, #tpu.memory_space<vmem>>[vector<16xi32>], vector<16xf32>,
      %parallel_loop3A_98 = arith.constant 2.000000e+00 : f32
      %parallel_loop3A_99 = vector.broadcast %parallel_loop3A_98 : f32 to vector<16xf32>
      %parallel_loop3A_100 = arith.mulf %parallel_loop3A_99, %parallel_loop3A_93 : vector<16xf32>
      %parallel_loop3A_101 = arith.constant 1.000000e+00 : f32
      %parallel_loop3A_102 = vector.broadcast %parallel_loop3A_101 : f32 to vector<16xf32>
      %parallel_loop3A_103 = arith.subf %parallel_loop3A_100, %parallel_loop3A_102 : vector<16xf32>
      %parallel_loop3A_104 = arith.constant 2.000000e+00 : f32
      %parallel_loop3A_105 = vector.broadcast %parallel_loop3A_104 : f32 to vector<16xf32>
      %parallel_loop3A_106 = arith.mulf %parallel_loop3A_105, %parallel_loop3A_97 : vector<16xf32>
      %parallel_loop3A_107 = arith.constant 2.000000e+00 : f32
      %parallel_loop3A_108 = vector.broadcast %parallel_loop3A_107 : f32 to vector<16xf32>
      %parallel_loop3A_109 = arith.subf %parallel_loop3A_106, %parallel_loop3A_108 : vector<16xf32>
      %parallel_loop3A_110 = arith.mulf %parallel_loop3A_103, %parallel_loop3A_109 : vector<16xf32>
      %parallel_loop3A_111 = arith.constant 16 : i32
      %parallel_loop3A_112 = arith.muli %parallel_loop3A_75, %parallel_loop3A_111 : i32
      %parallel_loop3A_113 = arith.index_cast %parallel_loop3A_112 : i32 to index
      %parallel_loop3A_114 = tpu.vector_load %arg8[%parallel_loop3A_113] {strides = array<i32>} : memref<624xf32, #tpu.memory_space<vmem>>, vector<16xf32>,
      tpu.vector_store %arg8[%parallel_loop3A_113], %parallel_loop3A_110 {strides = array<i32>} : memref<624xf32, #tpu.memory_space<vmem>>, vector<16xf32>,
    } {sc.loop_unroll_factor = 13 : i64, sc.parallel_access}
    %scan3A = arith.constant 0 : i32
    %scan3A_10 = arith.constant 0 : i32
    %scan3A_11 = arith.constant 24 : i32
    %scan3A_12 = arith.addi %scan3A_10, %scan3A_11 : i32
    %scan3A_13 = arith.constant 1 : i32
    scf.for %scan3A_75 = %scan3A_10 to %scan3A_12 step %scan3A_13  : i32 {
      %gt3A = arith.constant 0 : i32
      %gt3A_76 = arith.cmpi sgt, %scan3A_75, %gt3A : i32
      %convert_element_type3A = arith.extui %gt3A_76 : i1 to i32
      %cond3A = arith.constant 0 : i32
      %cond3A_77 = arith.cmpi ne, %convert_element_type3A, %cond3A : i32
      scf.if %cond3A_77 {
        %add3A_105 = arith.constant 0 : i32
        %add3A_106 = arith.addi %add3A_105, %mul3A_2 : i32
        %dma_wait3A_107 = tpu.memref_slice %arg16[%add3A_106] : memref<479232xf32, #tpu.memory_space<vmem_shared>> -> memref<624xf32, #tpu.memory_space<vmem_shared>>
        %dma_wait3A_108 = tpu.memref_slice %arg16[%add3A_106] : memref<479232xf32, #tpu.memory_space<vmem_shared>> -> memref<624xf32, #tpu.memory_space<vmem_shared>>
        tpu.wait_dma2 semaphore(%arg19 : memref<!tpu.dma_semaphore, #tpu.memory_space<semaphore_mem>>) src(%arg9 : memref<624xf32, #tpu.memory_space<vmem>>) dst(%dma_wait3A_108 : memref<624xf32, #tpu.memory_space<vmem_shared>>)
      } else {
      }
      %mul3A_78 = arith.constant 2 : i32
      %mul3A_79 = arith.muli %mul3A_78, %scan3A_75 : i32
      %parallel_loop3A_80 = arith.constant 0 : i32
      %parallel_loop3A_81 = arith.constant 39 : i32
      %parallel_loop3A_82 = arith.constant 1 : i32
      scf.for %parallel_loop3A_105 = %parallel_loop3A_80 to %parallel_loop3A_81 step %parallel_loop3A_82  : i32 {
        %parallel_loop3A_106 = arith.constant 16 : i32
        %parallel_loop3A_107 = arith.muli %parallel_loop3A_105, %parallel_loop3A_106 : i32
        %parallel_loop3A_108 = arith.addi %mul3A_2, %parallel_loop3A_107 : i32
        %parallel_loop3A_109 = arith.index_cast %parallel_loop3A_108 : i32 to index
        %parallel_loop3A_110 = tpu.vector_load %arg6[%parallel_loop3A_109] {strides = array<i32>} : memref<9984xi32, #tpu.memory_space<vmem>>, vector<16xi32>,
        %parallel_loop3A_111 = arith.constant 49 : i32
        %parallel_loop3A_112 = vector.broadcast %parallel_loop3A_111 : i32 to vector<16xi32>
        %parallel_loop3A_113 = arith.muli %parallel_loop3A_110, %parallel_loop3A_112 : vector<16xi32>
        %parallel_loop3A_114 = arith.constant 1 : i32
        %parallel_loop3A_115 = vector.broadcast %parallel_loop3A_114 : i32 to vector<16xi32>
        %parallel_loop3A_116 = arith.addi %parallel_loop3A_113, %parallel_loop3A_115 : vector<16xi32>
        %parallel_loop3A_117 = vector.broadcast %mul3A_79 : i32 to vector<16xi32>
        %parallel_loop3A_118 = arith.addi %parallel_loop3A_116, %parallel_loop3A_117 : vector<16xi32>
        %parallel_loop3A_119 = tpu.vector_load_idx %arg5[%parallel_loop3A_118] : memref<4900xf32, #tpu.memory_space<vmem>>[vector<16xi32>], vector<16xf32>,
        %parallel_loop3A_120 = arith.constant 16 : i32
        %parallel_loop3A_121 = arith.muli %parallel_loop3A_105, %parallel_loop3A_120 : i32
        %parallel_loop3A_122 = arith.index_cast %parallel_loop3A_121 : i32 to index
        %parallel_loop3A_123 = tpu.vector_load %arg8[%parallel_loop3A_122] {strides = array<i32>} : memref<624xf32, #tpu.memory_space<vmem>>, vector<16xf32>,
        %parallel_loop3A_124 = arith.mulf %parallel_loop3A_123, %parallel_loop3A_119 : vector<16xf32>
        %parallel_loop3A_125 = arith.constant 16 : i32
        %parallel_loop3A_126 = arith.muli %parallel_loop3A_105, %parallel_loop3A_125 : i32
        %parallel_loop3A_127 = arith.index_cast %parallel_loop3A_126 : i32 to index
        %parallel_loop3A_128 = tpu.vector_load %arg9[%parallel_loop3A_127] {strides = array<i32>} : memref<624xf32, #tpu.memory_space<vmem>>, vector<16xf32>,
        tpu.vector_store %arg9[%parallel_loop3A_127], %parallel_loop3A_124 {strides = array<i32>} : memref<624xf32, #tpu.memory_space<vmem>>, vector<16xf32>,
      } {sc.loop_unroll_factor = 13 : i64, sc.parallel_access}
      %mul3A_83 = arith.constant 9984 : i32
      %mul3A_84 = arith.muli %mul3A_79, %mul3A_83 : i32
      %add3A_85 = arith.addi %mul3A_84, %mul3A_2 : i32
      %dma_start3A_86 = tpu.memref_slice %arg16[%add3A_85] : memref<479232xf32, #tpu.memory_space<vmem_shared>> -> memref<624xf32, #tpu.memory_space<vmem_shared>>
      %dma_start3A_87 = tpu.memref_slice %arg16[%add3A_85] : memref<479232xf32, #tpu.memory_space<vmem_shared>> -> memref<624xf32, #tpu.memory_space<vmem_shared>>
      tpu.enqueue_dma source(%arg9 : memref<624xf32, #tpu.memory_space<vmem>>) target(%dma_start3A_87 : memref<624xf32, #tpu.memory_space<vmem_shared>>) target_semaphore(%arg19 : memref<!tpu.dma_semaphore, #tpu.memory_space<semaphore_mem>>)
      %gt3A_88 = arith.constant 0 : i32
      %gt3A_89 = arith.cmpi sgt, %scan3A_75, %gt3A_88 : i32
      %convert_element_type3A_90 = arith.extui %gt3A_89 : i1 to i32
      %cond3A_91 = arith.constant 0 : i32
      %cond3A_92 = arith.cmpi ne, %convert_element_type3A_90, %cond3A_91 : i32
      scf.if %cond3A_92 {
        %add3A_105 = arith.constant 0 : i32
        %add3A_106 = arith.addi %add3A_105, %mul3A_2 : i32
        %dma_wait3A_107 = tpu.memref_slice %arg16[%add3A_106] : memref<479232xf32, #tpu.memory_space<vmem_shared>> -> memref<624xf32, #tpu.memory_space<vmem_shared>>
        %dma_wait3A_108 = tpu.memref_slice %arg16[%add3A_106] : memref<479232xf32, #tpu.memory_space<vmem_shared>> -> memref<624xf32, #tpu.memory_space<vmem_shared>>
        tpu.wait_dma2 semaphore(%arg20 : memref<!tpu.dma_semaphore, #tpu.memory_space<semaphore_mem>>) src(%arg10 : memref<624xf32, #tpu.memory_space<vmem>>) dst(%dma_wait3A_108 : memref<624xf32, #tpu.memory_space<vmem_shared>>)
      } else {
      }
      %mul3A_93 = arith.constant 2 : i32
      %mul3A_94 = arith.muli %mul3A_93, %scan3A_75 : i32
      %add3A_95 = arith.constant 1 : i32
      %add3A_96 = arith.addi %mul3A_94, %add3A_95 : i32
      %parallel_loop3A_97 = arith.constant 0 : i32
      %parallel_loop3A_98 = arith.constant 39 : i32
      %parallel_loop3A_99 = arith.constant 1 : i32
      scf.for %parallel_loop3A_105 = %parallel_loop3A_97 to %parallel_loop3A_98 step %parallel_loop3A_99  : i32 {
        %parallel_loop3A_106 = arith.constant 16 : i32
        %parallel_loop3A_107 = arith.muli %parallel_loop3A_105, %parallel_loop3A_106 : i32
        %parallel_loop3A_108 = arith.addi %mul3A_2, %parallel_loop3A_107 : i32
        %parallel_loop3A_109 = arith.index_cast %parallel_loop3A_108 : i32 to index
        %parallel_loop3A_110 = tpu.vector_load %arg6[%parallel_loop3A_109] {strides = array<i32>} : memref<9984xi32, #tpu.memory_space<vmem>>, vector<16xi32>,
        %parallel_loop3A_111 = arith.constant 49 : i32
        %parallel_loop3A_112 = vector.broadcast %parallel_loop3A_111 : i32 to vector<16xi32>
        %parallel_loop3A_113 = arith.muli %parallel_loop3A_110, %parallel_loop3A_112 : vector<16xi32>
        %parallel_loop3A_114 = arith.constant 1 : i32
        %parallel_loop3A_115 = vector.broadcast %parallel_loop3A_114 : i32 to vector<16xi32>
        %parallel_loop3A_116 = arith.addi %parallel_loop3A_113, %parallel_loop3A_115 : vector<16xi32>
        %parallel_loop3A_117 = vector.broadcast %add3A_96 : i32 to vector<16xi32>
        %parallel_loop3A_118 = arith.addi %parallel_loop3A_116, %parallel_loop3A_117 : vector<16xi32>
        %parallel_loop3A_119 = tpu.vector_load_idx %arg5[%parallel_loop3A_118] : memref<4900xf32, #tpu.memory_space<vmem>>[vector<16xi32>], vector<16xf32>,
        %parallel_loop3A_120 = arith.constant 16 : i32
        %parallel_loop3A_121 = arith.muli %parallel_loop3A_105, %parallel_loop3A_120 : i32
        %parallel_loop3A_122 = arith.index_cast %parallel_loop3A_121 : i32 to index
        %parallel_loop3A_123 = tpu.vector_load %arg8[%parallel_loop3A_122] {strides = array<i32>} : memref<624xf32, #tpu.memory_space<vmem>>, vector<16xf32>,
        %parallel_loop3A_124 = arith.mulf %parallel_loop3A_123, %parallel_loop3A_119 : vector<16xf32>
        %parallel_loop3A_125 = arith.constant 16 : i32
        %parallel_loop3A_126 = arith.muli %parallel_loop3A_105, %parallel_loop3A_125 : i32
        %parallel_loop3A_127 = arith.index_cast %parallel_loop3A_126 : i32 to index
        %parallel_loop3A_128 = tpu.vector_load %arg10[%parallel_loop3A_127] {strides = array<i32>} : memref<624xf32, #tpu.memory_space<vmem>>, vector<16xf32>,
        tpu.vector_store %arg10[%parallel_loop3A_127], %parallel_loop3A_124 {strides = array<i32>} : memref<624xf32, #tpu.memory_space<vmem>>, vector<16xf32>,
      } {sc.loop_unroll_factor = 13 : i64, sc.parallel_access}
      %mul3A_100 = arith.constant 9984 : i32
      %mul3A_101 = arith.muli %add3A_96, %mul3A_100 : i32
      %add3A_102 = arith.addi %mul3A_101, %mul3A_2 : i32
      %dma_start3A_103 = tpu.memref_slice %arg16[%add3A_102] : memref<479232xf32, #tpu.memory_space<vmem_shared>> -> memref<624xf32, #tpu.memory_space<vmem_shared>>
      %dma_start3A_104 = tpu.memref_slice %arg16[%add3A_102] : memref<479232xf32, #tpu.memory_space<vmem_shared>> -> memref<624xf32, #tpu.memory_space<vmem_shared>>
      tpu.enqueue_dma source(%arg10 : memref<624xf32, #tpu.memory_space<vmem>>) target(%dma_start3A_104 : memref<624xf32, #tpu.memory_space<vmem_shared>>) target_semaphore(%arg20 : memref<!tpu.dma_semaphore, #tpu.memory_space<semaphore_mem>>)
    }
    %scan3A_14 = arith.constant 24 : i32
    %add3A_15 = arith.constant 0 : i32
    %add3A_16 = arith.addi %add3A_15, %mul3A_2 : i32
    %dma_wait3A = tpu.memref_slice %arg16[%add3A_16] : memref<479232xf32, #tpu.memory_space<vmem_shared>> -> memref<624xf32, #tpu.memory_space<vmem_shared>>
    %dma_wait3A_17 = tpu.memref_slice %arg16[%add3A_16] : memref<479232xf32, #tpu.memory_space<vmem_shared>> -> memref<624xf32, #tpu.memory_space<vmem_shared>>
    tpu.wait_dma2 semaphore(%arg19 : memref<!tpu.dma_semaphore, #tpu.memory_space<semaphore_mem>>) src(%arg9 : memref<624xf32, #tpu.memory_space<vmem>>) dst(%dma_wait3A_17 : memref<624xf32, #tpu.memory_space<vmem_shared>>)
    %add3A_18 = arith.constant 0 : i32
    %add3A_19 = arith.addi %add3A_18, %mul3A_2 : i32
    %dma_wait3A_20 = tpu.memref_slice %arg16[%add3A_19] : memref<479232xf32, #tpu.memory_space<vmem_shared>> -> memref<624xf32, #tpu.memory_space<vmem_shared>>
    %dma_wait3A_21 = tpu.memref_slice %arg16[%add3A_19] : memref<479232xf32, #tpu.memory_space<vmem_shared>> -> memref<624xf32, #tpu.memory_space<vmem_shared>>
    tpu.wait_dma2 semaphore(%arg20 : memref<!tpu.dma_semaphore, #tpu.memory_space<semaphore_mem>>) src(%arg10 : memref<624xf32, #tpu.memory_space<vmem>>) dst(%dma_wait3A_21 : memref<624xf32, #tpu.memory_space<vmem_shared>>)
    %barrier3A = arith.constant 0 : index
    tpu.barrier barrier_id(%barrier3A)
    %mul3A_22 = arith.constant 36 : i32
    %mul3A_23 = arith.muli %add3A, %mul3A_22 : i32
    %min3A = arith.constant 1092 : i32
    %min3A_24 = arith.minsi %mul3A_23, %min3A : i32
    %scan3A_25 = arith.constant 0 : i32
    %scan3A_26 = arith.constant 1 : i32
    %scan3A_27 = arith.constant 47 : i32
    %scan3A_28 = arith.addi %scan3A_26, %scan3A_27 : i32
    %scan3A_29 = arith.constant 1 : i32
    %scan3A_30 = scf.for %scan3A_75 = %scan3A_26 to %scan3A_28 step %scan3A_29 iter_args(%scan3A_76 = %scan3A_25) -> (i32)  : i32 {
      %sub3A_77 = arith.constant 95 : i32
      %sub3A_78 = arith.subi %sub3A_77, %scan3A_75 : i32
      %mul3A_79 = arith.muli %scan3A_75, %sub3A_78 : i32
      %shift_right_arithmetic3A_80 = arith.constant 1 : i32
      %shift_right_arithmetic3A_81 = arith.shrsi %mul3A_79, %shift_right_arithmetic3A_80 : i32
      %le3A = arith.cmpi sle, %shift_right_arithmetic3A_81, %min3A_24 : i32
      %jit3A = arith.constant 1 : i32
      %jit3A_82 = arith.constant 0 : i32
      %select_n3A = arith.select %le3A, %jit3A, %jit3A_82 : i32
      %add3A_83 = arith.addi %scan3A_76, %select_n3A : i32
      scf.yield %add3A_83 : i32
    }
    %scan3A_31 = arith.constant 47 : i32
    %sub3A = arith.constant 95 : i32
    %sub3A_32 = arith.subi %sub3A, %scan3A_30 : i32
    %mul3A_33 = arith.muli %scan3A_30, %sub3A_32 : i32
    %shift_right_arithmetic3A = arith.constant 1 : i32
    %shift_right_arithmetic3A_34 = arith.shrsi %mul3A_33, %shift_right_arithmetic3A : i32
    %sub3A_35 = arith.subi %min3A_24, %shift_right_arithmetic3A_34 : i32
    %add3A_36 = arith.addi %sub3A_35, %scan3A_30 : i32
    %add3A_37 = arith.constant 1 : i32
    %add3A_38 = arith.addi %add3A_36, %add3A_37 : i32
    %parallel_loop3A_39 = arith.constant 0 : i32
    %parallel_loop3A_40 = arith.constant 620 : i32
    %parallel_loop3A_41 = arith.constant 1 : i32
    scf.for %parallel_loop3A_75 = %parallel_loop3A_39 to %parallel_loop3A_40 step %parallel_loop3A_41  : i32 {
      %parallel_loop3A_76 = arith.constant 16 : i32
      %parallel_loop3A_77 = arith.muli %parallel_loop3A_75, %parallel_loop3A_76 : i32
      %parallel_loop3A_78 = arith.index_cast %parallel_loop3A_77 : i32 to index
      %parallel_loop3A_79 = tpu.vector_load %arg6[%parallel_loop3A_78] {strides = array<i32>} : memref<9984xi32, #tpu.memory_space<vmem>>, vector<16xi32>,
      %parallel_loop3A_80 = arith.constant 49 : i32
      %parallel_loop3A_81 = vector.broadcast %parallel_loop3A_80 : i32 to vector<16xi32>
      %parallel_loop3A_82 = arith.muli %parallel_loop3A_79, %parallel_loop3A_81 : vector<16xi32>
      %parallel_loop3A_83 = arith.constant 1 : i32
      %parallel_loop3A_84 = vector.broadcast %parallel_loop3A_83 : i32 to vector<16xi32>
      %parallel_loop3A_85 = arith.addi %parallel_loop3A_82, %parallel_loop3A_84 : vector<16xi32>
      %parallel_loop3A_86 = vector.broadcast %scan3A_30 : i32 to vector<16xi32>
      %parallel_loop3A_87 = arith.addi %parallel_loop3A_85, %parallel_loop3A_86 : vector<16xi32>
      %parallel_loop3A_88 = tpu.vector_load_idx %arg5[%parallel_loop3A_87] : memref<4900xf32, #tpu.memory_space<vmem>>[vector<16xi32>], vector<16xf32>,
      %parallel_loop3A_89 = arith.index_cast %parallel_loop3A_77 : i32 to index
      %parallel_loop3A_90 = tpu.vector_load %arg7[%parallel_loop3A_89] {strides = array<i32>} : memref<9984xf32, #tpu.memory_space<vmem>>, vector<16xf32>,
      %parallel_loop3A_91 = arith.mulf %parallel_loop3A_90, %parallel_loop3A_88 : vector<16xf32>
      %parallel_loop3A_92 = arith.index_cast %parallel_loop3A_77 : i32 to index
      %parallel_loop3A_93 = tpu.vector_load %arg11[%parallel_loop3A_92] {strides = array<i32>} : memref<9984xf32, #tpu.memory_space<vmem>>, vector<16xf32>,
      tpu.vector_store %arg11[%parallel_loop3A_92], %parallel_loop3A_91 {strides = array<i32>} : memref<9984xf32, #tpu.memory_space<vmem>>, vector<16xf32>,
    } {sc.loop_unroll_factor = 10 : i64, sc.parallel_access}
    %mul3A_42 = arith.constant 9984 : i32
    %mul3A_43 = arith.muli %add3A_38, %mul3A_42 : i32
    %dma_start3A = tpu.memref_slice %arg16[%mul3A_43] : memref<479232xf32, #tpu.memory_space<vmem_shared>> -> memref<9984xf32, #tpu.memory_space<vmem_shared>>
    %dma_start3A_44 = tpu.memref_slice %arg16[%mul3A_43] : memref<479232xf32, #tpu.memory_space<vmem_shared>> -> memref<9984xf32, #tpu.memory_space<vmem_shared>>
    tpu.enqueue_dma source(%dma_start3A_44 : memref<9984xf32, #tpu.memory_space<vmem_shared>>) target(%arg12 : memref<9984xf32, #tpu.memory_space<vmem>>) target_semaphore(%arg21 : memref<!tpu.dma_semaphore, #tpu.memory_space<semaphore_mem>>)
    %scan3A_45 = arith.constant 0 : i32
    %scan3A_46 = arith.constant 9 : i32
    %scan3A_47 = arith.addi %scan3A_45, %scan3A_46 : i32
    %scan3A_48 = arith.constant 1 : i32
    %scan3A_49:2 = scf.for %scan3A_75 = %scan3A_45 to %scan3A_47 step %scan3A_48 iter_args(%scan3A_76 = %scan3A_30, %scan3A_77 = %add3A_38) -> (i32, i32)  : i32 {
      %mul3A_78 = arith.constant 2 : i32
      %mul3A_79 = arith.muli %mul3A_78, %scan3A_75 : i32
      %add3A_80 = arith.constant 0 : i32
      %add3A_81 = arith.addi %mul3A_79, %add3A_80 : i32
      %ge3A = arith.constant 2 : i32
      %ge3A_82 = arith.cmpi sge, %add3A_81, %ge3A : i32
      %convert_element_type3A = arith.extui %ge3A_82 : i1 to i32
      %cond3A = arith.constant 0 : i32
      %cond3A_83 = arith.cmpi ne, %convert_element_type3A, %cond3A : i32
      scf.if %cond3A_83 {
        %sub3A_218 = arith.constant 2 : i32
        %sub3A_219 = arith.subi %add3A_81, %sub3A_218 : i32
        %mul3A_220 = arith.constant 2 : i32
        %mul3A_221 = arith.muli %mul3A_220, %sub3A_219 : i32
        %add3A_222 = arith.addi %min3A_24, %mul3A_221 : i32
        %mul3A_223 = arith.constant 9900 : i32
        %mul3A_224 = arith.muli %add3A_222, %mul3A_223 : i32
        %dma_wait3A_225 = arith.constant 0 : i32
        %dma_wait3A_226 = tpu.memref_slice %arg14[%dma_wait3A_225] : memref<19820xf32, #tpu.memory_space<vmem>> -> memref<19800xf32, #tpu.memory_space<vmem>>
        %dma_wait3A_227 = tpu.memref_slice %arg4[%mul3A_224] : memref<11167200xf32, #tpu.memory_space<hbm>> -> memref<19800xf32, #tpu.memory_space<hbm>>
        %dma_wait3A_228 = tpu.memref_slice %arg4[%mul3A_224] : memref<11167200xf32, #tpu.memory_space<hbm>> -> memref<19800xf32, #tpu.memory_space<hbm>>
        %dma_wait3A_229 = arith.constant 0 : i32
        %dma_wait3A_230 = tpu.memref_slice %arg14[%dma_wait3A_229] : memref<19820xf32, #tpu.memory_space<vmem>> -> memref<19800xf32, #tpu.memory_space<vmem>>
        tpu.wait_dma2 semaphore(%arg17 : memref<!tpu.dma_semaphore, #tpu.memory_space<semaphore_mem>>) src(%dma_wait3A_230 : memref<19800xf32, #tpu.memory_space<vmem>>) dst(%dma_wait3A_228 : memref<19800xf32, #tpu.memory_space<hbm>>)
      } else {
      }
      %mul3A_84 = arith.constant 9984 : i32
      %mul3A_85 = arith.muli %scan3A_77, %mul3A_84 : i32
      %dma_wait3A_86 = tpu.memref_slice %arg16[%mul3A_85] : memref<479232xf32, #tpu.memory_space<vmem_shared>> -> memref<9984xf32, #tpu.memory_space<vmem_shared>>
      %dma_wait3A_87 = tpu.memref_slice %arg16[%mul3A_85] : memref<479232xf32, #tpu.memory_space<vmem_shared>> -> memref<9984xf32, #tpu.memory_space<vmem_shared>>
      tpu.wait_dma2 semaphore(%arg21 : memref<!tpu.dma_semaphore, #tpu.memory_space<semaphore_mem>>) src(%dma_wait3A_87 : memref<9984xf32, #tpu.memory_space<vmem_shared>>) dst(%arg12 : memref<9984xf32, #tpu.memory_space<vmem>>)
      %add3A_88 = arith.constant 1 : i32
      %add3A_89 = arith.addi %scan3A_77, %add3A_88 : i32
      %ge3A_90 = arith.constant 48 : i32
      %ge3A_91 = arith.cmpi sge, %add3A_89, %ge3A_90 : i32
      %add3A_92 = arith.constant 1 : i32
      %add3A_93 = arith.addi %scan3A_76, %add3A_92 : i32
      %select_n3A = arith.select %ge3A_91, %add3A_93, %scan3A_76 : i32
      %add3A_94 = arith.constant 1 : i32
      %add3A_95 = arith.addi %select_n3A, %add3A_94 : i32
      %select_n3A_96 = arith.select %ge3A_91, %add3A_95, %add3A_89 : i32
      %min3A_97 = arith.constant 47 : i32
      %min3A_98 = arith.minsi %select_n3A_96, %min3A_97 : i32
      %mul3A_99 = arith.constant 9984 : i32
      %mul3A_100 = arith.muli %min3A_98, %mul3A_99 : i32
      %dma_start3A_101 = tpu.memref_slice %arg16[%mul3A_100] : memref<479232xf32, #tpu.memory_space<vmem_shared>> -> memref<9984xf32, #tpu.memory_space<vmem_shared>>
      %dma_start3A_102 = tpu.memref_slice %arg16[%mul3A_100] : memref<479232xf32, #tpu.memory_space<vmem_shared>> -> memref<9984xf32, #tpu.memory_space<vmem_shared>>
      tpu.enqueue_dma source(%dma_start3A_102 : memref<9984xf32, #tpu.memory_space<vmem_shared>>) target(%arg13 : memref<9984xf32, #tpu.memory_space<vmem>>) target_semaphore(%arg22 : memref<!tpu.dma_semaphore, #tpu.memory_space<semaphore_mem>>)
      %parallel_loop3A_103 = arith.constant 0 : i32
      %parallel_loop3A_104 = arith.constant 620 : i32
      %parallel_loop3A_105 = arith.constant 1 : i32
      scf.for %parallel_loop3A_218 = %parallel_loop3A_103 to %parallel_loop3A_104 step %parallel_loop3A_105  : i32 {
        %parallel_loop3A_219 = arith.constant 16 : i32
        %parallel_loop3A_220 = arith.muli %parallel_loop3A_218, %parallel_loop3A_219 : i32
        %parallel_loop3A_221 = arith.index_cast %parallel_loop3A_220 : i32 to index
        %parallel_loop3A_222 = tpu.vector_load %arg11[%parallel_loop3A_221] {strides = array<i32>} : memref<9984xf32, #tpu.memory_space<vmem>>, vector<16xf32>,
        %parallel_loop3A_223 = arith.index_cast %parallel_loop3A_220 : i32 to index
        %parallel_loop3A_224 = tpu.vector_load %arg12[%parallel_loop3A_223] {strides = array<i32>} : memref<9984xf32, #tpu.memory_space<vmem>>, vector<16xf32>,
        %parallel_loop3A_225 = arith.addf %parallel_loop3A_222, %parallel_loop3A_224 : vector<16xf32>
        %parallel_loop3A_226 = arith.constant 16 : i32
        %parallel_loop3A_227 = arith.muli %parallel_loop3A_218, %parallel_loop3A_226 : i32
        %parallel_loop3A_228 = arith.constant 0 : i32
        %parallel_loop3A_229 = arith.addi %parallel_loop3A_228, %parallel_loop3A_227 : i32
        %parallel_loop3A_230 = arith.index_cast %parallel_loop3A_229 : i32 to index
        %parallel_loop3A_231 = tpu.vector_load %arg14[%parallel_loop3A_230] {strides = array<i32>} : memref<19820xf32, #tpu.memory_space<vmem>>, vector<16xf32>,
        tpu.vector_store %arg14[%parallel_loop3A_230], %parallel_loop3A_225 {strides = array<i32>} : memref<19820xf32, #tpu.memory_space<vmem>>, vector<16xf32>,
      } {sc.loop_unroll_factor = 10 : i64, sc.parallel_access}
      %convert_element_type3A_106 = arith.extui %ge3A_91 : i1 to i32
      %cond3A_107 = arith.constant 0 : i32
      %cond3A_108 = arith.cmpi ne, %convert_element_type3A_106, %cond3A_107 : i32
      scf.if %cond3A_108 {
        %parallel_loop3A_218 = arith.constant 0 : i32
        %parallel_loop3A_219 = arith.constant 620 : i32
        %parallel_loop3A_220 = arith.constant 1 : i32
        scf.for %parallel_loop3A_221 = %parallel_loop3A_218 to %parallel_loop3A_219 step %parallel_loop3A_220  : i32 {
          %parallel_loop3A_222 = arith.constant 16 : i32
          %parallel_loop3A_223 = arith.muli %parallel_loop3A_221, %parallel_loop3A_222 : i32
          %parallel_loop3A_224 = arith.index_cast %parallel_loop3A_223 : i32 to index
          %parallel_loop3A_225 = tpu.vector_load %arg6[%parallel_loop3A_224] {strides = array<i32>} : memref<9984xi32, #tpu.memory_space<vmem>>, vector<16xi32>,
          %parallel_loop3A_226 = arith.constant 49 : i32
          %parallel_loop3A_227 = vector.broadcast %parallel_loop3A_226 : i32 to vector<16xi32>
          %parallel_loop3A_228 = arith.muli %parallel_loop3A_225, %parallel_loop3A_227 : vector<16xi32>
          %parallel_loop3A_229 = arith.constant 1 : i32
          %parallel_loop3A_230 = vector.broadcast %parallel_loop3A_229 : i32 to vector<16xi32>
          %parallel_loop3A_231 = arith.addi %parallel_loop3A_228, %parallel_loop3A_230 : vector<16xi32>
          %parallel_loop3A_232 = vector.broadcast %select_n3A : i32 to vector<16xi32>
          %parallel_loop3A_233 = arith.addi %parallel_loop3A_231, %parallel_loop3A_232 : vector<16xi32>
          %parallel_loop3A_234 = tpu.vector_load_idx %arg5[%parallel_loop3A_233] : memref<4900xf32, #tpu.memory_space<vmem>>[vector<16xi32>], vector<16xf32>,
          %parallel_loop3A_235 = arith.index_cast %parallel_loop3A_223 : i32 to index
          %parallel_loop3A_236 = tpu.vector_load %arg7[%parallel_loop3A_235] {strides = array<i32>} : memref<9984xf32, #tpu.memory_space<vmem>>, vector<16xf32>,
          %parallel_loop3A_237 = arith.mulf %parallel_loop3A_236, %parallel_loop3A_234 : vector<16xf32>
          %parallel_loop3A_238 = arith.index_cast %parallel_loop3A_223 : i32 to index
          %parallel_loop3A_239 = tpu.vector_load %arg11[%parallel_loop3A_238] {strides = array<i32>} : memref<9984xf32, #tpu.memory_space<vmem>>, vector<16xf32>,
          tpu.vector_store %arg11[%parallel_loop3A_238], %parallel_loop3A_237 {strides = array<i32>} : memref<9984xf32, #tpu.memory_space<vmem>>, vector<16xf32>,
        } {sc.loop_unroll_factor = 10 : i64, sc.parallel_access}
      } else {
      }
      %mul3A_109 = arith.constant 9984 : i32
      %mul3A_110 = arith.muli %select_n3A_96, %mul3A_109 : i32
      %dma_wait3A_111 = tpu.memref_slice %arg16[%mul3A_110] : memref<479232xf32, #tpu.memory_space<vmem_shared>> -> memref<9984xf32, #tpu.memory_space<vmem_shared>>
      %dma_wait3A_112 = tpu.memref_slice %arg16[%mul3A_110] : memref<479232xf32, #tpu.memory_space<vmem_shared>> -> memref<9984xf32, #tpu.memory_space<vmem_shared>>
      tpu.wait_dma2 semaphore(%arg22 : memref<!tpu.dma_semaphore, #tpu.memory_space<semaphore_mem>>) src(%dma_wait3A_112 : memref<9984xf32, #tpu.memory_space<vmem_shared>>) dst(%arg13 : memref<9984xf32, #tpu.memory_space<vmem>>)
      %add3A_113 = arith.constant 1 : i32
      %add3A_114 = arith.addi %select_n3A_96, %add3A_113 : i32
      %ge3A_115 = arith.constant 48 : i32
      %ge3A_116 = arith.cmpi sge, %add3A_114, %ge3A_115 : i32
      %add3A_117 = arith.constant 1 : i32
      %add3A_118 = arith.addi %select_n3A, %add3A_117 : i32
      %select_n3A_119 = arith.select %ge3A_116, %add3A_118, %select_n3A : i32
      %add3A_120 = arith.constant 1 : i32
      %add3A_121 = arith.addi %select_n3A_119, %add3A_120 : i32
      %select_n3A_122 = arith.select %ge3A_116, %add3A_121, %add3A_114 : i32
      %min3A_123 = arith.constant 47 : i32
      %min3A_124 = arith.minsi %select_n3A_122, %min3A_123 : i32
      %mul3A_125 = arith.constant 9984 : i32
      %mul3A_126 = arith.muli %min3A_124, %mul3A_125 : i32
      %dma_start3A_127 = tpu.memref_slice %arg16[%mul3A_126] : memref<479232xf32, #tpu.memory_space<vmem_shared>> -> memref<9984xf32, #tpu.memory_space<vmem_shared>>
      %dma_start3A_128 = tpu.memref_slice %arg16[%mul3A_126] : memref<479232xf32, #tpu.memory_space<vmem_shared>> -> memref<9984xf32, #tpu.memory_space<vmem_shared>>
      tpu.enqueue_dma source(%dma_start3A_128 : memref<9984xf32, #tpu.memory_space<vmem_shared>>) target(%arg12 : memref<9984xf32, #tpu.memory_space<vmem>>) target_semaphore(%arg21 : memref<!tpu.dma_semaphore, #tpu.memory_space<semaphore_mem>>)
      %parallel_loop3A_129 = arith.constant 0 : i32
      %parallel_loop3A_130 = arith.constant 620 : i32
      %parallel_loop3A_131 = arith.constant 1 : i32
      scf.for %parallel_loop3A_218 = %parallel_loop3A_129 to %parallel_loop3A_130 step %parallel_loop3A_131  : i32 {
        %parallel_loop3A_219 = arith.constant 16 : i32
        %parallel_loop3A_220 = arith.muli %parallel_loop3A_218, %parallel_loop3A_219 : i32
        %parallel_loop3A_221 = arith.index_cast %parallel_loop3A_220 : i32 to index
        %parallel_loop3A_222 = tpu.vector_load %arg11[%parallel_loop3A_221] {strides = array<i32>} : memref<9984xf32, #tpu.memory_space<vmem>>, vector<16xf32>,
        %parallel_loop3A_223 = arith.index_cast %parallel_loop3A_220 : i32 to index
        %parallel_loop3A_224 = tpu.vector_load %arg13[%parallel_loop3A_223] {strides = array<i32>} : memref<9984xf32, #tpu.memory_space<vmem>>, vector<16xf32>,
        %parallel_loop3A_225 = arith.addf %parallel_loop3A_222, %parallel_loop3A_224 : vector<16xf32>
        %parallel_loop3A_226 = arith.constant 16 : i32
        %parallel_loop3A_227 = arith.muli %parallel_loop3A_218, %parallel_loop3A_226 : i32
        %parallel_loop3A_228 = arith.constant 9900 : i32
        %parallel_loop3A_229 = arith.addi %parallel_loop3A_228, %parallel_loop3A_227 : i32
        %parallel_loop3A_230 = arith.index_cast %parallel_loop3A_229 : i32 to index
        %parallel_loop3A_231 = tpu.vector_load %arg14[%parallel_loop3A_230] {strides = array<i32>} : memref<19820xf32, #tpu.memory_space<vmem>>, vector<16xf32>,
        tpu.vector_store %arg14[%parallel_loop3A_230], %parallel_loop3A_225 {strides = array<i32>} : memref<19820xf32, #tpu.memory_space<vmem>>, vector<16xf32>,
      } {sc.loop_unroll_factor = 10 : i64, sc.parallel_access}
      %convert_element_type3A_132 = arith.extui %ge3A_116 : i1 to i32
      %cond3A_133 = arith.constant 0 : i32
      %cond3A_134 = arith.cmpi ne, %convert_element_type3A_132, %cond3A_133 : i32
      scf.if %cond3A_134 {
        %parallel_loop3A_218 = arith.constant 0 : i32
        %parallel_loop3A_219 = arith.constant 620 : i32
        %parallel_loop3A_220 = arith.constant 1 : i32
        scf.for %parallel_loop3A_221 = %parallel_loop3A_218 to %parallel_loop3A_219 step %parallel_loop3A_220  : i32 {
          %parallel_loop3A_222 = arith.constant 16 : i32
          %parallel_loop3A_223 = arith.muli %parallel_loop3A_221, %parallel_loop3A_222 : i32
          %parallel_loop3A_224 = arith.index_cast %parallel_loop3A_223 : i32 to index
          %parallel_loop3A_225 = tpu.vector_load %arg6[%parallel_loop3A_224] {strides = array<i32>} : memref<9984xi32, #tpu.memory_space<vmem>>, vector<16xi32>,
          %parallel_loop3A_226 = arith.constant 49 : i32
          %parallel_loop3A_227 = vector.broadcast %parallel_loop3A_226 : i32 to vector<16xi32>
          %parallel_loop3A_228 = arith.muli %parallel_loop3A_225, %parallel_loop3A_227 : vector<16xi32>
          %parallel_loop3A_229 = arith.constant 1 : i32
          %parallel_loop3A_230 = vector.broadcast %parallel_loop3A_229 : i32 to vector<16xi32>
          %parallel_loop3A_231 = arith.addi %parallel_loop3A_228, %parallel_loop3A_230 : vector<16xi32>
          %parallel_loop3A_232 = vector.broadcast %select_n3A_119 : i32 to vector<16xi32>
          %parallel_loop3A_233 = arith.addi %parallel_loop3A_231, %parallel_loop3A_232 : vector<16xi32>
          %parallel_loop3A_234 = tpu.vector_load_idx %arg5[%parallel_loop3A_233] : memref<4900xf32, #tpu.memory_space<vmem>>[vector<16xi32>], vector<16xf32>,
          %parallel_loop3A_235 = arith.index_cast %parallel_loop3A_223 : i32 to index
          %parallel_loop3A_236 = tpu.vector_load %arg7[%parallel_loop3A_235] {strides = array<i32>} : memref<9984xf32, #tpu.memory_space<vmem>>, vector<16xf32>,
          %parallel_loop3A_237 = arith.mulf %parallel_loop3A_236, %parallel_loop3A_234 : vector<16xf32>
          %parallel_loop3A_238 = arith.index_cast %parallel_loop3A_223 : i32 to index
          %parallel_loop3A_239 = tpu.vector_load %arg11[%parallel_loop3A_238] {strides = array<i32>} : memref<9984xf32, #tpu.memory_space<vmem>>, vector<16xf32>,
          tpu.vector_store %arg11[%parallel_loop3A_238], %parallel_loop3A_237 {strides = array<i32>} : memref<9984xf32, #tpu.memory_space<vmem>>, vector<16xf32>,
        } {sc.loop_unroll_factor = 10 : i64, sc.parallel_access}
      } else {
      }
      %mul3A_135 = arith.constant 2 : i32
      %mul3A_136 = arith.muli %mul3A_135, %add3A_81 : i32
      %add3A_137 = arith.addi %min3A_24, %mul3A_136 : i32
      %mul3A_138 = arith.constant 9900 : i32
      %mul3A_139 = arith.muli %add3A_137, %mul3A_138 : i32
      %dma_start3A_140 = arith.constant 0 : i32
      %dma_start3A_141 = tpu.memref_slice %arg14[%dma_start3A_140] : memref<19820xf32, #tpu.memory_space<vmem>> -> memref<19800xf32, #tpu.memory_space<vmem>>
      %dma_start3A_142 = tpu.memref_slice %arg4[%mul3A_139] : memref<11167200xf32, #tpu.memory_space<hbm>> -> memref<19800xf32, #tpu.memory_space<hbm>>
      %dma_start3A_143 = tpu.memref_slice %arg4[%mul3A_139] : memref<11167200xf32, #tpu.memory_space<hbm>> -> memref<19800xf32, #tpu.memory_space<hbm>>
      %dma_start3A_144 = arith.constant 0 : i32
      %dma_start3A_145 = tpu.memref_slice %arg14[%dma_start3A_144] : memref<19820xf32, #tpu.memory_space<vmem>> -> memref<19800xf32, #tpu.memory_space<vmem>>
      tpu.enqueue_dma source(%dma_start3A_145 : memref<19800xf32, #tpu.memory_space<vmem>>) target(%dma_start3A_143 : memref<19800xf32, #tpu.memory_space<hbm>>) target_semaphore(%arg17 : memref<!tpu.dma_semaphore, #tpu.memory_space<semaphore_mem>>)
      %mul3A_146 = arith.constant 2 : i32
      %mul3A_147 = arith.muli %mul3A_146, %scan3A_75 : i32
      %add3A_148 = arith.constant 1 : i32
      %add3A_149 = arith.addi %mul3A_147, %add3A_148 : i32
      %ge3A_150 = arith.constant 2 : i32
      %ge3A_151 = arith.cmpi sge, %add3A_149, %ge3A_150 : i32
      %convert_element_type3A_152 = arith.extui %ge3A_151 : i1 to i32
      %cond3A_153 = arith.constant 0 : i32
      %cond3A_154 = arith.cmpi ne, %convert_element_type3A_152, %cond3A_153 : i32
      scf.if %cond3A_154 {
        %sub3A_218 = arith.constant 2 : i32
        %sub3A_219 = arith.subi %add3A_149, %sub3A_218 : i32
        %mul3A_220 = arith.constant 2 : i32
        %mul3A_221 = arith.muli %mul3A_220, %sub3A_219 : i32
        %add3A_222 = arith.addi %min3A_24, %mul3A_221 : i32
        %mul3A_223 = arith.constant 9900 : i32
        %mul3A_224 = arith.muli %add3A_222, %mul3A_223 : i32
        %dma_wait3A_225 = arith.constant 0 : i32
        %dma_wait3A_226 = tpu.memref_slice %arg15[%dma_wait3A_225] : memref<19820xf32, #tpu.memory_space<vmem>> -> memref<19800xf32, #tpu.memory_space<vmem>>
        %dma_wait3A_227 = tpu.memref_slice %arg4[%mul3A_224] : memref<11167200xf32, #tpu.memory_space<hbm>> -> memref<19800xf32, #tpu.memory_space<hbm>>
        %dma_wait3A_228 = tpu.memref_slice %arg4[%mul3A_224] : memref<11167200xf32, #tpu.memory_space<hbm>> -> memref<19800xf32, #tpu.memory_space<hbm>>
        %dma_wait3A_229 = arith.constant 0 : i32
        %dma_wait3A_230 = tpu.memref_slice %arg15[%dma_wait3A_229] : memref<19820xf32, #tpu.memory_space<vmem>> -> memref<19800xf32, #tpu.memory_space<vmem>>
        tpu.wait_dma2 semaphore(%arg18 : memref<!tpu.dma_semaphore, #tpu.memory_space<semaphore_mem>>) src(%dma_wait3A_230 : memref<19800xf32, #tpu.memory_space<vmem>>) dst(%dma_wait3A_228 : memref<19800xf32, #tpu.memory_space<hbm>>)
      } else {
      }
      %mul3A_155 = arith.constant 9984 : i32
      %mul3A_156 = arith.muli %select_n3A_122, %mul3A_155 : i32
      %dma_wait3A_157 = tpu.memref_slice %arg16[%mul3A_156] : memref<479232xf32, #tpu.memory_space<vmem_shared>> -> memref<9984xf32, #tpu.memory_space<vmem_shared>>
      %dma_wait3A_158 = tpu.memref_slice %arg16[%mul3A_156] : memref<479232xf32, #tpu.memory_space<vmem_shared>> -> memref<9984xf32, #tpu.memory_space<vmem_shared>>
      tpu.wait_dma2 semaphore(%arg21 : memref<!tpu.dma_semaphore, #tpu.memory_space<semaphore_mem>>) src(%dma_wait3A_158 : memref<9984xf32, #tpu.memory_space<vmem_shared>>) dst(%arg12 : memref<9984xf32, #tpu.memory_space<vmem>>)
      %add3A_159 = arith.constant 1 : i32
      %add3A_160 = arith.addi %select_n3A_122, %add3A_159 : i32
      %ge3A_161 = arith.constant 48 : i32
      %ge3A_162 = arith.cmpi sge, %add3A_160, %ge3A_161 : i32
      %add3A_163 = arith.constant 1 : i32
      %add3A_164 = arith.addi %select_n3A_119, %add3A_163 : i32
      %select_n3A_165 = arith.select %ge3A_162, %add3A_164, %select_n3A_119 : i32
      %add3A_166 = arith.constant 1 : i32
      %add3A_167 = arith.addi %select_n3A_165, %add3A_166 : i32
      %select_n3A_168 = arith.select %ge3A_162, %add3A_167, %add3A_160 : i32
      %min3A_169 = arith.constant 47 : i32
      %min3A_170 = arith.minsi %select_n3A_168, %min3A_169 : i32
      %mul3A_171 = arith.constant 9984 : i32
      %mul3A_172 = arith.muli %min3A_170, %mul3A_171 : i32
      %dma_start3A_173 = tpu.memref_slice %arg16[%mul3A_172] : memref<479232xf32, #tpu.memory_space<vmem_shared>> -> memref<9984xf32, #tpu.memory_space<vmem_shared>>
      %dma_start3A_174 = tpu.memref_slice %arg16[%mul3A_172] : memref<479232xf32, #tpu.memory_space<vmem_shared>> -> memref<9984xf32, #tpu.memory_space<vmem_shared>>
      tpu.enqueue_dma source(%dma_start3A_174 : memref<9984xf32, #tpu.memory_space<vmem_shared>>) target(%arg13 : memref<9984xf32, #tpu.memory_space<vmem>>) target_semaphore(%arg22 : memref<!tpu.dma_semaphore, #tpu.memory_space<semaphore_mem>>)
      %parallel_loop3A_175 = arith.constant 0 : i32
      %parallel_loop3A_176 = arith.constant 620 : i32
      %parallel_loop3A_177 = arith.constant 1 : i32
      scf.for %parallel_loop3A_218 = %parallel_loop3A_175 to %parallel_loop3A_176 step %parallel_loop3A_177  : i32 {
        %parallel_loop3A_219 = arith.constant 16 : i32
        %parallel_loop3A_220 = arith.muli %parallel_loop3A_218, %parallel_loop3A_219 : i32
        %parallel_loop3A_221 = arith.index_cast %parallel_loop3A_220 : i32 to index
        %parallel_loop3A_222 = tpu.vector_load %arg11[%parallel_loop3A_221] {strides = array<i32>} : memref<9984xf32, #tpu.memory_space<vmem>>, vector<16xf32>,
        %parallel_loop3A_223 = arith.index_cast %parallel_loop3A_220 : i32 to index
        %parallel_loop3A_224 = tpu.vector_load %arg12[%parallel_loop3A_223] {strides = array<i32>} : memref<9984xf32, #tpu.memory_space<vmem>>, vector<16xf32>,
        %parallel_loop3A_225 = arith.addf %parallel_loop3A_222, %parallel_loop3A_224 : vector<16xf32>
        %parallel_loop3A_226 = arith.constant 16 : i32
        %parallel_loop3A_227 = arith.muli %parallel_loop3A_218, %parallel_loop3A_226 : i32
        %parallel_loop3A_228 = arith.constant 0 : i32
        %parallel_loop3A_229 = arith.addi %parallel_loop3A_228, %parallel_loop3A_227 : i32
        %parallel_loop3A_230 = arith.index_cast %parallel_loop3A_229 : i32 to index
        %parallel_loop3A_231 = tpu.vector_load %arg15[%parallel_loop3A_230] {strides = array<i32>} : memref<19820xf32, #tpu.memory_space<vmem>>, vector<16xf32>,
        tpu.vector_store %arg15[%parallel_loop3A_230], %parallel_loop3A_225 {strides = array<i32>} : memref<19820xf32, #tpu.memory_space<vmem>>, vector<16xf32>,
      } {sc.loop_unroll_factor = 10 : i64, sc.parallel_access}
      %convert_element_type3A_178 = arith.extui %ge3A_162 : i1 to i32
      %cond3A_179 = arith.constant 0 : i32
      %cond3A_180 = arith.cmpi ne, %convert_element_type3A_178, %cond3A_179 : i32
      scf.if %cond3A_180 {
        %parallel_loop3A_218 = arith.constant 0 : i32
        %parallel_loop3A_219 = arith.constant 620 : i32
        %parallel_loop3A_220 = arith.constant 1 : i32
        scf.for %parallel_loop3A_221 = %parallel_loop3A_218 to %parallel_loop3A_219 step %parallel_loop3A_220  : i32 {
          %parallel_loop3A_222 = arith.constant 16 : i32
          %parallel_loop3A_223 = arith.muli %parallel_loop3A_221, %parallel_loop3A_222 : i32
          %parallel_loop3A_224 = arith.index_cast %parallel_loop3A_223 : i32 to index
          %parallel_loop3A_225 = tpu.vector_load %arg6[%parallel_loop3A_224] {strides = array<i32>} : memref<9984xi32, #tpu.memory_space<vmem>>, vector<16xi32>,
          %parallel_loop3A_226 = arith.constant 49 : i32
          %parallel_loop3A_227 = vector.broadcast %parallel_loop3A_226 : i32 to vector<16xi32>
          %parallel_loop3A_228 = arith.muli %parallel_loop3A_225, %parallel_loop3A_227 : vector<16xi32>
          %parallel_loop3A_229 = arith.constant 1 : i32
          %parallel_loop3A_230 = vector.broadcast %parallel_loop3A_229 : i32 to vector<16xi32>
          %parallel_loop3A_231 = arith.addi %parallel_loop3A_228, %parallel_loop3A_230 : vector<16xi32>
          %parallel_loop3A_232 = vector.broadcast %select_n3A_165 : i32 to vector<16xi32>
          %parallel_loop3A_233 = arith.addi %parallel_loop3A_231, %parallel_loop3A_232 : vector<16xi32>
          %parallel_loop3A_234 = tpu.vector_load_idx %arg5[%parallel_loop3A_233] : memref<4900xf32, #tpu.memory_space<vmem>>[vector<16xi32>], vector<16xf32>,
          %parallel_loop3A_235 = arith.index_cast %parallel_loop3A_223 : i32 to index
          %parallel_loop3A_236 = tpu.vector_load %arg7[%parallel_loop3A_235] {strides = array<i32>} : memref<9984xf32, #tpu.memory_space<vmem>>, vector<16xf32>,
          %parallel_loop3A_237 = arith.mulf %parallel_loop3A_236, %parallel_loop3A_234 : vector<16xf32>
          %parallel_loop3A_238 = arith.index_cast %parallel_loop3A_223 : i32 to index
          %parallel_loop3A_239 = tpu.vector_load %arg11[%parallel_loop3A_238] {strides = array<i32>} : memref<9984xf32, #tpu.memory_space<vmem>>, vector<16xf32>,
          tpu.vector_store %arg11[%parallel_loop3A_238], %parallel_loop3A_237 {strides = array<i32>} : memref<9984xf32, #tpu.memory_space<vmem>>, vector<16xf32>,
        } {sc.loop_unroll_factor = 10 : i64, sc.parallel_access}
      } else {
      }
      %mul3A_181 = arith.constant 9984 : i32
      %mul3A_182 = arith.muli %select_n3A_168, %mul3A_181 : i32
      %dma_wait3A_183 = tpu.memref_slice %arg16[%mul3A_182] : memref<479232xf32, #tpu.memory_space<vmem_shared>> -> memref<9984xf32, #tpu.memory_space<vmem_shared>>
      %dma_wait3A_184 = tpu.memref_slice %arg16[%mul3A_182] : memref<479232xf32, #tpu.memory_space<vmem_shared>> -> memref<9984xf32, #tpu.memory_space<vmem_shared>>
      tpu.wait_dma2 semaphore(%arg22 : memref<!tpu.dma_semaphore, #tpu.memory_space<semaphore_mem>>) src(%dma_wait3A_184 : memref<9984xf32, #tpu.memory_space<vmem_shared>>) dst(%arg13 : memref<9984xf32, #tpu.memory_space<vmem>>)
      %add3A_185 = arith.constant 1 : i32
      %add3A_186 = arith.addi %select_n3A_168, %add3A_185 : i32
      %ge3A_187 = arith.constant 48 : i32
      %ge3A_188 = arith.cmpi sge, %add3A_186, %ge3A_187 : i32
      %add3A_189 = arith.constant 1 : i32
      %add3A_190 = arith.addi %select_n3A_165, %add3A_189 : i32
      %select_n3A_191 = arith.select %ge3A_188, %add3A_190, %select_n3A_165 : i32
      %add3A_192 = arith.constant 1 : i32
      %add3A_193 = arith.addi %select_n3A_191, %add3A_192 : i32
      %select_n3A_194 = arith.select %ge3A_188, %add3A_193, %add3A_186 : i32
      %min3A_195 = arith.constant 47 : i32
      %min3A_196 = arith.minsi %select_n3A_194, %min3A_195 : i32
      %mul3A_197 = arith.constant 9984 : i32
      %mul3A_198 = arith.muli %min3A_196, %mul3A_197 : i32
      %dma_start3A_199 = tpu.memref_slice %arg16[%mul3A_198] : memref<479232xf32, #tpu.memory_space<vmem_shared>> -> memref<9984xf32, #tpu.memory_space<vmem_shared>>
      %dma_start3A_200 = tpu.memref_slice %arg16[%mul3A_198] : memref<479232xf32, #tpu.memory_space<vmem_shared>> -> memref<9984xf32, #tpu.memory_space<vmem_shared>>
      tpu.enqueue_dma source(%dma_start3A_200 : memref<9984xf32, #tpu.memory_space<vmem_shared>>) target(%arg12 : memref<9984xf32, #tpu.memory_space<vmem>>) target_semaphore(%arg21 : memref<!tpu.dma_semaphore, #tpu.memory_space<semaphore_mem>>)
      %parallel_loop3A_201 = arith.constant 0 : i32
      %parallel_loop3A_202 = arith.constant 620 : i32
      %parallel_loop3A_203 = arith.constant 1 : i32
      scf.for %parallel_loop3A_218 = %parallel_loop3A_201 to %parallel_loop3A_202 step %parallel_loop3A_203  : i32 {
        %parallel_loop3A_219 = arith.constant 16 : i32
        %parallel_loop3A_220 = arith.muli %parallel_loop3A_218, %parallel_loop3A_219 : i32
        %parallel_loop3A_221 = arith.index_cast %parallel_loop3A_220 : i32 to index
        %parallel_loop3A_222 = tpu.vector_load %arg11[%parallel_loop3A_221] {strides = array<i32>} : memref<9984xf32, #tpu.memory_space<vmem>>, vector<16xf32>,
        %parallel_loop3A_223 = arith.index_cast %parallel_loop3A_220 : i32 to index
        %parallel_loop3A_224 = tpu.vector_load %arg13[%parallel_loop3A_223] {strides = array<i32>} : memref<9984xf32, #tpu.memory_space<vmem>>, vector<16xf32>,
        %parallel_loop3A_225 = arith.addf %parallel_loop3A_222, %parallel_loop3A_224 : vector<16xf32>
        %parallel_loop3A_226 = arith.constant 16 : i32
        %parallel_loop3A_227 = arith.muli %parallel_loop3A_218, %parallel_loop3A_226 : i32
        %parallel_loop3A_228 = arith.constant 9900 : i32
        %parallel_loop3A_229 = arith.addi %parallel_loop3A_228, %parallel_loop3A_227 : i32
        %parallel_loop3A_230 = arith.index_cast %parallel_loop3A_229 : i32 to index
        %parallel_loop3A_231 = tpu.vector_load %arg15[%parallel_loop3A_230] {strides = array<i32>} : memref<19820xf32, #tpu.memory_space<vmem>>, vector<16xf32>,
        tpu.vector_store %arg15[%parallel_loop3A_230], %parallel_loop3A_225 {strides = array<i32>} : memref<19820xf32, #tpu.memory_space<vmem>>, vector<16xf32>,
      } {sc.loop_unroll_factor = 10 : i64, sc.parallel_access}
      %convert_element_type3A_204 = arith.extui %ge3A_188 : i1 to i32
      %cond3A_205 = arith.constant 0 : i32
      %cond3A_206 = arith.cmpi ne, %convert_element_type3A_204, %cond3A_205 : i32
      scf.if %cond3A_206 {
        %parallel_loop3A_218 = arith.constant 0 : i32
        %parallel_loop3A_219 = arith.constant 620 : i32
        %parallel_loop3A_220 = arith.constant 1 : i32
        scf.for %parallel_loop3A_221 = %parallel_loop3A_218 to %parallel_loop3A_219 step %parallel_loop3A_220  : i32 {
          %parallel_loop3A_222 = arith.constant 16 : i32
          %parallel_loop3A_223 = arith.muli %parallel_loop3A_221, %parallel_loop3A_222 : i32
          %parallel_loop3A_224 = arith.index_cast %parallel_loop3A_223 : i32 to index
          %parallel_loop3A_225 = tpu.vector_load %arg6[%parallel_loop3A_224] {strides = array<i32>} : memref<9984xi32, #tpu.memory_space<vmem>>, vector<16xi32>,
          %parallel_loop3A_226 = arith.constant 49 : i32
          %parallel_loop3A_227 = vector.broadcast %parallel_loop3A_226 : i32 to vector<16xi32>
          %parallel_loop3A_228 = arith.muli %parallel_loop3A_225, %parallel_loop3A_227 : vector<16xi32>
          %parallel_loop3A_229 = arith.constant 1 : i32
          %parallel_loop3A_230 = vector.broadcast %parallel_loop3A_229 : i32 to vector<16xi32>
          %parallel_loop3A_231 = arith.addi %parallel_loop3A_228, %parallel_loop3A_230 : vector<16xi32>
          %parallel_loop3A_232 = vector.broadcast %select_n3A_191 : i32 to vector<16xi32>
          %parallel_loop3A_233 = arith.addi %parallel_loop3A_231, %parallel_loop3A_232 : vector<16xi32>
          %parallel_loop3A_234 = tpu.vector_load_idx %arg5[%parallel_loop3A_233] : memref<4900xf32, #tpu.memory_space<vmem>>[vector<16xi32>], vector<16xf32>,
          %parallel_loop3A_235 = arith.index_cast %parallel_loop3A_223 : i32 to index
          %parallel_loop3A_236 = tpu.vector_load %arg7[%parallel_loop3A_235] {strides = array<i32>} : memref<9984xf32, #tpu.memory_space<vmem>>, vector<16xf32>,
          %parallel_loop3A_237 = arith.mulf %parallel_loop3A_236, %parallel_loop3A_234 : vector<16xf32>
          %parallel_loop3A_238 = arith.index_cast %parallel_loop3A_223 : i32 to index
          %parallel_loop3A_239 = tpu.vector_load %arg11[%parallel_loop3A_238] {strides = array<i32>} : memref<9984xf32, #tpu.memory_space<vmem>>, vector<16xf32>,
          tpu.vector_store %arg11[%parallel_loop3A_238], %parallel_loop3A_237 {strides = array<i32>} : memref<9984xf32, #tpu.memory_space<vmem>>, vector<16xf32>,
        } {sc.loop_unroll_factor = 10 : i64, sc.parallel_access}
      } else {
      }
      %mul3A_207 = arith.constant 2 : i32
      %mul3A_208 = arith.muli %mul3A_207, %add3A_149 : i32
      %add3A_209 = arith.addi %min3A_24, %mul3A_208 : i32
      %mul3A_210 = arith.constant 9900 : i32
      %mul3A_211 = arith.muli %add3A_209, %mul3A_210 : i32
      %dma_start3A_212 = arith.constant 0 : i32
      %dma_start3A_213 = tpu.memref_slice %arg15[%dma_start3A_212] : memref<19820xf32, #tpu.memory_space<vmem>> -> memref<19800xf32, #tpu.memory_space<vmem>>
      %dma_start3A_214 = tpu.memref_slice %arg4[%mul3A_211] : memref<11167200xf32, #tpu.memory_space<hbm>> -> memref<19800xf32, #tpu.memory_space<hbm>>
      %dma_start3A_215 = tpu.memref_slice %arg4[%mul3A_211] : memref<11167200xf32, #tpu.memory_space<hbm>> -> memref<19800xf32, #tpu.memory_space<hbm>>
      %dma_start3A_216 = arith.constant 0 : i32
      %dma_start3A_217 = tpu.memref_slice %arg15[%dma_start3A_216] : memref<19820xf32, #tpu.memory_space<vmem>> -> memref<19800xf32, #tpu.memory_space<vmem>>
      tpu.enqueue_dma source(%dma_start3A_217 : memref<19800xf32, #tpu.memory_space<vmem>>) target(%dma_start3A_215 : memref<19800xf32, #tpu.memory_space<hbm>>) target_semaphore(%arg18 : memref<!tpu.dma_semaphore, #tpu.memory_space<semaphore_mem>>)
      scf.yield %select_n3A_191, %select_n3A_194 : i32, i32
    }
    %scan3A_50 = arith.constant 9 : i32
    %add3A_51 = arith.constant 32 : i32
    %add3A_52 = arith.addi %min3A_24, %add3A_51 : i32
    %mul3A_53 = arith.constant 9900 : i32
    %mul3A_54 = arith.muli %add3A_52, %mul3A_53 : i32
    %dma_wait3A_55 = arith.constant 0 : i32
    %dma_wait3A_56 = tpu.memref_slice %arg14[%dma_wait3A_55] : memref<19820xf32, #tpu.memory_space<vmem>> -> memref<19800xf32, #tpu.memory_space<vmem>>
    %dma_wait3A_57 = tpu.memref_slice %arg4[%mul3A_54] : memref<11167200xf32, #tpu.memory_space<hbm>> -> memref<19800xf32, #tpu.memory_space<hbm>>
    %dma_wait3A_58 = tpu.memref_slice %arg4[%mul3A_54] : memref<11167200xf32, #tpu.memory_space<hbm>> -> memref<19800xf32, #tpu.memory_space<hbm>>
    %dma_wait3A_59 = arith.constant 0 : i32
    %dma_wait3A_60 = tpu.memref_slice %arg14[%dma_wait3A_59] : memref<19820xf32, #tpu.memory_space<vmem>> -> memref<19800xf32, #tpu.memory_space<vmem>>
    tpu.wait_dma2 semaphore(%arg17 : memref<!tpu.dma_semaphore, #tpu.memory_space<semaphore_mem>>) src(%dma_wait3A_60 : memref<19800xf32, #tpu.memory_space<vmem>>) dst(%dma_wait3A_58 : memref<19800xf32, #tpu.memory_space<hbm>>)
    %add3A_61 = arith.constant 34 : i32
    %add3A_62 = arith.addi %min3A_24, %add3A_61 : i32
    %mul3A_63 = arith.constant 9900 : i32
    %mul3A_64 = arith.muli %add3A_62, %mul3A_63 : i32
    %dma_wait3A_65 = arith.constant 0 : i32
    %dma_wait3A_66 = tpu.memref_slice %arg15[%dma_wait3A_65] : memref<19820xf32, #tpu.memory_space<vmem>> -> memref<19800xf32, #tpu.memory_space<vmem>>
    %dma_wait3A_67 = tpu.memref_slice %arg4[%mul3A_64] : memref<11167200xf32, #tpu.memory_space<hbm>> -> memref<19800xf32, #tpu.memory_space<hbm>>
    %dma_wait3A_68 = tpu.memref_slice %arg4[%mul3A_64] : memref<11167200xf32, #tpu.memory_space<hbm>> -> memref<19800xf32, #tpu.memory_space<hbm>>
    %dma_wait3A_69 = arith.constant 0 : i32
    %dma_wait3A_70 = tpu.memref_slice %arg15[%dma_wait3A_69] : memref<19820xf32, #tpu.memory_space<vmem>> -> memref<19800xf32, #tpu.memory_space<vmem>>
    tpu.wait_dma2 semaphore(%arg18 : memref<!tpu.dma_semaphore, #tpu.memory_space<semaphore_mem>>) src(%dma_wait3A_70 : memref<19800xf32, #tpu.memory_space<vmem>>) dst(%dma_wait3A_68 : memref<19800xf32, #tpu.memory_space<hbm>>)
    %dma_wait3A_71 = arith.constant 0 : i32
    %dma_wait3A_72 = tpu.memref_slice %arg16[%dma_wait3A_71] : memref<479232xf32, #tpu.memory_space<vmem_shared>> -> memref<9984xf32, #tpu.memory_space<vmem_shared>>
    %dma_wait3A_73 = arith.constant 0 : i32
    %dma_wait3A_74 = tpu.memref_slice %arg16[%dma_wait3A_73] : memref<479232xf32, #tpu.memory_space<vmem_shared>> -> memref<9984xf32, #tpu.memory_space<vmem_shared>>
    tpu.wait_dma2 semaphore(%arg21 : memref<!tpu.dma_semaphore, #tpu.memory_space<semaphore_mem>>) src(%dma_wait3A_74 : memref<9984xf32, #tpu.memory_space<vmem_shared>>) dst(%arg12 : memref<9984xf32, #tpu.memory_space<vmem>>)
    return
  }
}

</mosaic_0001>

<sc_bundles>
// kernel: kernel.3.cloned.1.call-start
scs
__scs_entry_jumppad:
0x0: {  	(pc) =	sbr.rel $0x88, $3  }
0x1: {  	(tag) =	ssettag $0x0;
	lr =	simm.s32 $0x1  }
0x2: {  	[smem:$0x3FA0] =	sst lr;
	_ =	strace $0xD0000000  }
0x3: {  	_ = 	snop  }
0x4: {  	_ = 	snop  }
0x5: {  	_ = 	snop  }
0x6: {  	_ = 	snop  }
0x7: {  	_ = 	snop  }
__scs_overlays_trampoline_lowered:
0x8: {  	[smem:$0x3FAF] =	sst s0  }
0x9: {  	[smem:$0x3FB0] =	sst s1  }
0xa: {  	[smem:$0x3FB1] =	sst s2  }
0xb: {  	[smem:$0x3FB2] =	sst s3  }
0xc: {  	[smem:$0x3FB3] =	sst s4  }
0xd: {  	[smem:$0x3FB4] =	sst s5  }
0xe: {  	[smem:$0x3FB5] =	sst s6  }
0xf: {  	[smem:$0x3FB6] =	sst s7  }
0x10: {  	[smem:$0x3FB7] =	sst s8  }
0x11: {  	[smem:$0x3FB8] =	sst s9;
	s0 =	simm.s32 @!p0 $0x0  }
0x12: {  	s1 =	sld [smem:$0x3F9E];
	s0 =	simm.s32 @p0 $0x1  }
0x13: {  	[smem:$0x3FB9] =	sst s0;
	s0 =	simm.s32 @!p1 $0x0  }
0x14: {  	s2 =	sld [smem:$0x3F9D];
	s0 =	simm.s32 @p1 $0x1  }
0x15: {  	[smem:$0x3FBA] =	sst s0;
	s0 =	simm.s32 @!p2 $0x0  }
0x16: {  	s3 =	sld [smem:$0x3FDB];
	s0 =	simm.s32 @p2 $0x1  }
0x17: {  	s4 =	simm.s32 $0x1BF5;
	[smem:$0x3FBC] =	sst s0  }
0x18: {  	s0 =	sld [smem:$0x3F9F];
	_ =	swait.ge [sflag:s4], $0x0  }
0x19: {  	s7 =	sld [smem:$0x3FA0]  }
0x1a: {  	s8 =	sadd.s32 $0xFFFFE003, lr  }
0x1b: {  	s9 =	sadd.s32 $0xFFFFFEF7, lr;
	s5 =	simm.s32 $0xFFFFFFFF;
	p2 =	slt.u32 s8, $0xFFFFF086  }
0x1c: {  	p1 =	slt.u32 s9, $0xF7A;
	s5 =	simm.s32 @!p2 $0x0  }
0x1d: {  	s5 =	simm.s32 @p1 $0x1;
	p0 =	seq.s32 s7, s2  }
0x1e: {  	s7 =	smul.u32 @!p0 $0xF7A, s2;
	p2 =	seq.s32 @!p0 s5, $0x0  }
0x1f: {  	s9 =	smul.u32 $0xF7A, s1;
	s8 =	simm.s32 @!p0 $0x1BF5;
	p2 =	por !p2, p0  }
0x20: {  	[sflag:s8] =	ssyncset.s32 @!p0 $0xFFFFF086;
	s6 =	sadd.s32 @!p0 s3, s7;
	s7 =	simm.s32 @!p0 $0x108  }
0x21: {  	s3 =	sadd.s32 s3, s9;
	s6 =	sadd.s32 @!p0 $0x88, s6;
	s7 =	simm.s32 @p2 $0x1082  }
0x22: {  	[simem:s7], [sflag:s8] =	dma.local @!p0 [hbm:s6], $0xF7A  }
0x23: {  	s9 =	sor.u32 $0xD0000000, s2;
	s6 =	simm.s32 $0x108;
	_ =	swait.ge @!p0 [sflag:s8], $0x0  }
0x24: {  	s3 =	sadd.s32 $0x88, s3;
	s6 =	simm.s32 @!p1 $0x1082;
	[sflag:s4] =	ssyncset.s32 $0xFFFFF086  }
0x25: {  	[simem:s6], [sflag:s4] =	dma.local [hbm:s3], $0xF7A  }
0x26: {  	[smem:$0x3FA0] =	sst s1;
	(tag) =	ssettag s2;
	_ =	strace s9  }
0x27: {  	s1 =	sld [smem:$0x3FB0]  }
0x28: {  	s2 =	sld [smem:$0x3FB1]  }
0x29: {  	s4 =	sld [smem:$0x3FB3]  }
0x2a: {  	p0 =	seq.s32 s5, $0x0;
	s5 =	sld [smem:$0x3FB4]  }
0x2b: {  	s6 =	sld [smem:$0x3FB5]  }
0x2c: {  	s7 =	sld [smem:$0x3FB6]  }
0x2d: {  	s3 =	simm.s32 $0x108;
	s8 =	sld [smem:$0x3FB7]  }
0x2e: {  	s3 =	simm.s32 @!p0 $0x1082;
	s9 =	sld [smem:$0x3FB8]  }
0x2f: {  	lr =	sadd.s32 s0, s3;
	s0 =	sld [smem:$0x3FAF]  }
0x30: {  	s3 =	sld [smem:$0x3FB2]  }
0x31: {  	[smem:$0x3FBB] =	sst s10  }
0x32: {  	s10 =	sld [smem:$0x3FB9];
	_ =	sdelay $0x3  }
0x33: {  	p0 =	seq.s32 s10, $0x1;
	s10 =	sld [smem:$0x3FBB];
	_ =	sdelay $0x3  }
0x34: {  	[smem:$0x3FBB] =	sst s10  }
0x35: {  	s10 =	sld [smem:$0x3FBA];
	_ =	sdelay $0x3  }
0x36: {  	p1 =	seq.s32 s10, $0x1;
	s10 =	sld [smem:$0x3FBB];
	_ =	sdelay $0x3  }
0x37: {  	[smem:$0x3FBB] =	sst s10  }
0x38: {  	s10 =	sld [smem:$0x3FBC]  }
0x39: {  	_ = 	snop;
	(pc) =	sbr.ind lr, $3  }
0x3a: {  	_ = 	snop  }
0x3b: {  	_ = 	snop  }
0x3c: {  	p2 =	seq.s32 s10, $0x1;
	s10 =	sld [smem:$0x3FBB]  }
0x3d: {  	_ =	shalt  }
0x3e: {  	_ =	shalt  }
0x3f: {  	_ =	shalt  }
0x40: {  	_ =	shalt  }
0x41: {  	_ =	shalt  }
0x42: {  	_ =	shalt  }
0x43: {  	_ =	shalt  }
0x44: {  	_ =	shalt  }
0x45: {  	_ =	shalt  }
0x46: {  	_ =	shalt  }
0x47: {  	_ =	shalt  }
0x48: {  	_ =	shalt  }
0x49: {  	_ =	shalt  }
0x4a: {  	_ =	shalt  }
0x4b: {  	_ =	shalt  }
0x4c: {  	_ =	shalt  }
0x4d: {  	_ =	shalt  }
0x4e: {  	_ =	shalt  }
0x4f: {  	_ =	shalt  }
0x50: {  	_ =	shalt  }
0x51: {  	_ =	shalt  }
0x52: {  	_ =	shalt  }
0x53: {  	_ =	shalt  }
0x54: {  	_ =	shalt  }
0x55: {  	_ =	shalt  }
0x56: {  	_ =	shalt  }
0x57: {  	_ =	shalt  }
0x58: {  	_ =	shalt  }
0x59: {  	_ =	shalt  }
0x5a: {  	_ =	shalt  }
0x5b: {  	_ =	shalt  }
0x5c: {  	_ =	shalt  }
0x5d: {  	_ =	shalt  }
0x5e: {  	_ =	shalt  }
0x5f: {  	_ =	shalt  }
0x60: {  	_ =	shalt  }
0x61: {  	_ =	shalt  }
0x62: {  	_ =	shalt  }
0x63: {  	_ =	shalt  }
0x64: {  	_ =	shalt  }
0x65: {  	_ =	shalt  }
0x66: {  	_ =	shalt  }
0x67: {  	_ =	shalt  }
0x68: {  	_ =	shalt  }
0x69: {  	_ =	shalt  }
0x6a: {  	_ =	shalt  }
0x6b: {  	_ =	shalt  }
0x6c: {  	_ =	shalt  }
0x6d: {  	_ =	shalt  }
0x6e: {  	_ =	shalt  }
0x6f: {  	_ =	shalt  }
0x70: {  	_ =	shalt  }
0x71: {  	_ =	shalt  }
0x72: {  	_ =	shalt  }
0x73: {  	_ =	shalt  }
0x74: {  	_ =	shalt  }
0x75: {  	_ =	shalt  }
0x76: {  	_ =	shalt  }
0x77: {  	_ =	shalt  }
0x78: {  	_ =	shalt  }
0x79: {  	_ =	shalt  }
0x7a: {  	_ =	shalt  }
0x7b: {  	_ =	shalt  }
0x7c: {  	_ =	shalt  }
0x7d: {  	_ =	shalt  }
0x7e: {  	_ =	shalt  }
0x7f: {  	_ =	shalt  }
0x80: {  	_ =	shalt  }
0x81: {  	_ =	shalt  }
0x82: {  	_ =	shalt  }
0x83: {  	_ =	shalt  }
0x84: {  	_ =	shalt  }
0x85: {  	_ =	shalt  }
0x86: {  	_ =	shalt  }
0x87: {  	_ =	shalt  }
.Lfunc_end0:
.L_simem_size_0:
called_computation_lowered:
.L_overlay_start_0:
0x88: {  	s2 =	sld [smem:$0x3FD9]  }
0x89: {  	s3 =	sld [smem:$0x3FFE];
	_ =	sdelay $0x1  }
0x8a: {  	s1 =	srdreg.scid  }
0x8b: {  	s0 =	sand.u32 $0x1, s1  }
0x8c: {  	s14 =	sshll.u32 s0, $0xA;
	s2 =	sadd.s32 s3, s2  }
0x8d: {  	s2 =	sadd.s32 s2, s14  }
0x8e: {  	[smem:$0x3FC7] =	sst s2  }
0x8f: {  	_ = 	snop  }
0x90: {  	s2 =	sld [smem:$0x3FD0];
	_ =	sdelay $0x2  }
0x91: {  	s15 =	simm.s32 $0xA;
	s4 =	simm.s32 $0x10  }
0x92: {  	[smem:s4], [sflag:s15] =	dma.local [hbm:s2], $0x1  }
0x93: {  	_ =	swait.eq [sflag:s15], $0x1  }
0x94: {  	[sflag:s15] =	ssyncset.done $0x0  }
0x95: {  	s16 =	sld [smem:$0x10];
	[sflag:s15] =	ssyncadd.s32 $0xFFFFFFFF  }
0x96: {  	s17 =	sld [smem:$0x11];
	(tm) =	ssettm $0x1  }
0x97: {  	s18 =	sld [smem:$0x3FFB];
	_ =	sdelay $0x3  }
0x98: {  	_ =	strace s18  }
0x99: {  	s4 =	sld [smem:$0x3FFC];
	_ =	sdelay $0x3  }
0x9a: {  	_ =	strace s4  }
0x9b: {  	s4 =	sld [smem:$0x3FFD];
	_ =	sdelay $0x3  }
0x9c: {  	_ =	strace s4  }
0x9d: {  	_ =	strace $0x8FFFFFFF  }
0x9e: {  	s19 =	sld [smem:$0x3FDB];
	_ =	sdelay $0x1  }
0x9f: {  	s5 =	simm.s32 $_scs_section_size  }
0xa0: {  	s6 =	simm.s32 $_size__tile_overlayer_lowered;
	s7 =	simm.s32 $_tile_overlayer_lowered  }
0xa1: {  	s22 =	simm.s32 $0x1BFF;
	s21 =	sshll.u32 s7, $0x1;
	s4 =	sadd.s32 s5, s19  }
0xa2: {  	s8 =	simm.s32 $0x0;
	s20 =	sshll.u32 s6, $0x1;
	s6 =	sadd.s32 s21, s4  }
0xa3: {  	[timem:s8], [sflag:s22] =	dma.local [hbm:s6], s20  }
0xa4: {  	_ =	swait.ge [sflag:s22], s20  }
0xa5: {  	s5 =	ssub.s32 $0x0, s20;
	[sflag:s22] =	ssyncset.done $0x0  }
0xa6: {  	[sflag:s22] =	ssyncadd.s32 s5;
	_ =	sdelay $0x1  }
0xa7: {  	s23 =	simm.s32 $0x1B8B  }
0xa8: {  	_ =	swait.ge [sflag:s23], $0x1  }
0xa9: {  	[sflag:s23] =	ssyncset.done $0x0  }
0xaa: {  	s25 =	simm.s32 $0x1B8E;
	s24 =	sld [smem:$0x3FFE];
	[sflag:s23] =	ssyncadd.s32 $0xFFFFFFFF  }
0xab: {  	s26 =	simm.s32 $execute0_lowered;
	[smem:$0x3FD2] =	sst s25  }
0xac: {  	s6 =	sshll.u32 s26, $0x1;
	_ =	strace $0x80000046;
	[dreg:$0x1] =	wrdreg $0xFFFFFFFF  }
0xad: {  	s28 =	simm.s32 $_size_execute0_lowered;
	s4 =	sadd.s32 s4, s6;
	[dreg:$0x0] =	wrdreg $0x0  }
0xae: {  	s6 =	sshll.u32 s28, $0x1;
	[dreg:$0x2] =	wrdreg s4  }
0xaf: {  	[dreg:$0x3] =	wrdreg s6  }
0xb0: {  	[dreg:$0x4] =	wrdreg $0xC0  }
0xb1: {  	_ =	task [dreg:s8], $0x5FFFF  }
0xb2: {  	[dreg:$0x1] =	wrdreg $0xFFFFFFFF  }
0xb3: {  	[dreg:$0x0] =	wrdreg $0x60  }
0xb4: {  	[dreg:$0x2] =	wrdreg s24  }
0xb5: {  	[dreg:$0x3] =	wrdreg s16  }
0xb6: {  	[dreg:$0x4] =	wrdreg s17  }
0xb7: {  	[dreg:$0x5] =	wrdreg $0x179000  }
0xb8: {  	[dreg:$0x6] =	wrdreg $0x9  }
0xb9: {  	_ =	task.clear_ibuf [dreg:s8], $0x7FFFF;
	_ =	strace $0x90000046  }
0xba: {  	s29 =	simm.s32 $0x9;
	_ =	strace $0x80000048  }
0xbb: {  	_ =	swait.ge [sflag:s29], $0x1  }
0xbc: {  	[sflag:s29] =	ssyncadd.s32 $0xFFFFFFFF  }
0xbd: {  	_ =	strace $0x90000048  }
0xbe: {  	_ =	sfence  }
0xbf: {  	s30 =	sld [smem:$0x0];
	_ =	sdelay $0x2  }
0xc0: {  	s31 =	sshll.u32 s1, $0xD;
	s1 =	sshrl.u32 s1, $0x2  }
0xc1: {  	s3 =	sand.u32 $0x4000, s31;
	s1 =	sadd.s32 s1, s30  }
0xc2: {  	s0 =	sor.u32 s3, s0;
	s1 =	sshll.u32 s1, $0x11  }
0xc3: {  	s0 =	sor.u32 s1, s0  }
0xc4: {  	s0 =	sadd.s32 $0x8F2B, s0  }
0xc5: {  	[sflag:s0] =	ssyncadd.remote.s32 $0x1  }
0xc6: {  	_ =	sfence.sel $0xFFFF  }
0xc7: {  	[dreg:$0x0] =	wrdreg $0xFFFFFFFF;
	(pc) =	sbr.abs _section_cstart, $3  }
0xc8: {  	[dreg:$0x1] =	wrdreg $0xFFFFFFFF  }
0xc9: {  	_ =	task.clear_ibuf [dreg:s8], $0x2FFFF;
	_ =	strace $0x9FFFFFFF  }
0xca: {  	(tm) =	ssettm $0x7FFFFFFF  }
0xcb: {  	_ =	shalt  }
tec
execute0_lowered:
.L_overlay_start_1:
0x0: {  	(tag) =	ssettag $0x1  }
0x1: {  	s0 =	rddreg [dreg:$0x0]  }
0x2: {  	s3 =	rddreg [dreg:$0x2]  }
0x3: {  	s4 =	rddreg [dreg:$0x3]  }
0x4: {  	s1 =	srdreg.scid;
	s8 =	stileid.u32;
	s5 =	simm.s32 $0x0  }
0x5: {  	s15 =	simm.s32 $0x1380;
	s16 =	simm.s32 $0x6400;
	s17 =	simm.s32 $0x6680  }
0x6: {  	s21 =	simm.s32 $0x9000;
	s22 =	simm.s32 $0x5;
	s23 =	simm.s32 $0xB700  }
0x7: {  	s24 =	simm.s32 $0x6;
	s25 =	simm.s32 $0xDE00;
	s26 =	simm.s32 $0x12B80  }
0x8: {  	s1 =	sand.u32 $0x1, s1;
	s2 =	sshll.u32 s8, $0x1;
	s6 =	smul.u32 $0x270, s8  }
0x9: {  	[smem:$0x7FF] =	sst s5;
	s10 =	smul.u32 $0x9C0, s8;
	s2 =	sor.u32 s1, s2  }
0xa: {  	s0 =	sadd.s32 $0x400, s0;
	s1 =	ssub.s32 $0x2, s1;
	s2 =	smul.u32 $0x24, s2  }
.Ltmp0:
0xb: {  	v0 =	vlaneseq.u32;
	_ =	strace $0x80000047;
	s7 =	sshrl.u32 s1, $0x1;
	(pc) =	sbr.rel .LBB2_1-.Ltmp0, $4  }
0xc: {  	v0 =	vshrl.u32 v0, $0x1;
	[dreg:$0x5] =	wrdreg s0;
	s9 =	sadd.s32 s6, s4;
	s29 =	ssub.s32 s1, s7  }
0xd: {  	v0 =	vmul.u32 $0x2, v0;
	s31 =	sshrl.u32 s10, $0x2;
	s8 =	smin.u32 s2, $0x444;
	s0 =	smax.u32 s29, $0x1  }
0xe: {  	s13 =	sadd.s32 $0x13E0, s31;
	s30 =	sor.u32 $0x1, s8;
	[dreg:$0x7] =	wrdreg s0  }
0xf: {  	v1 =	vor.u32 $0x1, v0;
	s1 =	simm.s32 $0x0;
	s11 =	sor.u32 $0x2, s8;
	[dreg:$0x6] =	wrdreg s30  }
.LBB2_41:
0x10: {  	s0 =	simm.s32 $0x1  }
0x11: {  	_ =	swait.ge [sflag:s0], $0x4D58  }
0x12: {  	[sflag:s0] =	ssyncset.done $0x0  }
0x13: {  	s30 =	simm.s32 $0x2;
	[sflag:s0] =	ssyncadd.s32 $0xFFFFB2A8  }
0x14: {  	_ =	swait.ge [sflag:s30], $0x4D58  }
0x15: {  	[sflag:s30] =	ssyncset.done $0x0  }
0x16: {  	[sflag:s30] =	ssyncadd.s32 $0xFFFFB2A8  }
0x17: {  	_ =	swait.ge [sflag:s22], $0x2700  }
0x18: {  	s1 =	rddreg [dreg:$0x8]  }
0x19: {  	s31 =	rddreg [dreg:$0x7];
	s1 =	sadd.s32 $0x1, s1  }
0x1a: {  	p0 =	sne.s32 s1, s31  }
.Ltmp1:
0x1b: {  	_ = 	snop;
	(pc) =	sbr.rel @!p0 .LBB2_42-.Ltmp1, $3  }
0x1c: {  	_ =	sdelay $0x1  }
0x1d: {  	[sflag:s22] =	ssyncset.done $0x0  }
0x1e: {  	[sflag:s22] =	ssyncadd.s32 $0xFFFFD900  }
.LBB2_1:
0x1f: {  	[dreg:$0x8] =	wrdreg s1  }
0x20: {  	s0 =	rddreg [dreg:$0x5];
	s12 =	simm.s32 $0x7  }
0x21: {  	[tilespmem:s5], [sflag:$0x7] =	stream.linear.gather [hbm4b:s0+s5], $0x1380, $0x38;
	[tilespmem:$0x1EE00] =	vst v63  }
0x22: {  	_ =	swait.ge [sflag:s12], $0x1380  }
0x23: {  	[sflag:s12] =	ssyncset.done $0x0  }
0x24: {  	[sflag:s12] =	ssyncadd.s32 $0xFFFFEC80  }
0x25: {  	s14 =	rddreg [dreg:$0x1]  }
0x26: {  	[tilespmem:s15], [sflag:$0x7] =	stream.linear.gather [hbm4b:s14+s5], $0x2700, $0x38;
	[tilespmem:$0x1EE00] =	vst v63  }
0x27: {  	_ =	swait.ge [sflag:s12], $0x2700  }
0x28: {  	[sflag:s12] =	ssyncset.done $0x0  }
0x29: {  	s18 =	simm.s32 $0x13D0;
	[sflag:s12] =	ssyncadd.s32 $0xFFFFD900  }
0x2a: {  	v2 =	vld [tilespmem:s18+$0xFFFFFFB0]  }
0x2b: {  	v3 =	vld [tilespmem:s18+$0xFFFFFFC0]  }
0x2c: {  	v4 =	vld [tilespmem:s18+$0xFFFFFFD0]  }
0x2d: {  	s19 =	simm.s32 $0x80;
	v5 =	vld [tilespmem:s18+$0xFFFFFFE0]  }
0x2e: {  	s2 =	simm.s32 $0x10;
	v7 =	vor.u32 s19, v0;
	v6 =	vld [tilespmem:s18+$0xFFFFFFF0]  }
0x2f: {  	s20 =	simm.s32 $0x0;
	v8 =	vor.u32 s2, v0;
	v9 =	vld [tilespmem:s18+$0x0]  }
0x30: {  	s7 =	simm.s32 $0x20;
	v10 =	vor.u32 s20, v0;
	s0 =	sand.u32 $0x7F80, s19;
	s2 =	sand.u32 $0x60, s20;
	v11 =	vld [tilespmem:s18+$0x10]  }
0x31: {  	s10 =	simm.s32 $0x30;
	v12 =	vor.u32 s7, v0;
	s0 =	sor.u32 s2, s0;
	v13 =	vld [tilespmem:s18+$0x20]  }
0x32: {  	s28 =	simm.s32 $0x40;
	v14 =	vor.u32 s10, v0;
	v15 =	vld [tilespmem:s0+$0x1380]  }
0x33: {  	s29 =	simm.s32 $0x50;
	v16 =	vor.u32 s28, v0;
	v7 =	vld.idx.msk [tilespmem:v7+s15+$0x0], $0xffff  }
0x34: {  	s31 =	simm.s32 $0x60;
	v17 =	vor.u32 s29, v0;
	v8 =	vld.idx.msk [tilespmem:v8+s15+$0x0], $0xffff  }
0x35: {  	v18 =	vor.u32 s31, v0;
	s7 =	simm.s32 $0x70;
	v10 =	vld.idx.msk [tilespmem:v10+s15+$0x0], $0xffff  }
0x36: {  	s10 =	simm.s32 $0x90;
	v19 =	vor.u32 s7, v0;
	v12 =	vld.idx.msk [tilespmem:v12+s15+$0x0], $0xffff  }
0x37: {  	v20 =	vor.u32 s10, v0;
	v14 =	vld.idx.msk [tilespmem:v14+s15+$0x0], $0xffff  }
0x38: {  	v16 =	vld.idx.msk [tilespmem:v16+s15+$0x0], $0xffff  }
0x39: {  	v17 =	vld.idx.msk [tilespmem:v17+s15+$0x0], $0xffff  }
0x3a: {  	v18 =	vld.idx.msk [tilespmem:v18+s15+$0x0], $0xffff  }
0x3b: {  	v19 =	vld.idx.msk [tilespmem:v19+s15+$0x0], $0xffff  }
0x3c: {  	v20 =	vld.idx.msk [tilespmem:v20+s15+$0x0], $0xffff  }
0x3d: {  	s1 =	simm.s32 $0x1470;
	v21 =	vld [tilespmem:s18+$0x40]  }
0x3e: {  	v22 =	vld [tilespmem:s1+$0xFFFFFFB0]  }
0x3f: {  	v23 =	vld [tilespmem:s1+$0xFFFFFFC0]  }
0x40: {  	s20 =	simm.s32 $0xE0;
	v24 =	vld [tilespmem:s1+$0xFFFFFFD0]  }
0x41: {  	s28 =	simm.s32 $0xF0;
	v36 =	vor.u32 s20, v0;
	v25 =	vld [tilespmem:s1+$0xFFFFFFE0]  }
0x42: {  	s29 =	simm.s32 $0x100;
	v37 =	vor.u32 s28, v0;
	v26 =	vld [tilespmem:s1+$0xFFFFFFF0]  }
0x43: {  	v38 =	vor.u32 s29, v0;
	s14 =	simm.s32 $0xB0;
	v29 =	vld [tilespmem:s1+$0x0]  }
0x44: {  	v28 =	vor.u32 s14, v0;
	v31 =	vld [tilespmem:s1+$0x10]  }
0x45: {  	v33 =	vld [tilespmem:s1+$0x20];
	v15 =	vmul.u32 $0x31, v15  }
0x46: {  	v48 =	vld.idx.msk [tilespmem:v36+s15+$0x0], $0xffff;
	v7 =	vmul.u32 $0x31, v7  }
0x47: {  	s12 =	simm.s32 $0x120;
	s18 =	simm.s32 $0xA0;
	v50 =	vld.idx.msk [tilespmem:v37+s15+$0x0], $0xffff;
	v8 =	vmul.u32 $0x31, v8  }
0x48: {  	s2 =	sand.u32 $0x7F80, s12;
	v51 =	vld.idx.msk [tilespmem:v38+s15+$0x0], $0xffff;
	s7 =	sand.u32 $0x60, s18;
	v10 =	vmul.u32 $0x31, v10  }
0x49: {  	s30 =	sor.u32 s7, s2;
	v28 =	vld.idx.msk [tilespmem:v28+s15+$0x0], $0xffff;
	v12 =	vmul.u32 $0x31, v12  }
0x4a: {  	v35 =	vld [tilespmem:s30+$0x1380];
	v14 =	vmul.u32 $0x31, v14  }
0x4b: {  	v16 =	vmul.u32 $0x31, v16;
	v15 =	vld.idx.msk [tilespmem:v15+s5+$0x0], $0xffff  }
0x4c: {  	v17 =	vmul.u32 $0x31, v17;
	v7 =	vld.idx.msk [tilespmem:v7+s5+$0x0], $0xffff  }
0x4d: {  	v18 =	vmul.u32 $0x31, v18;
	v8 =	vld.idx.msk [tilespmem:v8+s5+$0x0], $0xffff  }
0x4e: {  	v2 =	vmul.u32 $0x31, v2;
	v10 =	vld.idx.msk [tilespmem:v10+s5+$0x0], $0xffff  }
0x4f: {  	v3 =	vmul.u32 $0x31, v3;
	v12 =	vld.idx.msk [tilespmem:v12+s5+$0x0], $0xffff  }
0x50: {  	v4 =	vmul.u32 $0x31, v4;
	v14 =	vld.idx.msk [tilespmem:v14+s5+$0x0], $0xffff  }
0x51: {  	v19 =	vmul.u32 $0x31, v19;
	v16 =	vld.idx.msk [tilespmem:v16+s5+$0x0], $0xffff  }
0x52: {  	v5 =	vmul.u32 $0x31, v5;
	v17 =	vld.idx.msk [tilespmem:v17+s5+$0x0], $0xffff  }
0x53: {  	v20 =	vmul.u32 $0x31, v20;
	v18 =	vld.idx.msk [tilespmem:v18+s5+$0x0], $0xffff  }
0x54: {  	s19 =	simm.s32 $0xC0;
	v2 =	vld.idx.msk [tilespmem:v2+s5+$0x0], $0xffff  }
0x55: {  	v32 =	vor.u32 s19, v0;
	v27 =	vor.u32 s12, v0;
	s12 =	simm.s32 $0xD0;
	v3 =	vld.idx.msk [tilespmem:v3+s5+$0x0], $0xffff  }
0x56: {  	v30 =	vor.u32 s18, v0;
	v34 =	vor.u32 s12, v0;
	v6 =	vmul.u32 $0x31, v6;
	v4 =	vld.idx.msk [tilespmem:v4+s5+$0x0], $0xffff  }
0x57: {  	v9 =	vmul.u32 $0x31, v9;
	v11 =	vmul.u32 $0x31, v11;
	v19 =	vld.idx.msk [tilespmem:v19+s5+$0x0], $0xffff;
	v15 =	vadd.f32 v15, v15  }
0x58: {  	v13 =	vmul.u32 $0x31, v13;
	v5 =	vld.idx.msk [tilespmem:v5+s5+$0x0], $0xffff;
	v7 =	vadd.f32 v7, v7;
	v8 =	vadd.f32 v8, v8  }
0x59: {  	v21 =	vmul.u32 $0x31, v21;
	v20 =	vld.idx.msk [tilespmem:v20+s5+$0x0], $0xffff;
	v10 =	vadd.f32 v10, v10;
	v12 =	vadd.f32 v12, v12  }
0x5a: {  	v27 =	vld.idx.msk [tilespmem:v27+s15+$0x0], $0xffff;
	v36 =	vmul.u32 $0x31, v51;
	v2 =	vadd.f32 v2, v2;
	v3 =	vadd.f32 v3, v3  }
0x5b: {  	v30 =	vld.idx.msk [tilespmem:v30+s15+$0x0], $0xffff;
	v28 =	vmul.u32 $0x31, v28;
	v4 =	vadd.f32 v4, v4;
	v14 =	vadd.f32 v14, v14  }
0x5c: {  	v49 =	vmul.u32 $0x31, v35;
	v6 =	vld.idx.msk [tilespmem:v6+s5+$0x0], $0xffff;
	v16 =	vadd.f32 v16, v16;
	v17 =	vadd.f32 v17, v17  }
0x5d: {  	v35 =	vmul.u32 $0x31, v50;
	v9 =	vld.idx.msk [tilespmem:v9+s5+$0x0], $0xffff;
	v5 =	vadd.f32 v5, v5;
	v18 =	vadd.f32 v18, v18  }
0x5e: {  	v54 =	vmul.u32 $0x31, v24;
	v11 =	vld.idx.msk [tilespmem:v11+s5+$0x0], $0xffff;
	v19 =	vadd.f32 v19, v19;
	v20 =	vadd.f32 v20, v20  }
0x5f: {  	v25 =	vmul.u32 $0x31, v25;
	v13 =	vld.idx.msk [tilespmem:v13+s5+$0x0], $0xffff;
	v15 =	vadd.f32 $-1.000000000e+00, v15;
	v7 =	vadd.f32 $-2.000000000e+00, v7  }
0x60: {  	v27 =	vmul.u32 $0x31, v27;
	v21 =	vld.idx.msk [tilespmem:v21+s5+$0x0], $0xffff;
	v10 =	vadd.f32 $-2.000000000e+00, v10;
	v2 =	vadd.f32 $-1.000000000e+00, v2  }
0x61: {  	s31 =	simm.s32 $0x110;
	v29 =	vmul.u32 $0x31, v29;
	v57 =	vld.idx.msk [tilespmem:v36+s5+$0x0], $0xffff;
	v8 =	vadd.f32 $-2.000000000e+00, v8;
	v3 =	vadd.f32 $-1.000000000e+00, v3  }
0x62: {  	s2 =	simm.s32 $0x130;
	v28 =	vld.idx.msk [tilespmem:v28+s5+$0x0], $0xffff;
	v12 =	vadd.f32 $-2.000000000e+00, v12;
	v2 =	vmul.f32 v10, v2;
	v10 =	vor.u32 s31, v0  }
0x63: {  	v55 =	vld.idx.msk [tilespmem:v35+s5+$0x0], $0xffff;
	v4 =	vadd.f32 $-1.000000000e+00, v4;
	v3 =	vmul.f32 v8, v3;
	v8 =	vor.u32 s2, v0  }
0x64: {  	v6 =	vadd.f32 v6, v6;
	v13 =	vadd.f32 v13, v13;
	v7 =	vmul.f32 v7, v15;
	v15 =	vld.idx.msk [tilespmem:v32+s15+$0x0], $0xffff  }
0x65: {  	v9 =	vadd.f32 v9, v9;
	v16 =	vadd.f32 $-2.000000000e+00, v16;
	v4 =	vmul.f32 v12, v4;
	v12 =	vld.idx.msk [tilespmem:v34+s15+$0x0], $0xffff  }
0x66: {  	v27 =	vld.idx.msk [tilespmem:v27+s5+$0x0], $0xffff;
	v6 =	vadd.f32 $-1.000000000e+00, v6;
	v52 =	vadd.f32 $-1.000000000e+00, v13;
	v13 =	vmul.u32 $0x31, v22  }
0x67: {  	v14 =	vadd.f32 $-2.000000000e+00, v14;
	v5 =	vadd.f32 $-1.000000000e+00, v5;
	v32 =	vmul.u32 $0x31, v48;
	v10 =	vld.idx.msk [tilespmem:v10+s15+$0x0], $0xffff  }
0x68: {  	v11 =	vadd.f32 v11, v11;
	v6 =	vmul.f32 v16, v6;
	v16 =	vmul.u32 $0x31, v23;
	v8 =	vld.idx.msk [tilespmem:v8+s15+$0x0], $0xffff  }
0x69: {  	v21 =	vadd.f32 v21, v21;
	v5 =	vmul.f32 v14, v5;
	v14 =	vld [tilespmem:s1+$0x40];
	v15 =	vmul.u32 $0x31, v15  }
0x6a: {  	v17 =	vadd.f32 $-2.000000000e+00, v17;
	v18 =	vadd.f32 $-2.000000000e+00, v18;
	v34 =	vld.idx.msk [tilespmem:v49+s5+$0x0], $0xffff;
	v12 =	vmul.u32 $0x31, v12  }
0x6b: {  	v30 =	vmul.u32 $0x31, v30;
	v19 =	vadd.f32 $-2.000000000e+00, v19;
	v9 =	vadd.f32 $-1.000000000e+00, v9;
	v23 =	vld.idx.msk [tilespmem:v54+s5+$0x0], $0xffff  }
0x6c: {  	v20 =	vadd.f32 $-2.000000000e+00, v20;
	v11 =	vadd.f32 $-1.000000000e+00, v11;
	v60 =	vld.idx.msk [tilespmem:v13+s5+$0x0], $0xffff;
	v10 =	vmul.u32 $0x31, v10  }
0x6d: {  	v9 =	vmul.f32 v17, v9;
	v17 =	vadd.f32 v28, v28;
	v53 =	vld.idx.msk [tilespmem:v32+s5+$0x0], $0xffff;
	v8 =	vmul.u32 $0x31, v8  }
0x6e: {  	s7 =	simm.s32 $0x3AD0;
	v59 =	vmul.u32 $0x31, v31;
	v21 =	vadd.f32 $-1.000000000e+00, v21;
	v27 =	vadd.f32 v27, v27;
	v61 =	vld.idx.msk [tilespmem:v16+s5+$0x0], $0xffff  }
0x6f: {  	v11 =	vmul.f32 v18, v11;
	[tilespmem:s7+$0xFFFFFFB0] =	vst v2;
	v2 =	vadd.f32 $-2.000000000e+00, v17;
	v17 =	vadd.f32 v55, v55;
	v15 =	vld.idx.msk [tilespmem:v15+s5+$0x0], $0xffff  }
0x70: {  	v18 =	vmul.f32 v20, v21;
	[tilespmem:s0+$0x3A80] =	vst v7;
	v7 =	vmul.u32 $0x31, v26;
	v56 =	vadd.f32 v34, v34;
	v12 =	vld.idx.msk [tilespmem:v12+s5+$0x0], $0xffff  }
0x71: {  	v30 =	vld.idx.msk [tilespmem:v30+s5+$0x0], $0xffff;
	[tilespmem:s7+$0xFFFFFFF0] =	vst v6;
	v27 =	vadd.f32 $-2.000000000e+00, v27;
	v6 =	vadd.f32 $-2.000000000e+00, v17;
	v63 =	vmul.u32 $0x31, v14  }
0x72: {  	[tilespmem:s7+$0xFFFFFFC0] =	vst v3;
	v14 =	vmul.f32 v19, v52;
	v19 =	vadd.f32 v23, v23;
	v32 =	vadd.f32 $-1.000000000e+00, v56;
	v58 =	vld.idx.msk [tilespmem:v10+s5+$0x0], $0xffff  }
0x73: {  	[tilespmem:s7+$0xFFFFFFD0] =	vst v4;
	v17 =	vadd.f32 v60, v60;
	v16 =	vadd.f32 v53, v53;
	v8 =	vld.idx.msk [tilespmem:v8+s5+$0x0], $0xffff  }
0x74: {  	v62 =	vmul.u32 $0x31, v33;
	[tilespmem:s7+$0x40] =	vst v18;
	v18 =	vadd.f32 v61, v61;
	v15 =	vadd.f32 v15, v15  }
0x75: {  	[tilespmem:s7+$0xFFFFFFE0] =	vst v5;
	v13 =	vld.idx.msk [tilespmem:v25+s5+$0x0], $0xffff;
	v5 =	vadd.f32 $-2.000000000e+00, v16;
	v12 =	vadd.f32 v12, v12  }
0x76: {  	[tilespmem:s7+$0x20] =	vst v14;
	v14 =	vld.idx.msk [tilespmem:v59+s5+$0x0], $0xffff;
	v10 =	vadd.f32 v30, v30;
	v3 =	vadd.f32 $-2.000000000e+00, v15  }
0x77: {  	[tilespmem:s7+$0x10] =	vst v11;
	v11 =	vmul.f32 v27, v32;
	v4 =	vadd.f32 $-2.000000000e+00, v12;
	v12 =	vadd.f32 v57, v57;
	v15 =	vld.idx.msk [tilespmem:v7+s5+$0x0], $0xffff  }
0x78: {  	[tilespmem:s7+$0x0] =	vst v9;
	v16 =	vld.idx.msk [tilespmem:v29+s5+$0x0], $0xffff;
	v9 =	vadd.f32 v58, v58;
	v20 =	vadd.f32 v8, v8  }
0x79: {  	[tilespmem:s30+$0x3A80] =	vst v11;
	v11 =	vld.idx.msk [tilespmem:v63+s5+$0x0], $0xffff;
	v10 =	vadd.f32 $-2.000000000e+00, v10;
	v7 =	vadd.f32 $-2.000000000e+00, v12  }
0x7a: {  	s10 =	simm.s32 $0xA;
	s1 =	simm.s32 $0x61E0;
	s30 =	simm.s32 $0x1510;
	v12 =	vld.idx.msk [tilespmem:v62+s5+$0x0], $0xffff;
	v8 =	vadd.f32 $-2.000000000e+00, v9;
	v9 =	vadd.f32 $-2.000000000e+00, v20  }
.LBB2_2:
0x7b: {  	v20 =	vld [tilespmem:s30+$0xFFFFFFB0];
	v17 =	vadd.f32 $-1.000000000e+00, v17;
	v13 =	vadd.f32 v13, v13  }
0x7c: {  	v18 =	vadd.f32 $-1.000000000e+00, v18;
	v15 =	vadd.f32 v15, v15;
	v21 =	vld [tilespmem:s30+$0xFFFFFFC0]  }
0x7d: {  	s2 =	sadd.s32 $0xA0, s2;
	s7 =	sadd.s32 $0xA0, s7;
	v16 =	vadd.f32 v16, v16;
	v22 =	vld [tilespmem:s30+$0xFFFFFFD0];
	v10 =	vmul.f32 v10, v17;
	v17 =	vadd.f32 $-1.000000000e+00, v19  }
0x7e: {  	s10 =	sadd.s32 $0xA, s10;
	s0 =	sadd.s32 $0xFFFFFF80, s2;
	s12 =	sadd.s32 $0xFFFFFFF0, s2;
	v23 =	vor.u32 s2, v0;
	v13 =	vadd.f32 $-1.000000000e+00, v13;
	v14 =	vadd.f32 v14, v14;
	v19 =	vld [tilespmem:s30+$0xFFFFFFE0]  }
0x7f: {  	s14 =	sadd.s32 $0xFFFFFFA0, s2;
	p0 =	slt.u32 s10, $0x262;
	v24 =	vor.u32 s0, v0;
	s0 =	sadd.s32 $0xFFFFFF90, s2;
	v26 =	vor.u32 s12, v0;
	v25 =	vld [tilespmem:s30+$0xFFFFFFF0];
	[tilespmem:s7+$0xFFFFFFB0] =	vst v10;
	v10 =	vadd.f32 v12, v12  }
0x80: {  	s18 =	sadd.s32 $0xFFFFFF70, s2;
	v27 =	vor.u32 s14, v0;
	s14 =	sadd.s32 $0xFFFFFFC0, s2;
	v12 =	vor.u32 s0, v0;
	s0 =	sadd.s32 $0xFFFFFFB0, s2;
	v11 =	vadd.f32 v11, v11;
	v28 =	vld [tilespmem:s30+$0x0]  }
0x81: {  	v29 =	vor.u32 s18, v0;
	s12 =	sand.u32 $0x7F80, s12;
	v31 =	vor.u32 s14, v0;
	s14 =	sand.u32 $0x60, s18;
	v30 =	vor.u32 s0, v0;
	s0 =	sadd.s32 $0xFFFFFFD0, s2;
	v32 =	vld [tilespmem:s30+$0x10]  }
0x82: {  	v15 =	vadd.f32 $-1.000000000e+00, v15;
	v16 =	vadd.f32 $-1.000000000e+00, v16;
	s12 =	sor.u32 s14, s12;
	v33 =	vor.u32 s0, v0;
	s0 =	sadd.s32 $0xFFFFFFE0, s2;
	v34 =	vld [tilespmem:s30+$0x20]  }
0x83: {  	v14 =	vadd.f32 $-1.000000000e+00, v14;
	v10 =	vadd.f32 $-1.000000000e+00, v10;
	v35 =	vor.u32 s0, v0;
	v36 =	vld [tilespmem:s12+$0x1380]  }
0x84: {  	v2 =	vmul.f32 v2, v18;
	v3 =	vmul.f32 v3, v17;
	v11 =	vadd.f32 $-1.000000000e+00, v11;
	v26 =	vld.idx.msk [tilespmem:v26+s15+$0x0], $0xffff  }
0x85: {  	v4 =	vmul.f32 v4, v13;
	v5 =	vmul.f32 v5, v15;
	v17 =	vld.idx.msk [tilespmem:v24+s15+$0x0], $0xffff  }
0x86: {  	v13 =	vld.idx.msk [tilespmem:v29+s15+$0x0], $0xffff;
	[tilespmem:s7+$0xFFFFFFC0] =	vst v2;
	v2 =	vmul.f32 v6, v16;
	v6 =	vmul.f32 v7, v14  }
0x87: {  	v7 =	vld.idx.msk [tilespmem:v12+s15+$0x0], $0xffff;
	[tilespmem:s7+$0xFFFFFFD0] =	vst v3;
	v3 =	vmul.f32 v8, v10;
	v8 =	vmul.f32 v9, v11  }
0x88: {  	v9 =	vld.idx.msk [tilespmem:v27+s15+$0x0], $0xffff;
	[tilespmem:s7+$0xFFFFFFE0] =	vst v4  }
0x89: {  	v10 =	vmul.u32 $0x31, v36;
	v4 =	vld.idx.msk [tilespmem:v30+s15+$0x0], $0xffff;
	[tilespmem:s7+$0xFFFFFFF0] =	vst v5  }
0x8a: {  	v11 =	vmul.u32 $0x31, v26;
	v5 =	vld.idx.msk [tilespmem:v31+s15+$0x0], $0xffff;
	[tilespmem:s7+$0x0] =	vst v2  }
0x8b: {  	v2 =	vmul.u32 $0x31, v17;
	v12 =	vld.idx.msk [tilespmem:v33+s15+$0x0], $0xffff;
	[tilespmem:s7+$0x10] =	vst v6  }
0x8c: {  	v6 =	vmul.u32 $0x31, v13;
	v13 =	vld.idx.msk [tilespmem:v35+s15+$0x0], $0xffff;
	[tilespmem:s7+$0x20] =	vst v3  }
0x8d: {  	v3 =	vmul.u32 $0x31, v7;
	v7 =	vld.idx.msk [tilespmem:v23+s15+$0x0], $0xffff;
	[tilespmem:s7+$0x40] =	vst v8  }
0x8e: {  	s0 =	simm.s32 $0x0;
	v8 =	vmul.u32 $0x31, v9;
	v9 =	vld [tilespmem:s30+$0x40]  }
0x8f: {  	v4 =	vmul.u32 $0x31, v4;
	v10 =	vld.idx.msk [tilespmem:v10+s0+$0x0], $0xffff  }
0x90: {  	v5 =	vmul.u32 $0x31, v5;
	v11 =	vld.idx.msk [tilespmem:v11+s0+$0x0], $0xffff  }
0x91: {  	v12 =	vmul.u32 $0x31, v12;
	v2 =	vld.idx.msk [tilespmem:v2+s0+$0x0], $0xffff  }
0x92: {  	v13 =	vmul.u32 $0x31, v13;
	v6 =	vld.idx.msk [tilespmem:v6+s0+$0x0], $0xffff  }
0x93: {  	v7 =	vmul.u32 $0x31, v7;
	v3 =	vld.idx.msk [tilespmem:v3+s0+$0x0], $0xffff  }
0x94: {  	v14 =	vmul.u32 $0x31, v20;
	v8 =	vld.idx.msk [tilespmem:v8+s0+$0x0], $0xffff  }
0x95: {  	v15 =	vmul.u32 $0x31, v21;
	v4 =	vld.idx.msk [tilespmem:v4+s0+$0x0], $0xffff  }
0x96: {  	v16 =	vmul.u32 $0x31, v22;
	v10 =	vadd.f32 v10, v10;
	v11 =	vadd.f32 v11, v11;
	v5 =	vld.idx.msk [tilespmem:v5+s0+$0x0], $0xffff  }
0x97: {  	v18 =	vmul.u32 $0x31, v25;
	v17 =	vmul.u32 $0x31, v19;
	v2 =	vadd.f32 v2, v2;
	v12 =	vld.idx.msk [tilespmem:v12+s0+$0x0], $0xffff  }
0x98: {  	v19 =	vmul.u32 $0x31, v28;
	v10 =	vadd.f32 $-1.000000000e+00, v10;
	v11 =	vadd.f32 $-2.000000000e+00, v11;
	v20 =	vld.idx.msk [tilespmem:v13+s0+$0x0], $0xffff  }
0x99: {  	v21 =	vmul.u32 $0x31, v32;
	v6 =	vadd.f32 v6, v6;
	v3 =	vadd.f32 v3, v3;
	v7 =	vld.idx.msk [tilespmem:v7+s0+$0x0], $0xffff  }
0x9a: {  	v2 =	vadd.f32 $-2.000000000e+00, v2;
	v8 =	vadd.f32 v8, v8;
	v11 =	vmul.f32 v11, v10;
	v14 =	vld.idx.msk [tilespmem:v14+s0+$0x0], $0xffff  }
0x9b: {  	v23 =	vmul.u32 $0x31, v34;
	v10 =	vadd.f32 $-2.000000000e+00, v6;
	v6 =	vadd.f32 v4, v4;
	v22 =	vld.idx.msk [tilespmem:v15+s0+$0x0], $0xffff  }
0x9c: {  	v9 =	vmul.u32 $0x31, v9;
	v3 =	vadd.f32 $-2.000000000e+00, v3;
	v25 =	vadd.f32 v5, v5;
	v24 =	vld.idx.msk [tilespmem:v16+s0+$0x0], $0xffff;
	[tilespmem:s12+$0x3A80] =	vst v11  }
0x9d: {  	v4 =	vadd.f32 $-2.000000000e+00, v8;
	v8 =	vadd.f32 v12, v12;
	v13 =	vld.idx.msk [tilespmem:v17+s0+$0x0], $0xffff  }
.Ltmp2:
0x9e: {  	v5 =	vadd.f32 $-2.000000000e+00, v6;
	v11 =	vadd.f32 v20, v20;
	v15 =	vld.idx.msk [tilespmem:v18+s0+$0x0], $0xffff;
	(pc) =	sbr.rel @p0 .LBB2_2-.Ltmp2, $4  }
0x9f: {  	v6 =	vadd.f32 $-2.000000000e+00, v25;
	v20 =	vadd.f32 v7, v7;
	v16 =	vld.idx.msk [tilespmem:v19+s0+$0x0], $0xffff  }
0xa0: {  	v7 =	vadd.f32 $-2.000000000e+00, v8;
	v17 =	vadd.f32 v14, v14;
	v14 =	vld.idx.msk [tilespmem:v21+s0+$0x0], $0xffff  }
0xa1: {  	v8 =	vadd.f32 $-2.000000000e+00, v11;
	v18 =	vadd.f32 v22, v22;
	v12 =	vld.idx.msk [tilespmem:v23+s0+$0x0], $0xffff  }
0xa2: {  	s30 =	sadd.s32 $0xA0, s30;
	v19 =	vadd.f32 v24, v24;
	v11 =	vld.idx.msk [tilespmem:v9+s0+$0x0], $0xffff;
	v9 =	vadd.f32 $-2.000000000e+00, v20  }
0xa3: {  	v17 =	vadd.f32 $-1.000000000e+00, v17  }
0xa4: {  	v13 =	vadd.f32 v13, v13;
	v18 =	vadd.f32 $-1.000000000e+00, v18  }
0xa5: {  	v15 =	vadd.f32 v15, v15;
	v10 =	vmul.f32 v10, v17;
	v17 =	vadd.f32 $-1.000000000e+00, v19  }
0xa6: {  	s2 =	sadd.s32 $0xA0, s7;
	v16 =	vadd.f32 v16, v16;
	v13 =	vadd.f32 $-1.000000000e+00, v13;
	v2 =	vmul.f32 v2, v18  }
0xa7: {  	v14 =	vadd.f32 v14, v14;
	[tilespmem:s2+$0xFFFFFFB0] =	vst v10;
	v10 =	vadd.f32 $-1.000000000e+00, v15;
	v3 =	vmul.f32 v3, v17  }
0xa8: {  	v12 =	vadd.f32 v12, v12;
	v15 =	vadd.f32 $-1.000000000e+00, v16;
	v4 =	vmul.f32 v4, v13;
	[tilespmem:s2+$0xFFFFFFC0] =	vst v2  }
0xa9: {  	v2 =	vadd.f32 v11, v11;
	v11 =	vadd.f32 $-1.000000000e+00, v14;
	v5 =	vmul.f32 v5, v10;
	[tilespmem:s2+$0xFFFFFFD0] =	vst v3  }
0xaa: {  	s7 =	sadd.s32 $0x0, s6;
	v3 =	vadd.f32 $-1.000000000e+00, v12;
	v6 =	vmul.f32 v6, v15;
	[tilespmem:s2+$0xFFFFFFE0] =	vst v4  }
0xab: {  	s14 =	sadd.s32 $0x70, s7;
	v2 =	vadd.f32 $-1.000000000e+00, v2;
	v4 =	vmul.f32 v7, v11;
	[tilespmem:s2+$0xFFFFFFF0] =	vst v5  }
0xac: {  	s18 =	sadd.s32 $0x80, s7;
	v10 =	vor.u32 s14, v1;
	v3 =	vmul.f32 v8, v3;
	[tilespmem:s2+$0x0] =	vst v6  }
0xad: {  	s19 =	sadd.s32 $0x90, s7;
	v11 =	vor.u32 s18, v1;
	v2 =	vmul.f32 v9, v2;
	[tilespmem:s2+$0x10] =	vst v4  }
0xae: {  	s20 =	sadd.s32 $0xA0, s7;
	v12 =	vor.u32 s19, v1;
	[tilespmem:s2+$0x20] =	vst v3  }
0xaf: {  	v13 =	vor.u32 s20, v1;
	[tilespmem:s2+$0x40] =	vst v2  }
0xb0: {  	v15 =	vor.u32 s7, v1;
	v7 =	vld [tilespmem:s13+$0x60]  }
0xb1: {  	v10 =	vld.idx.msk [tilespmem:v10+s15+$0x0], $0xffff  }
0xb2: {  	v11 =	vld.idx.msk [tilespmem:v11+s15+$0x0], $0xffff  }
0xb3: {  	v12 =	vld.idx.msk [tilespmem:v12+s15+$0x0], $0xffff  }
0xb4: {  	v13 =	vld.idx.msk [tilespmem:v13+s15+$0x0], $0xffff  }
0xb5: {  	v15 =	vld.idx.msk [tilespmem:v15+s15+$0x0], $0xffff  }
0xb6: {  	v16 =	vld [tilespmem:s13+$0xFFFFFFA0]  }
0xb7: {  	v17 =	vld [tilespmem:s13+$0xFFFFFFB0]  }
0xb8: {  	v18 =	vld [tilespmem:s13+$0xFFFFFFC0]  }
0xb9: {  	v19 =	vld [tilespmem:s13+$0xFFFFFFD0]  }
0xba: {  	s10 =	sadd.s32 $0xC0, s7;
	v20 =	vld [tilespmem:s13+$0xFFFFFFE0]  }
0xbb: {  	s12 =	sadd.s32 $0x10, s7;
	v5 =	vor.u32 s10, v1;
	v21 =	vld [tilespmem:s13+$0xFFFFFFF0]  }
0xbc: {  	s31 =	sadd.s32 $0x40, s7;
	v4 =	vor.u32 s12, v1;
	v22 =	vld [tilespmem:s13+$0x0]  }
0xbd: {  	v6 =	vor.u32 s31, v1;
	s10 =	sadd.s32 $0x50, s7;
	v23 =	vld [tilespmem:s13+$0x10]  }
0xbe: {  	s28 =	sadd.s32 $0x20, s7;
	v8 =	vor.u32 s10, v1;
	v25 =	vld [tilespmem:s13+$0x20]  }
0xbf: {  	s29 =	sadd.s32 $0x30, s7;
	v3 =	vor.u32 s28, v1;
	v26 =	vld [tilespmem:s13+$0x30]  }
0xc0: {  	v2 =	vor.u32 s29, v1;
	s28 =	sadd.s32 $0xB0, s7;
	v5 =	vld.idx.msk [tilespmem:v5+s15+$0x0], $0xffff  }
0xc1: {  	s12 =	sadd.s32 $0x60, s7;
	v14 =	vor.u32 s28, v1;
	v4 =	vld.idx.msk [tilespmem:v4+s15+$0x0], $0xffff  }
0xc2: {  	v9 =	vor.u32 s12, v1;
	v6 =	vld.idx.msk [tilespmem:v6+s15+$0x0], $0xffff;
	v7 =	vmul.u32 $0x31, v7  }
0xc3: {  	v8 =	vld.idx.msk [tilespmem:v8+s15+$0x0], $0xffff;
	v10 =	vmul.u32 $0x31, v10  }
0xc4: {  	v3 =	vld.idx.msk [tilespmem:v3+s15+$0x0], $0xffff;
	v13 =	vmul.u32 $0x31, v13  }
0xc5: {  	v2 =	vld.idx.msk [tilespmem:v2+s15+$0x0], $0xffff;
	v5 =	vmul.u32 $0x31, v5  }
0xc6: {  	v14 =	vld.idx.msk [tilespmem:v14+s15+$0x0], $0xffff;
	v15 =	vmul.u32 $0x31, v15  }
0xc7: {  	v9 =	vld.idx.msk [tilespmem:v9+s15+$0x0], $0xffff;
	v4 =	vmul.u32 $0x31, v4  }
0xc8: {  	v6 =	vmul.u32 $0x31, v6;
	v7 =	vld.idx.msk [tilespmem:v7+s0+$0x0], $0xffff  }
0xc9: {  	v3 =	vmul.u32 $0x31, v3;
	v10 =	vld.idx.msk [tilespmem:v10+s0+$0x0], $0xffff  }
0xca: {  	v2 =	vmul.u32 $0x31, v2;
	v13 =	vld.idx.msk [tilespmem:v13+s0+$0x0], $0xffff  }
0xcb: {  	v14 =	vmul.u32 $0x31, v14;
	v5 =	vld.idx.msk [tilespmem:v5+s0+$0x0], $0xffff  }
0xcc: {  	v8 =	vmul.u32 $0x31, v8;
	v33 =	vld.idx.msk [tilespmem:v15+s0+$0x0], $0xffff  }
0xcd: {  	v9 =	vmul.u32 $0x31, v9;
	v4 =	vld.idx.msk [tilespmem:v4+s0+$0x0], $0xffff  }
0xce: {  	v11 =	vmul.u32 $0x31, v11;
	v6 =	vld.idx.msk [tilespmem:v6+s0+$0x0], $0xffff  }
0xcf: {  	v12 =	vmul.u32 $0x31, v12;
	v3 =	vld.idx.msk [tilespmem:v3+s0+$0x0], $0xffff  }
0xd0: {  	v16 =	vmul.u32 $0x31, v16;
	v2 =	vld.idx.msk [tilespmem:v2+s0+$0x0], $0xffff;
	v7 =	vadd.f32 v7, v7;
	v5 =	vadd.f32 v5, v5  }
0xd1: {  	v30 =	vmul.u32 $0x31, v17;
	v18 =	vmul.u32 $0x31, v18;
	v19 =	vmul.u32 $0x31, v19;
	v31 =	vld.idx.msk [tilespmem:v14+s0+$0x0], $0xffff  }
0xd2: {  	v15 =	vmul.u32 $0x31, v25;
	v8 =	vld.idx.msk [tilespmem:v8+s0+$0x0], $0xffff;
	v7 =	vadd.f32 $-1.000000000e+00, v7;
	v5 =	vadd.f32 $-2.000000000e+00, v5  }
0xd3: {  	v9 =	vld.idx.msk [tilespmem:v9+s0+$0x0], $0xffff;
	v14 =	vmul.u32 $0x31, v26;
	v26 =	vadd.f32 v13, v13;
	v4 =	vadd.f32 v4, v4  }
0xd4: {  	v11 =	vld.idx.msk [tilespmem:v11+s0+$0x0], $0xffff;
	v25 =	vadd.f32 v33, v33;
	v29 =	vmul.f32 v5, v7;
	v5 =	vadd.f32 v3, v3  }
0xd5: {  	v20 =	vmul.u32 $0x31, v20;
	v12 =	vld.idx.msk [tilespmem:v12+s0+$0x0], $0xffff;
	v3 =	vadd.f32 $-2.000000000e+00, v4;
	v4 =	vadd.f32 v2, v2  }
0xd6: {  	v27 =	vld [tilespmem:s13+$0x40];
	v32 =	vmul.u32 $0x31, v21;
	v21 =	vadd.f32 v31, v31;
	v2 =	vadd.f32 $-2.000000000e+00, v5  }
0xd7: {  	v28 =	vld [tilespmem:s13+$0x50];
	v5 =	vadd.f32 v6, v6;
	v4 =	vadd.f32 $-2.000000000e+00, v4  }
0xd8: {  	v17 =	vmul.u32 $0x31, v22;
	v24 =	vld.idx.msk [tilespmem:v16+s0+$0x0], $0xffff;
	v6 =	vadd.f32 v8, v8;
	v8 =	vadd.f32 v9, v9  }
0xd9: {  	v16 =	vmul.u32 $0x31, v23;
	v23 =	vld.idx.msk [tilespmem:v30+s0+$0x0], $0xffff;
	v9 =	vadd.f32 v10, v10;
	v10 =	vadd.f32 v11, v11  }
0xda: {  	v22 =	vld.idx.msk [tilespmem:v18+s0+$0x0], $0xffff;
	v11 =	vadd.f32 v12, v12;
	v5 =	vadd.f32 $-2.000000000e+00, v5  }
0xdb: {  	s29 =	simm.s32 $0x80;
	v18 =	vld.idx.msk [tilespmem:v19+s0+$0x0], $0xffff;
	v7 =	vadd.f32 $-2.000000000e+00, v6;
	v6 =	vadd.f32 $-2.000000000e+00, v8  }
0xdc: {  	s30 =	smov.u32 s13;
	s31 =	sand.u32 $0x70, s0;
	s2 =	sand.u32 $0x780, s29;
	v19 =	vld.idx.msk [tilespmem:v20+s0+$0x0], $0xffff;
	v13 =	vmul.u32 $0x31, v27;
	v8 =	vadd.f32 $-2.000000000e+00, v9;
	v9 =	vadd.f32 $-2.000000000e+00, v10  }
0xdd: {  	s10 =	simm.s32 $0xD0;
	s7 =	simm.s32 $0x0;
	s2 =	sor.u32 s31, s2;
	v20 =	vld.idx.msk [tilespmem:v32+s0+$0x0], $0xffff;
	[tilespmem:s1+$0x60] =	vst v29;
	v12 =	vmul.u32 $0x31, v28;
	v10 =	vadd.f32 $-2.000000000e+00, v11;
	v11 =	vadd.f32 $-2.000000000e+00, v26  }
.LBB2_4:
0xde: {  	s12 =	sadd.s32 s10, s6;
	s14 =	sadd.s32 $0x80, s10;
	s7 =	sadd.s32 $0xD, s7;
	v24 =	vadd.f32 v24, v24;
	v17 =	vld.idx.msk [tilespmem:v17+s0+$0x0], $0xffff;
	v21 =	vadd.f32 $-2.000000000e+00, v21  }
0xdf: {  	v23 =	vadd.f32 v23, v23;
	v26 =	vor.u32 s12, v1;
	s18 =	sadd.s32 $0x10, s12;
	s19 =	sadd.s32 $0xC0, s12;
	p0 =	slt.u32 s7, $0x1A;
	v25 =	vadd.f32 $-2.000000000e+00, v25;
	v16 =	vld.idx.msk [tilespmem:v16+s0+$0x0], $0xffff  }
0xe0: {  	s20 =	sadd.s32 $0x30, s12;
	s28 =	sadd.s32 $0x40, s12;
	v22 =	vadd.f32 v22, v22;
	v27 =	vor.u32 s18, v1;
	s18 =	sadd.s32 $0x20, s12;
	v28 =	vor.u32 s19, v1;
	v15 =	vld.idx.msk [tilespmem:v15+s0+$0x0], $0xffff  }
0xe1: {  	v30 =	vor.u32 s20, v1;
	v31 =	vor.u32 s28, v1;
	s19 =	sadd.s32 $0x60, s12;
	s20 =	sadd.s32 $0x70, s12;
	v29 =	vor.u32 s18, v1;
	s18 =	sadd.s32 $0x50, s12;
	v14 =	vld.idx.msk [tilespmem:v14+s0+$0x0], $0xffff  }
0xe2: {  	v33 =	vor.u32 s19, v1;
	v34 =	vor.u32 s20, v1;
	s19 =	sadd.s32 $0x90, s12;
	s20 =	sadd.s32 $0xA0, s12;
	v32 =	vor.u32 s18, v1;
	s18 =	sadd.s32 $0x80, s12;
	v13 =	vld.idx.msk [tilespmem:v13+s0+$0x0], $0xffff  }
0xe3: {  	s30 =	sadd.s32 $0xD0, s30;
	s14 =	sand.u32 $0x780, s14;
	v36 =	vor.u32 s19, v1;
	v37 =	vor.u32 s20, v1;
	s12 =	sadd.s32 $0xB0, s12;
	v35 =	vor.u32 s18, v1;
	v12 =	vld.idx.msk [tilespmem:v12+s0+$0x0], $0xffff  }
0xe4: {  	v18 =	vadd.f32 v18, v18;
	v19 =	vadd.f32 v19, v19;
	s18 =	sand.u32 $0x70, s10;
	v38 =	vor.u32 s12, v1;
	v39 =	vld [tilespmem:s30+$0x60]  }
0xe5: {  	v20 =	vadd.f32 v20, v20;
	v17 =	vadd.f32 v17, v17;
	s12 =	sor.u32 s18, s14;
	v28 =	vld.idx.msk [tilespmem:v28+s15+$0x0], $0xffff  }
0xe6: {  	v16 =	vadd.f32 v16, v16;
	v15 =	vadd.f32 v15, v15;
	v27 =	vld.idx.msk [tilespmem:v27+s15+$0x0], $0xffff  }
0xe7: {  	v24 =	vadd.f32 $-1.000000000e+00, v24;
	v14 =	vadd.f32 v14, v14;
	v29 =	vld.idx.msk [tilespmem:v29+s15+$0x0], $0xffff  }
0xe8: {  	v23 =	vadd.f32 $-1.000000000e+00, v23;
	v13 =	vadd.f32 v13, v13;
	v30 =	vld.idx.msk [tilespmem:v30+s15+$0x0], $0xffff  }
0xe9: {  	v22 =	vadd.f32 $-1.000000000e+00, v22;
	v24 =	vmul.f32 v25, v24;
	v12 =	vadd.f32 v12, v12;
	v31 =	vld.idx.msk [tilespmem:v31+s15+$0x0], $0xffff  }
0xea: {  	v18 =	vadd.f32 $-1.000000000e+00, v18;
	v19 =	vadd.f32 $-1.000000000e+00, v19;
	v25 =	vld.idx.msk [tilespmem:v32+s15+$0x0], $0xffff;
	v32 =	vmul.u32 $0x31, v39  }
0xeb: {  	v20 =	vadd.f32 $-1.000000000e+00, v20;
	v17 =	vadd.f32 $-1.000000000e+00, v17;
	v28 =	vmul.u32 $0x31, v28;
	v33 =	vld.idx.msk [tilespmem:v33+s15+$0x0], $0xffff;
	[tilespmem:s1+$0xFFFFFFA0] =	vst v24  }
0xec: {  	v16 =	vadd.f32 $-1.000000000e+00, v16;
	v15 =	vadd.f32 $-1.000000000e+00, v15;
	v24 =	vmul.u32 $0x31, v27;
	v27 =	vld.idx.msk [tilespmem:v34+s15+$0x0], $0xffff  }
0xed: {  	v14 =	vadd.f32 $-1.000000000e+00, v14;
	v13 =	vadd.f32 $-1.000000000e+00, v13;
	v29 =	vmul.u32 $0x31, v29;
	v34 =	vld.idx.msk [tilespmem:v35+s15+$0x0], $0xffff  }
0xee: {  	v3 =	vmul.f32 v3, v23;
	v12 =	vadd.f32 $-1.000000000e+00, v12;
	v30 =	vmul.u32 $0x31, v30;
	v35 =	vld.idx.msk [tilespmem:v36+s15+$0x0], $0xffff  }
0xef: {  	v2 =	vmul.f32 v2, v22;
	v4 =	vmul.f32 v4, v18;
	v23 =	vmul.u32 $0x31, v31;
	v31 =	vld.idx.msk [tilespmem:v37+s15+$0x0], $0xffff  }
0xf0: {  	v18 =	vmul.u32 $0x31, v25;
	v22 =	vld.idx.msk [tilespmem:v32+s0+$0x0], $0xffff;
	[tilespmem:s1+$0xFFFFFFB0] =	vst v3;
	v3 =	vmul.f32 v5, v19;
	v5 =	vmul.f32 v7, v20  }
0xf1: {  	v7 =	vmul.u32 $0x31, v33;
	v19 =	vld.idx.msk [tilespmem:v28+s0+$0x0], $0xffff;
	[tilespmem:s1+$0xFFFFFFC0] =	vst v2;
	v2 =	vmul.f32 v6, v17;
	v6 =	vmul.f32 v8, v16  }
0xf2: {  	v8 =	vmul.u32 $0x31, v27;
	v16 =	vld.idx.msk [tilespmem:v38+s15+$0x0], $0xffff;
	[tilespmem:s1+$0xFFFFFFD0] =	vst v4;
	v4 =	vmul.f32 v9, v15;
	v9 =	vmul.f32 v10, v14  }
0xf3: {  	v20 =	vmul.u32 $0x31, v34;
	v10 =	vld.idx.msk [tilespmem:v26+s15+$0x0], $0xffff;
	[tilespmem:s1+$0xFFFFFFE0] =	vst v3;
	v3 =	vmul.f32 v11, v13;
	v11 =	vmul.f32 v21, v12  }
0xf4: {  	v21 =	vmul.u32 $0x31, v35;
	v12 =	vld [tilespmem:s30+$0xFFFFFFA0];
	[tilespmem:s1+$0xFFFFFFF0] =	vst v5  }
0xf5: {  	v25 =	vmul.u32 $0x31, v31;
	v5 =	vld [tilespmem:s30+$0xFFFFFFB0];
	[tilespmem:s1+$0x0] =	vst v2  }
0xf6: {  	v2 =	vld [tilespmem:s30+$0xFFFFFFC0];
	[tilespmem:s1+$0x10] =	vst v6  }
0xf7: {  	v13 =	vadd.f32 v22, v22;
	v14 =	vadd.f32 v19, v19;
	v6 =	vld [tilespmem:s30+$0xFFFFFFD0];
	[tilespmem:s2+$0x6180] =	vst v4;
	s2 =	smov.u32 s12  }
0xf8: {  	v19 =	vmul.u32 $0x31, v16;
	v4 =	vld [tilespmem:s30+$0xFFFFFFE0];
	[tilespmem:s1+$0x30] =	vst v9  }
0xf9: {  	v13 =	vadd.f32 $-1.000000000e+00, v13;
	v9 =	vmul.u32 $0x31, v10;
	v14 =	vadd.f32 $-2.000000000e+00, v14;
	v10 =	vld [tilespmem:s30+$0xFFFFFFF0];
	[tilespmem:s1+$0x40] =	vst v3  }
0xfa: {  	v22 =	vmul.u32 $0x31, v12;
	v26 =	vmul.u32 $0x31, v5;
	v3 =	vld [tilespmem:s30+$0x0];
	[tilespmem:s1+$0x50] =	vst v11  }
0xfb: {  	v5 =	vmul.f32 v14, v13;
	v11 =	vmul.u32 $0x31, v2;
	v2 =	vld [tilespmem:s30+$0x10]  }
0xfc: {  	s1 =	sadd.s32 $0xD0, s1;
	v27 =	vmul.u32 $0x31, v6;
	v6 =	vld [tilespmem:s30+$0x20]  }
0xfd: {  	v28 =	vmul.u32 $0x31, v4;
	v4 =	vld [tilespmem:s30+$0x30];
	[tilespmem:s1+$0x60] =	vst v5  }
0xfe: {  	v31 =	vmul.u32 $0x31, v10;
	v5 =	vld [tilespmem:s30+$0x40]  }
0xff: {  	v17 =	vmul.u32 $0x31, v3;
	v3 =	vld [tilespmem:s30+$0x50]  }
0x100: {  	v10 =	vld.idx.msk [tilespmem:v24+s0+$0x0], $0xffff;
	v16 =	vmul.u32 $0x31, v2  }
0x101: {  	v2 =	vld.idx.msk [tilespmem:v29+s0+$0x0], $0xffff;
	v15 =	vmul.u32 $0x31, v6  }
0x102: {  	v6 =	vld.idx.msk [tilespmem:v30+s0+$0x0], $0xffff;
	v14 =	vmul.u32 $0x31, v4  }
0x103: {  	v4 =	vld.idx.msk [tilespmem:v23+s0+$0x0], $0xffff;
	v13 =	vmul.u32 $0x31, v5  }
0x104: {  	v5 =	vld.idx.msk [tilespmem:v18+s0+$0x0], $0xffff;
	v12 =	vmul.u32 $0x31, v3  }
0x105: {  	v7 =	vld.idx.msk [tilespmem:v7+s0+$0x0], $0xffff  }
0x106: {  	v3 =	vadd.f32 v10, v10;
	v8 =	vld.idx.msk [tilespmem:v8+s0+$0x0], $0xffff  }
0x107: {  	v2 =	vadd.f32 v2, v2;
	v10 =	vld.idx.msk [tilespmem:v20+s0+$0x0], $0xffff  }
0x108: {  	v3 =	vadd.f32 $-2.000000000e+00, v3;
	v6 =	vadd.f32 v6, v6;
	v18 =	vld.idx.msk [tilespmem:v21+s0+$0x0], $0xffff  }
0x109: {  	v2 =	vadd.f32 $-2.000000000e+00, v2;
	v20 =	vadd.f32 v4, v4;
	v21 =	vld.idx.msk [tilespmem:v25+s0+$0x0], $0xffff  }
0x10a: {  	v4 =	vadd.f32 $-2.000000000e+00, v6;
	v6 =	vadd.f32 v5, v5;
	v25 =	vld.idx.msk [tilespmem:v19+s0+$0x0], $0xffff  }
0x10b: {  	v5 =	vadd.f32 $-2.000000000e+00, v20;
	v29 =	vld.idx.msk [tilespmem:v9+s0+$0x0], $0xffff;
	v9 =	vadd.f32 v7, v7  }
0x10c: {  	v7 =	vadd.f32 $-2.000000000e+00, v6;
	v8 =	vadd.f32 v8, v8;
	v24 =	vld.idx.msk [tilespmem:v22+s0+$0x0], $0xffff  }
.Ltmp3:
0x10d: {  	v23 =	vld.idx.msk [tilespmem:v26+s0+$0x0], $0xffff;
	v6 =	vadd.f32 $-2.000000000e+00, v9;
	v9 =	vadd.f32 v10, v10;
	(pc) =	sbr.rel @p0 .LBB2_4-.Ltmp3, $4  }
0x10e: {  	v8 =	vadd.f32 $-2.000000000e+00, v8;
	v10 =	vadd.f32 v18, v18;
	v22 =	vld.idx.msk [tilespmem:v11+s0+$0x0], $0xffff  }
0x10f: {  	v11 =	vadd.f32 v21, v21;
	v18 =	vld.idx.msk [tilespmem:v27+s0+$0x0], $0xffff;
	v9 =	vadd.f32 $-2.000000000e+00, v9  }
0x110: {  	v10 =	vadd.f32 $-2.000000000e+00, v10;
	v21 =	vadd.f32 v25, v25;
	v19 =	vld.idx.msk [tilespmem:v28+s0+$0x0], $0xffff  }
0x111: {  	s10 =	sadd.s32 $0xD0, s10;
	v25 =	vadd.f32 v29, v29;
	v11 =	vadd.f32 $-2.000000000e+00, v11;
	v20 =	vld.idx.msk [tilespmem:v31+s0+$0x0], $0xffff  }
0x112: {  	_ =	sdelay $0x2  }
0x113: {  	v24 =	vadd.f32 v24, v24  }
0x114: {  	v17 =	vld.idx.msk [tilespmem:v17+s0+$0x0], $0xffff;
	v23 =	vadd.f32 v23, v23;
	v25 =	vadd.f32 $-2.000000000e+00, v25  }
0x115: {  	v16 =	vld.idx.msk [tilespmem:v16+s0+$0x0], $0xffff;
	v22 =	vadd.f32 v22, v22;
	v24 =	vadd.f32 $-1.000000000e+00, v24  }
0x116: {  	v15 =	vld.idx.msk [tilespmem:v15+s0+$0x0], $0xffff;
	v18 =	vadd.f32 v18, v18;
	v23 =	vadd.f32 $-1.000000000e+00, v23  }
0x117: {  	v13 =	vld.idx.msk [tilespmem:v13+s0+$0x0], $0xffff;
	v19 =	vadd.f32 v19, v19;
	v22 =	vadd.f32 $-1.000000000e+00, v22;
	v24 =	vmul.f32 v25, v24  }
0x118: {  	v14 =	vld.idx.msk [tilespmem:v14+s0+$0x0], $0xffff;
	v20 =	vadd.f32 v20, v20;
	v18 =	vadd.f32 $-1.000000000e+00, v18;
	v3 =	vmul.f32 v3, v23  }
0x119: {  	v12 =	vld.idx.msk [tilespmem:v12+s0+$0x0], $0xffff;
	v17 =	vadd.f32 v17, v17;
	v19 =	vadd.f32 $-1.000000000e+00, v19;
	v2 =	vmul.f32 v2, v22;
	[tilespmem:s1+$0xFFFFFFA0] =	vst v24  }
0x11a: {  	v16 =	vadd.f32 v16, v16;
	v20 =	vadd.f32 $-1.000000000e+00, v20;
	v4 =	vmul.f32 v4, v18;
	[tilespmem:s1+$0xFFFFFFB0] =	vst v3  }
0x11b: {  	v3 =	vadd.f32 v15, v15;
	v59 =	vadd.f32 $-1.000000000e+00, v17;
	v5 =	vmul.f32 v5, v19;
	[tilespmem:s1+$0xFFFFFFC0] =	vst v2  }
0x11c: {  	v61 =	vadd.f32 v13, v13;
	v60 =	vadd.f32 $-1.000000000e+00, v16;
	v7 =	vmul.f32 v7, v20;
	[tilespmem:s1+$0xFFFFFFD0] =	vst v4  }
0x11d: {  	v2 =	vadd.f32 v14, v14;
	v3 =	vadd.f32 $-1.000000000e+00, v3;
	v6 =	vmul.f32 v6, v59;
	[tilespmem:s1+$0xFFFFFFE0] =	vst v5  }
0x11e: {  	v62 =	vadd.f32 v12, v12;
	v4 =	vadd.f32 $-1.000000000e+00, v61;
	v8 =	vmul.f32 v8, v60;
	[tilespmem:s1+$0xFFFFFFF0] =	vst v7  }
0x11f: {  	v2 =	vadd.f32 $-1.000000000e+00, v2;
	v3 =	vmul.f32 v9, v3;
	[tilespmem:s1+$0x0] =	vst v6  }
0x120: {  	v63 =	vadd.f32 $-2.000000000e+00, v21;
	v5 =	vadd.f32 $-1.000000000e+00, v62;
	v4 =	vmul.f32 v11, v4;
	[tilespmem:s1+$0x10] =	vst v8  }
0x121: {  	v2 =	vmul.f32 v10, v2;
	[tilespmem:s2+$0x6180] =	vst v3  }
0x122: {  	v3 =	vmul.f32 v63, v5;
	[tilespmem:s1+$0x40] =	vst v4  }
0x123: {  	[tilespmem:s1+$0x30] =	vst v2  }
0x124: {  	[tilespmem:s1+$0x50] =	vst v3  }
.LBB2_6:
0x125: {  	p0 =	seq.s32 s0, $0x0  }
0x126: {  	s1 =	simm.s32 @!p0 $0x3  }
0x127: {  	s2 =	simm.s32 $0x0;
	s7 =	simm.s32 $0x80;
	_ =	swait.ge @!p0 [sflag:s1], $0x270  }
0x128: {  	s7 =	sand.u32 $0x780, s7;
	s2 =	sand.u32 $0x70, s2;
	[sflag:s1] =	ssyncset.done @!p0 $0x0  }
0x129: {  	s10 =	sor.u32 s2, s7;
	[sflag:s1] =	ssyncadd.s32 @!p0 $0xFFFFFD90  }
0x12a: {  	v11 =	vld [tilespmem:s10+$0x6180]  }
0x12b: {  	v3 =	vld [tilespmem:s13+$0x60]  }
0x12c: {  	v4 =	vld [tilespmem:s13+$0xFFFFFFB0]  }
0x12d: {  	v5 =	vld [tilespmem:s13+$0xFFFFFFC0]  }
0x12e: {  	v6 =	vld [tilespmem:s13+$0xFFFFFFD0]  }
0x12f: {  	v7 =	vld [tilespmem:s13+$0xFFFFFFE0]  }
0x130: {  	s1 =	sshll.u32 s0, $0x1;
	v8 =	vld [tilespmem:s13+$0xFFFFFFF0]  }
0x131: {  	v2 =	vmov s1;
	v9 =	vld [tilespmem:s13+$0x0]  }
0x132: {  	v10 =	vld [tilespmem:s13+$0x10];
	v2 =	vor.u32 $0x1, v2  }
0x133: {  	v12 =	vld [tilespmem:s13+$0x20];
	v2 =	vbroadcast v2, $0x0;
	v3 =	vmul.u32 $0x31, v3  }
0x134: {  	v13 =	vld [tilespmem:s13+$0x30]  }
0x135: {  	v14 =	vld [tilespmem:s13+$0x40];
	v3 =	vadd.s32 v3, v2  }
0x136: {  	s2 =	simm.s32 $0x61E0;
	v15 =	vld [tilespmem:s13+$0x50];
	v4 =	vmul.u32 $0x31, v4  }
0x137: {  	v17 =	vld [tilespmem:s2+$0x60];
	v5 =	vmul.u32 $0x31, v5  }
0x138: {  	v18 =	vld [tilespmem:s13+$0xFFFFFFA0];
	v7 =	vmul.u32 $0x31, v7;
	v4 =	vadd.s32 v4, v2  }
0x139: {  	v20 =	vld [tilespmem:s2+$0xFFFFFFA0];
	v6 =	vmul.u32 $0x31, v6;
	v8 =	vmul.u32 $0x31, v8;
	v5 =	vadd.s32 v5, v2  }
0x13a: {  	v16 =	vld.idx.msk [tilespmem:v3+s5+$0x0], $0xffff;
	v3 =	vadd.s32 v7, v2;
	v7 =	vmul.u32 $0x31, v9  }
0x13b: {  	v21 =	vld [tilespmem:s2+$0xFFFFFFB0];
	v6 =	vadd.s32 v6, v2;
	v9 =	vadd.s32 v8, v2;
	v8 =	vmul.u32 $0x31, v10  }
0x13c: {  	v22 =	vld [tilespmem:s2+$0xFFFFFFC0];
	v10 =	vmul.u32 $0x31, v12;
	v7 =	vadd.s32 v7, v2  }
0x13d: {  	v12 =	vld.idx.msk [tilespmem:v4+s5+$0x0], $0xffff;
	v4 =	vadd.s32 v8, v2;
	v8 =	vmul.u32 $0x31, v13;
	v13 =	vmul.u32 $0x31, v14  }
0x13e: {  	v19 =	vld.idx.msk [tilespmem:v5+s5+$0x0], $0xffff;
	v5 =	vadd.s32 v10, v2  }
0x13f: {  	v14 =	vadd.s32 v8, v2;
	v8 =	vld.idx.msk [tilespmem:v3+s5+$0x0], $0xffff;
	v3 =	vadd.s32 v13, v2;
	v13 =	vmul.u32 $0x31, v18  }
0x140: {  	v10 =	vld.idx.msk [tilespmem:v6+s5+$0x0], $0xffff  }
0x141: {  	v6 =	vmul.u32 $0x31, v15;
	v9 =	vld.idx.msk [tilespmem:v9+s5+$0x0], $0xffff;
	v13 =	vadd.s32 v13, v2  }
0x142: {  	v7 =	vld.idx.msk [tilespmem:v7+s5+$0x0], $0xffff  }
0x143: {  	v15 =	vadd.s32 v6, v2;
	v6 =	vld.idx.msk [tilespmem:v4+s5+$0x0], $0xffff  }
0x144: {  	v18 =	vld.idx.msk [tilespmem:v5+s5+$0x0], $0xffff  }
0x145: {  	v5 =	vld.idx.msk [tilespmem:v14+s5+$0x0], $0xffff  }
0x146: {  	v13 =	vld.idx.msk [tilespmem:v13+s5+$0x0], $0xffff  }
0x147: {  	v4 =	vld.idx.msk [tilespmem:v3+s5+$0x0], $0xffff  }
0x148: {  	v3 =	vld.idx.msk [tilespmem:v15+s5+$0x0], $0xffff  }
0x149: {  	v16 =	vmul.f32 v17, v16;
	v15 =	vld [tilespmem:s2+$0xFFFFFFD0]  }
0x14a: {  	s7 =	simm.s32 $0x6460;
	v14 =	vld [tilespmem:s2+$0xFFFFFFE0];
	v11 =	vmul.f32 v11, v18  }
0x14b: {  	[tilespmem:s7+$0x60] =	vst v16;
	v16 =	vmul.f32 v20, v13;
	v13 =	vld [tilespmem:s2+$0xFFFFFFF0]  }
0x14c: {  	v17 =	vmul.f32 v21, v12;
	[tilespmem:s10+$0x6400] =	vst v11;
	v11 =	vld [tilespmem:s2+$0x0]  }
0x14d: {  	s30 =	simm.s32 $0xD0;
	s31 =	smov.u32 s13;
	v12 =	vld [tilespmem:s2+$0x10];
	s10 =	simm.s32 $0x0;
	[tilespmem:s7+$0xFFFFFFA0] =	vst v16;
	v16 =	vmul.f32 v22, v19  }
.LBB2_7:
0x14e: {  	s12 =	sadd.s32 $0x80, s30;
	[tilespmem:s7+$0xFFFFFFB0] =	vst v17;
	v10 =	vmul.f32 v15, v10;
	v15 =	vld [tilespmem:s2+$0x30]  }
0x14f: {  	s14 =	sand.u32 $0x70, s30;
	s12 =	sand.u32 $0x780, s12;
	[tilespmem:s7+$0xFFFFFFC0] =	vst v16;
	v8 =	vmul.f32 v14, v8;
	v14 =	vld [tilespmem:s2+$0x40]  }
0x150: {  	s12 =	sor.u32 s14, s12;
	[tilespmem:s7+$0xFFFFFFD0] =	vst v10;
	v9 =	vmul.f32 v13, v9;
	v10 =	vld [tilespmem:s2+$0x50]  }
0x151: {  	s31 =	sadd.s32 $0xD0, s31;
	v13 =	vld [tilespmem:s12+$0x6180];
	[tilespmem:s7+$0xFFFFFFE0] =	vst v8;
	v7 =	vmul.f32 v11, v7  }
0x152: {  	s10 =	sadd.s32 $0xD, s10;
	v8 =	vld [tilespmem:s31+$0x60];
	[tilespmem:s7+$0xFFFFFFF0] =	vst v9;
	v6 =	vmul.f32 v12, v6  }
0x153: {  	p1 =	slt.u32 s10, $0x1A;
	v9 =	vld [tilespmem:s31+$0xFFFFFFB0];
	[tilespmem:s7+$0x0] =	vst v7;
	v5 =	vmul.f32 v15, v5  }
0x154: {  	v7 =	vld [tilespmem:s31+$0xFFFFFFC0];
	[tilespmem:s7+$0x10] =	vst v6;
	v4 =	vmul.f32 v14, v4  }
0x155: {  	v6 =	vld [tilespmem:s31+$0xFFFFFFD0];
	[tilespmem:s7+$0x30] =	vst v5;
	v3 =	vmul.f32 v10, v3  }
0x156: {  	v5 =	vld [tilespmem:s31+$0xFFFFFFE0];
	[tilespmem:s7+$0x40] =	vst v4  }
0x157: {  	v4 =	vld [tilespmem:s31+$0xFFFFFFF0];
	v8 =	vmul.u32 $0x31, v8;
	[tilespmem:s7+$0x50] =	vst v3  }
0x158: {  	v3 =	vmul.u32 $0x31, v9;
	v9 =	vld [tilespmem:s31+$0x0]  }
0x159: {  	v7 =	vmul.u32 $0x31, v7;
	v10 =	vld [tilespmem:s31+$0x10];
	v8 =	vadd.s32 v8, v2  }
0x15a: {  	v3 =	vadd.s32 v3, v2;
	v6 =	vmul.u32 $0x31, v6;
	v11 =	vld [tilespmem:s31+$0x20]  }
0x15b: {  	v7 =	vadd.s32 v7, v2;
	v5 =	vmul.u32 $0x31, v5;
	v12 =	vld [tilespmem:s31+$0x30]  }
0x15c: {  	v6 =	vadd.s32 v6, v2;
	v4 =	vmul.u32 $0x31, v4;
	v14 =	vld [tilespmem:s31+$0x40]  }
0x15d: {  	v5 =	vadd.s32 v5, v2;
	v9 =	vmul.u32 $0x31, v9;
	v15 =	vld [tilespmem:s31+$0x50]  }
0x15e: {  	s2 =	sadd.s32 $0xD0, s2;
	v4 =	vadd.s32 v4, v2;
	v10 =	vmul.u32 $0x31, v10;
	v16 =	vld.idx.msk [tilespmem:v8+s5+$0x0], $0xffff  }
0x15f: {  	v17 =	vadd.s32 v9, v2;
	v8 =	vmul.u32 $0x31, v11;
	v9 =	vld [tilespmem:s2+$0x60]  }
0x160: {  	v11 =	vld [tilespmem:s31+$0xFFFFFFA0];
	v18 =	vadd.s32 v10, v2;
	v10 =	vmul.u32 $0x31, v12  }
0x161: {  	v12 =	vld.idx.msk [tilespmem:v3+s5+$0x0], $0xffff;
	v3 =	vadd.s32 v8, v2;
	v8 =	vmul.u32 $0x31, v14  }
0x162: {  	v19 =	vld.idx.msk [tilespmem:v7+s5+$0x0], $0xffff;
	v14 =	vadd.s32 v10, v2;
	v7 =	vmul.u32 $0x31, v15  }
0x163: {  	v10 =	vld.idx.msk [tilespmem:v6+s5+$0x0], $0xffff;
	v15 =	vadd.s32 v8, v2  }
0x164: {  	v8 =	vld.idx.msk [tilespmem:v5+s5+$0x0], $0xffff;
	v20 =	vadd.s32 v7, v2;
	v5 =	vmul.f32 v9, v16  }
0x165: {  	s7 =	sadd.s32 $0xD0, s7;
	v6 =	vmul.u32 $0x31, v11;
	v9 =	vld.idx.msk [tilespmem:v4+s5+$0x0], $0xffff  }
0x166: {  	v7 =	vld.idx.msk [tilespmem:v17+s5+$0x0], $0xffff;
	[tilespmem:s7+$0x60] =	vst v5  }
0x167: {  	v11 =	vadd.s32 v6, v2;
	v6 =	vld.idx.msk [tilespmem:v18+s5+$0x0], $0xffff  }
0x168: {  	v16 =	vld.idx.msk [tilespmem:v3+s5+$0x0], $0xffff  }
0x169: {  	v5 =	vld.idx.msk [tilespmem:v14+s5+$0x0], $0xffff  }
0x16a: {  	v4 =	vld.idx.msk [tilespmem:v15+s5+$0x0], $0xffff  }
0x16b: {  	v3 =	vld.idx.msk [tilespmem:v20+s5+$0x0], $0xffff  }
0x16c: {  	v11 =	vld.idx.msk [tilespmem:v11+s5+$0x0], $0xffff  }
0x16d: {  	v17 =	vld [tilespmem:s2+$0xFFFFFFA0]  }
0x16e: {  	v13 =	vmul.f32 v13, v16;
	v18 =	vld [tilespmem:s2+$0xFFFFFFB0]  }
0x16f: {  	v16 =	vld [tilespmem:s2+$0xFFFFFFC0]  }
.Ltmp4:
0x170: {  	v15 =	vld [tilespmem:s2+$0xFFFFFFD0];
	[tilespmem:s12+$0x6400] =	vst v13;
	(pc) =	sbr.rel @p1 .LBB2_7-.Ltmp4, $4  }
0x171: {  	v14 =	vld [tilespmem:s2+$0xFFFFFFE0]  }
0x172: {  	v20 =	vmul.f32 v17, v11;
	v13 =	vld [tilespmem:s2+$0xFFFFFFF0]  }
0x173: {  	v17 =	vmul.f32 v18, v12;
	v11 =	vld [tilespmem:s2+$0x0]  }
0x174: {  	s30 =	sadd.s32 $0xD0, s30;
	[tilespmem:s7+$0xFFFFFFA0] =	vst v20;
	v16 =	vmul.f32 v16, v19;
	v12 =	vld [tilespmem:s2+$0x10]  }
0x175: {  	[tilespmem:s7+$0xFFFFFFB0] =	vst v17;
	v2 =	vmul.f32 v15, v10;
	v10 =	vld [tilespmem:s2+$0x30]  }
0x176: {  	[tilespmem:s7+$0xFFFFFFC0] =	vst v16;
	v8 =	vmul.f32 v14, v8;
	v14 =	vld [tilespmem:s2+$0x40]  }
0x177: {  	[tilespmem:s7+$0xFFFFFFD0] =	vst v2;
	v2 =	vmul.f32 v13, v9;
	v9 =	vld [tilespmem:s2+$0x50]  }
0x178: {  	[tilespmem:s7+$0xFFFFFFE0] =	vst v8;
	v7 =	vmul.f32 v11, v7  }
0x179: {  	[tilespmem:s7+$0xFFFFFFF0] =	vst v2;
	v2 =	vmul.f32 v12, v6  }
0x17a: {  	[tilespmem:s7+$0x0] =	vst v7;
	v5 =	vmul.f32 v10, v5  }
0x17b: {  	s28 =	smul.u32 $0x13800, s0;
	[tilespmem:s7+$0x10] =	vst v2;
	v2 =	vmul.f32 v14, v4  }
0x17c: {  	[tilespmem:s7+$0x30] =	vst v5;
	v3 =	vmul.f32 v9, v3  }
0x17d: {  	s2 =	sshra.s32 s28, $0x2;
	[tilespmem:s7+$0x40] =	vst v2  }
0x17e: {  	s2 =	sadd.s32 s2, s9;
	[tilespmem:s7+$0x50] =	vst v3  }
0x17f: {  	[spmem:s2] =	stream.linear.scatter [tilespmem:s16], [sflag:$0x3], $0x270, $0x38;
	[tilespmem:$0x1EE00] =	vst v63  }
0x180: {  	s2 =	simm.s32 @!p0 $0x4  }
0x181: {  	s29 =	simm.s32 $0x0;
	s10 =	simm.s32 $0x80;
	_ =	swait.ge @!p0 [sflag:s2], $0x270  }
0x182: {  	s10 =	sand.u32 $0x780, s10;
	s7 =	sand.u32 $0x70, s29;
	[sflag:s2] =	ssyncset.done @!p0 $0x0  }
0x183: {  	s10 =	sor.u32 s7, s10;
	[sflag:s2] =	ssyncadd.s32 @!p0 $0xFFFFFD90  }
0x184: {  	v11 =	vld [tilespmem:s10+$0x6180]  }
0x185: {  	v3 =	vld [tilespmem:s13+$0x60]  }
0x186: {  	v4 =	vld [tilespmem:s13+$0xFFFFFFB0]  }
0x187: {  	v5 =	vld [tilespmem:s13+$0xFFFFFFC0]  }
0x188: {  	v6 =	vld [tilespmem:s13+$0xFFFFFFD0]  }
0x189: {  	v7 =	vld [tilespmem:s13+$0xFFFFFFE0]  }
0x18a: {  	s1 =	sor.u32 $0x1, s1;
	v8 =	vld [tilespmem:s13+$0xFFFFFFF0]  }
0x18b: {  	v2 =	vmov s1;
	v9 =	vld [tilespmem:s13+$0x0]  }
0x18c: {  	v2 =	vadd.s32 $0x1, v2;
	v10 =	vld [tilespmem:s13+$0x10]  }
0x18d: {  	v2 =	vbroadcast v2, $0x0;
	v12 =	vld [tilespmem:s13+$0x20];
	v3 =	vmul.u32 $0x31, v3  }
0x18e: {  	v13 =	vld [tilespmem:s13+$0x30]  }
0x18f: {  	v14 =	vld [tilespmem:s13+$0x40];
	v3 =	vadd.s32 v3, v2  }
0x190: {  	s2 =	simm.s32 $0x61E0;
	v15 =	vld [tilespmem:s13+$0x50];
	v4 =	vmul.u32 $0x31, v4  }
0x191: {  	v17 =	vld [tilespmem:s2+$0x60];
	v5 =	vmul.u32 $0x31, v5  }
0x192: {  	v18 =	vld [tilespmem:s13+$0xFFFFFFA0];
	v7 =	vmul.u32 $0x31, v7;
	v4 =	vadd.s32 v4, v2  }
0x193: {  	v20 =	vld [tilespmem:s2+$0xFFFFFFA0];
	v6 =	vmul.u32 $0x31, v6;
	v8 =	vmul.u32 $0x31, v8;
	v5 =	vadd.s32 v5, v2  }
0x194: {  	v16 =	vld.idx.msk [tilespmem:v3+s5+$0x0], $0xffff;
	v3 =	vadd.s32 v7, v2;
	v7 =	vmul.u32 $0x31, v9  }
0x195: {  	v21 =	vld [tilespmem:s2+$0xFFFFFFB0];
	v6 =	vadd.s32 v6, v2;
	v9 =	vadd.s32 v8, v2;
	v8 =	vmul.u32 $0x31, v10  }
0x196: {  	v22 =	vld [tilespmem:s2+$0xFFFFFFC0];
	v10 =	vmul.u32 $0x31, v12;
	v7 =	vadd.s32 v7, v2  }
0x197: {  	v12 =	vld.idx.msk [tilespmem:v4+s5+$0x0], $0xffff;
	v4 =	vadd.s32 v8, v2;
	v8 =	vmul.u32 $0x31, v13;
	v13 =	vmul.u32 $0x31, v14  }
0x198: {  	v19 =	vld.idx.msk [tilespmem:v5+s5+$0x0], $0xffff;
	v5 =	vadd.s32 v10, v2  }
0x199: {  	v14 =	vadd.s32 v8, v2;
	v8 =	vld.idx.msk [tilespmem:v3+s5+$0x0], $0xffff;
	v3 =	vadd.s32 v13, v2;
	v13 =	vmul.u32 $0x31, v18  }
0x19a: {  	v10 =	vld.idx.msk [tilespmem:v6+s5+$0x0], $0xffff  }
0x19b: {  	v6 =	vmul.u32 $0x31, v15;
	v9 =	vld.idx.msk [tilespmem:v9+s5+$0x0], $0xffff;
	v13 =	vadd.s32 v13, v2  }
0x19c: {  	v7 =	vld.idx.msk [tilespmem:v7+s5+$0x0], $0xffff  }
0x19d: {  	v15 =	vadd.s32 v6, v2;
	v6 =	vld.idx.msk [tilespmem:v4+s5+$0x0], $0xffff  }
0x19e: {  	v18 =	vld.idx.msk [tilespmem:v5+s5+$0x0], $0xffff  }
0x19f: {  	v5 =	vld.idx.msk [tilespmem:v14+s5+$0x0], $0xffff  }
0x1a0: {  	v13 =	vld.idx.msk [tilespmem:v13+s5+$0x0], $0xffff  }
0x1a1: {  	v4 =	vld.idx.msk [tilespmem:v3+s5+$0x0], $0xffff  }
0x1a2: {  	v3 =	vld.idx.msk [tilespmem:v15+s5+$0x0], $0xffff  }
0x1a3: {  	v16 =	vmul.f32 v17, v16;
	v15 =	vld [tilespmem:s2+$0xFFFFFFD0]  }
0x1a4: {  	s7 =	simm.s32 $0x66E0;
	v14 =	vld [tilespmem:s2+$0xFFFFFFE0];
	v11 =	vmul.f32 v11, v18  }
0x1a5: {  	[tilespmem:s7+$0x60] =	vst v16;
	v16 =	vmul.f32 v20, v13;
	v13 =	vld [tilespmem:s2+$0xFFFFFFF0]  }
0x1a6: {  	v17 =	vmul.f32 v21, v12;
	[tilespmem:s10+$0x6680] =	vst v11;
	v11 =	vld [tilespmem:s2+$0x0]  }
0x1a7: {  	s30 =	simm.s32 $0xD0;
	s31 =	smov.u32 s13;
	v12 =	vld [tilespmem:s2+$0x10];
	s10 =	simm.s32 $0x0;
	[tilespmem:s7+$0xFFFFFFA0] =	vst v16;
	v16 =	vmul.f32 v22, v19  }
.LBB2_9:
0x1a8: {  	s12 =	sadd.s32 $0x80, s30;
	[tilespmem:s7+$0xFFFFFFB0] =	vst v17;
	v10 =	vmul.f32 v15, v10;
	v15 =	vld [tilespmem:s2+$0x30]  }
0x1a9: {  	s14 =	sand.u32 $0x70, s30;
	s12 =	sand.u32 $0x780, s12;
	[tilespmem:s7+$0xFFFFFFC0] =	vst v16;
	v8 =	vmul.f32 v14, v8;
	v14 =	vld [tilespmem:s2+$0x40]  }
0x1aa: {  	s12 =	sor.u32 s14, s12;
	[tilespmem:s7+$0xFFFFFFD0] =	vst v10;
	v9 =	vmul.f32 v13, v9;
	v10 =	vld [tilespmem:s2+$0x50]  }
0x1ab: {  	s31 =	sadd.s32 $0xD0, s31;
	v13 =	vld [tilespmem:s12+$0x6180];
	[tilespmem:s7+$0xFFFFFFE0] =	vst v8;
	v7 =	vmul.f32 v11, v7  }
0x1ac: {  	s10 =	sadd.s32 $0xD, s10;
	v8 =	vld [tilespmem:s31+$0x60];
	[tilespmem:s7+$0xFFFFFFF0] =	vst v9;
	v6 =	vmul.f32 v12, v6  }
0x1ad: {  	p0 =	slt.u32 s10, $0x1A;
	v9 =	vld [tilespmem:s31+$0xFFFFFFB0];
	[tilespmem:s7+$0x0] =	vst v7;
	v5 =	vmul.f32 v15, v5  }
0x1ae: {  	v7 =	vld [tilespmem:s31+$0xFFFFFFC0];
	[tilespmem:s7+$0x10] =	vst v6;
	v4 =	vmul.f32 v14, v4  }
0x1af: {  	v6 =	vld [tilespmem:s31+$0xFFFFFFD0];
	[tilespmem:s7+$0x30] =	vst v5;
	v3 =	vmul.f32 v10, v3  }
0x1b0: {  	v5 =	vld [tilespmem:s31+$0xFFFFFFE0];
	[tilespmem:s7+$0x40] =	vst v4  }
0x1b1: {  	v4 =	vld [tilespmem:s31+$0xFFFFFFF0];
	v8 =	vmul.u32 $0x31, v8;
	[tilespmem:s7+$0x50] =	vst v3  }
0x1b2: {  	v3 =	vmul.u32 $0x31, v9;
	v9 =	vld [tilespmem:s31+$0x0]  }
0x1b3: {  	v7 =	vmul.u32 $0x31, v7;
	v10 =	vld [tilespmem:s31+$0x10];
	v8 =	vadd.s32 v8, v2  }
0x1b4: {  	v3 =	vadd.s32 v3, v2;
	v6 =	vmul.u32 $0x31, v6;
	v11 =	vld [tilespmem:s31+$0x20]  }
0x1b5: {  	v7 =	vadd.s32 v7, v2;
	v5 =	vmul.u32 $0x31, v5;
	v12 =	vld [tilespmem:s31+$0x30]  }
0x1b6: {  	v6 =	vadd.s32 v6, v2;
	v4 =	vmul.u32 $0x31, v4;
	v14 =	vld [tilespmem:s31+$0x40]  }
0x1b7: {  	v5 =	vadd.s32 v5, v2;
	v9 =	vmul.u32 $0x31, v9;
	v15 =	vld [tilespmem:s31+$0x50]  }
0x1b8: {  	s2 =	sadd.s32 $0xD0, s2;
	v4 =	vadd.s32 v4, v2;
	v10 =	vmul.u32 $0x31, v10;
	v16 =	vld.idx.msk [tilespmem:v8+s5+$0x0], $0xffff  }
0x1b9: {  	v17 =	vadd.s32 v9, v2;
	v8 =	vmul.u32 $0x31, v11;
	v9 =	vld [tilespmem:s2+$0x60]  }
0x1ba: {  	v11 =	vld [tilespmem:s31+$0xFFFFFFA0];
	v18 =	vadd.s32 v10, v2;
	v10 =	vmul.u32 $0x31, v12  }
0x1bb: {  	v12 =	vld.idx.msk [tilespmem:v3+s5+$0x0], $0xffff;
	v3 =	vadd.s32 v8, v2;
	v8 =	vmul.u32 $0x31, v14  }
0x1bc: {  	v19 =	vld.idx.msk [tilespmem:v7+s5+$0x0], $0xffff;
	v14 =	vadd.s32 v10, v2;
	v7 =	vmul.u32 $0x31, v15  }
0x1bd: {  	v10 =	vld.idx.msk [tilespmem:v6+s5+$0x0], $0xffff;
	v15 =	vadd.s32 v8, v2  }
0x1be: {  	v8 =	vld.idx.msk [tilespmem:v5+s5+$0x0], $0xffff;
	v20 =	vadd.s32 v7, v2;
	v5 =	vmul.f32 v9, v16  }
0x1bf: {  	s7 =	sadd.s32 $0xD0, s7;
	v6 =	vmul.u32 $0x31, v11;
	v9 =	vld.idx.msk [tilespmem:v4+s5+$0x0], $0xffff  }
0x1c0: {  	v7 =	vld.idx.msk [tilespmem:v17+s5+$0x0], $0xffff;
	[tilespmem:s7+$0x60] =	vst v5  }
0x1c1: {  	v11 =	vadd.s32 v6, v2;
	v6 =	vld.idx.msk [tilespmem:v18+s5+$0x0], $0xffff  }
0x1c2: {  	v16 =	vld.idx.msk [tilespmem:v3+s5+$0x0], $0xffff  }
0x1c3: {  	v5 =	vld.idx.msk [tilespmem:v14+s5+$0x0], $0xffff  }
0x1c4: {  	v4 =	vld.idx.msk [tilespmem:v15+s5+$0x0], $0xffff  }
0x1c5: {  	v3 =	vld.idx.msk [tilespmem:v20+s5+$0x0], $0xffff  }
0x1c6: {  	v11 =	vld.idx.msk [tilespmem:v11+s5+$0x0], $0xffff  }
0x1c7: {  	v17 =	vld [tilespmem:s2+$0xFFFFFFA0]  }
0x1c8: {  	v13 =	vmul.f32 v13, v16;
	v18 =	vld [tilespmem:s2+$0xFFFFFFB0]  }
0x1c9: {  	v16 =	vld [tilespmem:s2+$0xFFFFFFC0]  }
.Ltmp5:
0x1ca: {  	v15 =	vld [tilespmem:s2+$0xFFFFFFD0];
	[tilespmem:s12+$0x6680] =	vst v13;
	(pc) =	sbr.rel @p0 .LBB2_9-.Ltmp5, $4  }
0x1cb: {  	v14 =	vld [tilespmem:s2+$0xFFFFFFE0]  }
0x1cc: {  	v20 =	vmul.f32 v17, v11;
	v13 =	vld [tilespmem:s2+$0xFFFFFFF0]  }
0x1cd: {  	v17 =	vmul.f32 v18, v12;
	v11 =	vld [tilespmem:s2+$0x0]  }
0x1ce: {  	s30 =	sadd.s32 $0xD0, s30;
	[tilespmem:s7+$0xFFFFFFA0] =	vst v20;
	v16 =	vmul.f32 v16, v19;
	v12 =	vld [tilespmem:s2+$0x10]  }
0x1cf: {  	[tilespmem:s7+$0xFFFFFFB0] =	vst v17;
	v2 =	vmul.f32 v15, v10;
	v61 =	vld [tilespmem:s2+$0x30]  }
0x1d0: {  	v63 =	vld [tilespmem:s2+$0x50];
	[tilespmem:s7+$0xFFFFFFC0] =	vst v16;
	v8 =	vmul.f32 v14, v8  }
0x1d1: {  	v62 =	vld [tilespmem:s2+$0x40];
	[tilespmem:s7+$0xFFFFFFD0] =	vst v2;
	v2 =	vmul.f32 v13, v9  }
0x1d2: {  	[tilespmem:s7+$0xFFFFFFE0] =	vst v8;
	v7 =	vmul.f32 v11, v7  }
0x1d3: {  	s0 =	sadd.s32 $0x1, s0;
	[tilespmem:s7+$0xFFFFFFF0] =	vst v2;
	v2 =	vmul.f32 v12, v6  }
0x1d4: {  	s1 =	smul.u32 $0x9C00, s1;
	p0 =	sne.s32 s0, $0x18;
	[tilespmem:s7+$0x0] =	vst v7;
	v5 =	vmul.f32 v61, v5  }
.Ltmp6:
0x1d5: {  	v3 =	vmul.f32 v63, v3;
	[tilespmem:s7+$0x10] =	vst v2;
	(pc) =	sbr.rel @p0 .LBB2_6-.Ltmp6, $4  }
0x1d6: {  	v2 =	vmul.f32 v62, v4;
	[tilespmem:s7+$0x30] =	vst v5  }
0x1d7: {  	s1 =	sshra.s32 s1, $0x2;
	[tilespmem:s7+$0x50] =	vst v3  }
0x1d8: {  	s1 =	sadd.s32 s1, s9;
	[tilespmem:s7+$0x40] =	vst v2  }
0x1d9: {  	[spmem:s1] =	stream.linear.scatter [tilespmem:s17], [sflag:$0x4], $0x270, $0x38;
	[tilespmem:$0x1EE00] =	vst v63  }
0x1da: {  	s0 =	simm.s32 $0x3  }
0x1db: {  	_ =	swait.ge [sflag:s0], $0x270  }
0x1dc: {  	[sflag:s0] =	ssyncset.done $0x0  }
0x1dd: {  	s31 =	simm.s32 $0x4;
	[sflag:s0] =	ssyncadd.s32 $0xFFFFFD90  }
0x1de: {  	_ =	swait.ge [sflag:s31], $0x270  }
0x1df: {  	[sflag:s31] =	ssyncset.done $0x0  }
0x1e0: {  	s30 =	simm.s32 $0x0;
	[sflag:s31] =	ssyncadd.s32 $0xFFFFFD90  }
0x1e1: {  	s1 =	simm.s32 $0x5E;
	s0 =	simm.s32 $0x1;
	[bflag:$0x0] =	sbarrier.arrive $0xFFFF  }
.LBB2_12:
0x1e2: {  	s2 =	smul.u32 s0, s1;
	_ =	sdelay $0x1  }
0x1e3: {  	s2 =	sshrl.u32 s2, $0x1  }
0x1e4: {  	p0 =	sle.u32 s2, s8;
	s2 =	simm.s32 $0x1  }
0x1e5: {  	s2 =	simm.s32 @!p0 $0x0;
	p0 =	sne.s32 s1, $0x30  }
.Ltmp7:
0x1e6: {  	_ = 	snop;
	(pc) =	sbr.rel @p0 .LBB2_12-.Ltmp7, $2  }
0x1e7: {  	_ =	sdelay $0x2  }
0x1e8: {  	s0 =	sadd.s32 $0x1, s0;
	s1 =	sadd.s32 $0xFFFFFFFF, s1;
	s30 =	sadd.s32 s2, s30  }
0x1e9: {  	s1 =	simm.s32 $0x13D0  }
0x1ea: {  	v3 =	vld [tilespmem:s1+$0x40]  }
0x1eb: {  	s0 =	simm.s32 $0x0;
	v5 =	vld [tilespmem:s1+$0xFFFFFFC0]  }
0x1ec: {  	s2 =	sand.u32 $0x3FE0, s0;
	v6 =	vld [tilespmem:s1+$0xFFFFFFD0]  }
0x1ed: {  	v4 =	vld [tilespmem:s2+$0x1400]  }
0x1ee: {  	v2 =	vmov s30;
	v7 =	vld [tilespmem:s1+$0xFFFFFFE0]  }
0x1ef: {  	v2 =	vadd.s32 $0x1, v2;
	v8 =	vld [tilespmem:s1+$0xFFFFFFF0]  }
0x1f0: {  	v9 =	vld [tilespmem:s1+$0x0];
	v2 =	vbroadcast v2, $0x0;
	v3 =	vmul.u32 $0x31, v3  }
0x1f1: {  	v12 =	vld [tilespmem:s1+$0x20];
	v5 =	vmul.u32 $0x31, v5  }
0x1f2: {  	v10 =	vld [tilespmem:s1+$0x10];
	v4 =	vmul.u32 $0x31, v4;
	v3 =	vadd.s32 v3, v2  }
0x1f3: {  	v11 =	vld [tilespmem:s1+$0xFFFFFFB0];
	s0 =	simm.s32 $0x3AD0;
	v7 =	vmul.u32 $0x31, v7;
	v5 =	vadd.s32 v5, v2  }
0x1f4: {  	v14 =	vld [tilespmem:s0+$0x40];
	v4 =	vadd.s32 v4, v2  }
0x1f5: {  	v18 =	vld [tilespmem:s0+$0xFFFFFFB0];
	v6 =	vmul.u32 $0x31, v6;
	v7 =	vadd.s32 v7, v2  }
0x1f6: {  	v19 =	vld [tilespmem:s0+$0xFFFFFFC0];
	v8 =	vmul.u32 $0x31, v8;
	v12 =	vmul.u32 $0x31, v12  }
0x1f7: {  	v9 =	vmul.u32 $0x31, v9;
	v6 =	vadd.s32 v6, v2;
	v15 =	vld.idx.msk [tilespmem:v3+s5+$0x0], $0xffff  }
0x1f8: {  	v12 =	vadd.s32 v12, v2;
	v3 =	vadd.s32 v8, v2;
	v16 =	vld.idx.msk [tilespmem:v5+s5+$0x0], $0xffff  }
0x1f9: {  	v8 =	vmul.u32 $0x31, v10;
	v10 =	vld.idx.msk [tilespmem:v4+s5+$0x0], $0xffff;
	v4 =	vadd.s32 v9, v2;
	v9 =	vmul.u32 $0x31, v11  }
0x1fa: {  	v7 =	vld.idx.msk [tilespmem:v7+s5+$0x0], $0xffff  }
0x1fb: {  	v11 =	vld [tilespmem:s2+$0x3B00];
	v9 =	vadd.s32 v9, v2  }
0x1fc: {  	v13 =	vadd.s32 v8, v2;
	v8 =	vld.idx.msk [tilespmem:v6+s5+$0x0], $0xffff  }
0x1fd: {  	v6 =	vld.idx.msk [tilespmem:v3+s5+$0x0], $0xffff  }
0x1fe: {  	v3 =	vld.idx.msk [tilespmem:v12+s5+$0x0], $0xffff  }
0x1ff: {  	v5 =	vld.idx.msk [tilespmem:v4+s5+$0x0], $0xffff  }
0x200: {  	v17 =	vld.idx.msk [tilespmem:v9+s5+$0x0], $0xffff  }
0x201: {  	v4 =	vld.idx.msk [tilespmem:v13+s5+$0x0], $0xffff  }
0x202: {  	v13 =	vld [tilespmem:s0+$0xFFFFFFD0]  }
0x203: {  	v12 =	vld [tilespmem:s0+$0xFFFFFFE0];
	v9 =	vmul.f32 v14, v15  }
0x204: {  	s1 =	simm.s32 $0x6950;
	v10 =	vmul.f32 v11, v10;
	v11 =	vld [tilespmem:s0+$0xFFFFFFF0]  }
0x205: {  	[tilespmem:s1+$0x40] =	vst v9;
	v9 =	vld [tilespmem:s0+$0x0];
	v15 =	vmul.f32 v18, v17  }
0x206: {  	s7 =	simm.s32 $0x1470;
	s10 =	simm.s32 $0xA0;
	[tilespmem:s2+$0x6980] =	vst v10;
	s2 =	simm.s32 $0x0;
	v14 =	vmul.f32 v19, v16;
	v10 =	vld [tilespmem:s0+$0x10]  }
.LBB2_14:
0x207: {  	s12 =	sand.u32 $0x3FE0, s10;
	v16 =	vld [tilespmem:s7+$0x40];
	s2 =	sadd.s32 $0xA, s2;
	[tilespmem:s1+$0xFFFFFFB0] =	vst v15;
	v8 =	vmul.f32 v13, v8  }
0x208: {  	v13 =	vld [tilespmem:s12+$0x1400];
	p0 =	slt.u32 s2, $0x262;
	[tilespmem:s1+$0xFFFFFFC0] =	vst v14;
	v7 =	vmul.f32 v12, v7  }
0x209: {  	v12 =	vld [tilespmem:s7+$0xFFFFFFC0];
	[tilespmem:s1+$0xFFFFFFD0] =	vst v8;
	v6 =	vmul.f32 v11, v6  }
0x20a: {  	v8 =	vld [tilespmem:s7+$0xFFFFFFD0];
	[tilespmem:s1+$0xFFFFFFE0] =	vst v7;
	v5 =	vmul.f32 v9, v5  }
0x20b: {  	v7 =	vld [tilespmem:s7+$0xFFFFFFE0];
	[tilespmem:s1+$0xFFFFFFF0] =	vst v6;
	v4 =	vmul.f32 v10, v4  }
0x20c: {  	v6 =	vld [tilespmem:s7+$0xFFFFFFF0];
	v9 =	vmul.u32 $0x31, v16;
	[tilespmem:s1+$0x0] =	vst v5  }
0x20d: {  	v5 =	vld [tilespmem:s7+$0x0];
	v10 =	vmul.u32 $0x31, v13;
	[tilespmem:s1+$0x10] =	vst v4  }
0x20e: {  	v4 =	vmul.u32 $0x31, v12;
	v11 =	vld [tilespmem:s7+$0x10];
	v9 =	vadd.s32 v9, v2  }
0x20f: {  	v8 =	vmul.u32 $0x31, v8;
	v12 =	vld [tilespmem:s7+$0x20];
	v10 =	vadd.s32 v10, v2  }
0x210: {  	v13 =	vld [tilespmem:s7+$0xFFFFFFB0];
	v4 =	vadd.s32 v4, v2;
	v7 =	vmul.u32 $0x31, v7  }
0x211: {  	v8 =	vadd.s32 v8, v2;
	v6 =	vmul.u32 $0x31, v6;
	v14 =	vld [tilespmem:s0+$0x20];
	s0 =	sadd.s32 $0xA0, s0  }
0x212: {  	v7 =	vadd.s32 v7, v2;
	v5 =	vmul.u32 $0x31, v5;
	v15 =	vld [tilespmem:s0+$0x40]  }
0x213: {  	v6 =	vadd.s32 v6, v2;
	v11 =	vmul.u32 $0x31, v11;
	v9 =	vld.idx.msk [tilespmem:v9+s5+$0x0], $0xffff  }
0x214: {  	v5 =	vadd.s32 v5, v2;
	v12 =	vmul.u32 $0x31, v12;
	v10 =	vld.idx.msk [tilespmem:v10+s5+$0x0], $0xffff  }
0x215: {  	v13 =	vmul.u32 $0x31, v13;
	v11 =	vadd.s32 v11, v2;
	v16 =	vld [tilespmem:s12+$0x3B00]  }
0x216: {  	v17 =	vld.idx.msk [tilespmem:v4+s5+$0x0], $0xffff;
	v12 =	vadd.s32 v12, v2;
	v3 =	vmul.f32 v14, v3  }
0x217: {  	v13 =	vadd.s32 v13, v2;
	v8 =	vld.idx.msk [tilespmem:v8+s5+$0x0], $0xffff  }
0x218: {  	v7 =	vld.idx.msk [tilespmem:v7+s5+$0x0], $0xffff;
	[tilespmem:s1+$0x20] =	vst v3  }
0x219: {  	v3 =	vmul.f32 v15, v9;
	v6 =	vld.idx.msk [tilespmem:v6+s5+$0x0], $0xffff  }
0x21a: {  	s1 =	sadd.s32 $0xA0, s1;
	v5 =	vld.idx.msk [tilespmem:v5+s5+$0x0], $0xffff;
	v9 =	vmul.f32 v16, v10  }
0x21b: {  	v4 =	vld.idx.msk [tilespmem:v11+s5+$0x0], $0xffff;
	[tilespmem:s1+$0x40] =	vst v3  }
0x21c: {  	v10 =	vld.idx.msk [tilespmem:v13+s5+$0x0], $0xffff;
	[tilespmem:s12+$0x6980] =	vst v9  }
0x21d: {  	v3 =	vld.idx.msk [tilespmem:v12+s5+$0x0], $0xffff  }
0x21e: {  	v9 =	vld [tilespmem:s0+$0xFFFFFFB0]  }
0x21f: {  	v14 =	vld [tilespmem:s0+$0xFFFFFFC0]  }
.Ltmp8:
0x220: {  	v13 =	vld [tilespmem:s0+$0xFFFFFFD0];
	(pc) =	sbr.rel @p0 .LBB2_14-.Ltmp8, $4  }
0x221: {  	v12 =	vld [tilespmem:s0+$0xFFFFFFE0]  }
0x222: {  	v11 =	vld [tilespmem:s0+$0xFFFFFFF0]  }
0x223: {  	v15 =	vmul.f32 v9, v10;
	v9 =	vld [tilespmem:s0+$0x0]  }
0x224: {  	s10 =	sadd.s32 $0xA0, s10;
	s7 =	sadd.s32 $0xA0, s7;
	v14 =	vmul.f32 v14, v17;
	v10 =	vld [tilespmem:s0+$0x10]  }
0x225: {  	[tilespmem:s1+$0xFFFFFFB0] =	vst v15;
	v2 =	vmul.f32 v13, v8  }
0x226: {  	s2 =	ssub.s32 $0x5F, s30;
	[tilespmem:s1+$0xFFFFFFC0] =	vst v14  }
0x227: {  	v63 =	vld [tilespmem:s0+$0x20];
	s28 =	smul.u32 s30, s2;
	[tilespmem:s1+$0xFFFFFFD0] =	vst v2  }
0x228: {  	v7 =	vmul.f32 v12, v7;
	s29 =	rddreg [dreg:$0x6]  }
0x229: {  	v2 =	vmul.f32 v11, v6;
	s0 =	sshra.s32 s28, $0x1;
	s2 =	sadd.s32 s30, s29  }
0x22a: {  	[tilespmem:s1+$0xFFFFFFE0] =	vst v7;
	v5 =	vmul.f32 v9, v5;
	s7 =	ssub.s32 s2, s0  }
0x22b: {  	[tilespmem:s1+$0xFFFFFFF0] =	vst v2;
	v2 =	vmul.f32 v10, v4;
	s0 =	smul.u32 $0x9C00, s7  }
.Ltmp9:
0x22c: {  	[tilespmem:s1+$0x0] =	vst v5;
	v3 =	vmul.f32 v63, v3;
	(pc) =	sbr.rel .LBB2_16-.Ltmp9, $4  }
0x22d: {  	[tilespmem:s1+$0x10] =	vst v2;
	s0 =	sshra.s32 s0, $0x2  }
0x22e: {  	[tilespmem:s1+$0x20] =	vst v3;
	s0 =	sadd.s32 s0, s4  }
0x22f: {  	[tilespmem:s21], [sflag:$0x5] =	stream.linear.gather [spmem:s0], $0x2700, $0x38;
	[tilespmem:$0x1EE00] =	vst v63  }
0x230: {  	s31 =	simm.s32 $0x0;
	s0 =	simm.s32 $0x0  }
.LBB2_40:
0x231: {  	s1 =	sadd.s32 s1, s11;
	s0 =	sadd.s32 $0x1, s0  }
0x232: {  	s1 =	smul.u32 $0x26AC, s1;
	p1 =	sne.s32 s0, $0x9  }
.Ltmp10:
0x233: {  	_ = 	snop;
	(pc) =	sbr.rel @!p1 .LBB2_41-.Ltmp10, $4  }
0x234: {  	_ = 	snop  }
0x235: {  	s1 =	sshrl.u32 s1, $0x3  }
0x236: {  	s30 =	smov.u32 @p0 s2;
	s1 =	sadd.s32 s3, s1  }
0x237: {  	[hbm4b:s1+s5] =	stream.linear.scatter [tilespmem:s26], [sflag:$0x2], $0x4D58, $0x38;
	[tilespmem:$0x1EE00] =	vst v63  }
.LBB2_16:
0x238: {  	s7 =	sadd.s32 $0x1, s7  }
0x239: {  	s1 =	simm.s32 $0x1;
	p1 =	sgt.s32 s7, $0x2F  }
0x23a: {  	s1 =	simm.s32 @!p1 $0x0  }
0x23b: {  	s30 =	sadd.s32 s1, s30  }
0x23c: {  	p0 =	seq.s32 s0, $0x0;
	s2 =	smov.u32 s7;
	s1 =	sadd.s32 $0x1, s30  }
0x23d: {  	s10 =	simm.s32 @!p0 $0x1;
	s2 =	smov.u32 @p1 s1  }
0x23e: {  	_ =	swait.ge @!p0 [sflag:s10], $0x4D58;
	p1 =	slt.s32 s2, $0x2F;
	s12 =	smov.u32 s2  }
0x23f: {  	[sflag:s10] =	ssyncset.done @!p0 $0x0;
	s12 =	simm.s32 @!p1 $0x2F  }
0x240: {  	[sflag:s10] =	ssyncadd.s32 @!p0 $0xFFFFB2A8;
	s29 =	smul.u32 $0x9C00, s12  }
0x241: {  	_ =	swait.ge [sflag:s22], $0x2700  }
0x242: {  	[sflag:s22] =	ssyncset.done $0x0;
	s10 =	sshra.s32 s29, $0x2  }
0x243: {  	s14 =	simm.s32 $0x6950;
	[sflag:s22] =	ssyncadd.s32 $0xFFFFD900;
	s10 =	sadd.s32 s10, s4  }
0x244: {  	[tilespmem:s23], [sflag:$0x6] =	stream.linear.gather [spmem:s10], $0x2700, $0x38;
	[tilespmem:$0x1EE00] =	vst v63  }
0x245: {  	s10 =	simm.s32 $0x9050;
	v3 =	vld [tilespmem:s14+$0x40]  }
0x246: {  	s18 =	sand.u32 $0x3FE0, s31;
	v4 =	vld [tilespmem:s10+$0x40]  }
0x247: {  	v5 =	vld [tilespmem:s18+$0x6980]  }
0x248: {  	v6 =	vld [tilespmem:s18+$0x9080]  }
0x249: {  	v2 =	vld [tilespmem:s10+$0xFFFFFFB0]  }
0x24a: {  	v7 =	vld [tilespmem:s14+$0xFFFFFFC0]  }
0x24b: {  	v8 =	vld [tilespmem:s10+$0xFFFFFFC0]  }
0x24c: {  	v9 =	vld [tilespmem:s14+$0xFFFFFFD0]  }
0x24d: {  	v10 =	vld [tilespmem:s10+$0xFFFFFFD0]  }
0x24e: {  	v11 =	vld [tilespmem:s14+$0xFFFFFFE0]  }
0x24f: {  	v12 =	vld [tilespmem:s10+$0xFFFFFFE0]  }
0x250: {  	v13 =	vld [tilespmem:s14+$0xFFFFFFF0]  }
0x251: {  	v3 =	vadd.f32 v4, v3;
	v4 =	vld [tilespmem:s10+$0xFFFFFFF0]  }
0x252: {  	s12 =	simm.s32 $0xDE50;
	v14 =	vld [tilespmem:s14+$0x0];
	v5 =	vadd.f32 v6, v5;
	v6 =	vadd.f32 v8, v7  }
0x253: {  	v8 =	vld [tilespmem:s10+$0x0];
	[tilespmem:s12+$0x40] =	vst v3  }
0x254: {  	v3 =	vld [tilespmem:s14+$0x10];
	[tilespmem:s12+$0xFFFFFFC0] =	vst v6;
	v6 =	vadd.f32 v12, v11  }
0x255: {  	v7 =	vadd.f32 v10, v9;
	[tilespmem:s18+$0xDE80] =	vst v5;
	v5 =	vld [tilespmem:s10+$0x10]  }
0x256: {  	[tilespmem:s12+$0xFFFFFFE0] =	vst v6;
	v6 =	vld [tilespmem:s10+$0x20];
	v9 =	vadd.f32 v4, v13  }
0x257: {  	[tilespmem:s12+$0xFFFFFFD0] =	vst v7;
	v4 =	vld [tilespmem:s14+$0x20]  }
0x258: {  	s19 =	simm.s32 $0x69F0;
	s20 =	simm.s32 $0x0;
	s18 =	simm.s32 $0x0;
	v7 =	vld [tilespmem:s14+$0xFFFFFFB0];
	v8 =	vadd.f32 v8, v14;
	[tilespmem:s12+$0xFFFFFFF0] =	vst v9  }
.LBB2_17:
0x259: {  	v9 =	vld [tilespmem:s19+$0x40];
	s10 =	sadd.s32 $0xA0, s10;
	s20 =	sadd.s32 $0xA0, s20  }
0x25a: {  	s14 =	sand.u32 $0x3FE0, s20;
	v10 =	vld [tilespmem:s10+$0x40];
	[tilespmem:s12+$0x0] =	vst v8;
	v3 =	vadd.f32 v5, v3  }
0x25b: {  	s18 =	sadd.s32 $0xA, s18;
	v5 =	vld [tilespmem:s14+$0x6980]  }
0x25c: {  	p1 =	slt.u32 s18, $0x262;
	v8 =	vld [tilespmem:s14+$0x9080];
	[tilespmem:s12+$0x10] =	vst v3;
	v3 =	vadd.f32 v6, v4  }
0x25d: {  	v4 =	vadd.f32 v2, v7;
	v2 =	vld [tilespmem:s10+$0xFFFFFFB0]  }
0x25e: {  	v6 =	vld [tilespmem:s19+$0xFFFFFFC0];
	[tilespmem:s12+$0x20] =	vst v3  }
0x25f: {  	v3 =	vld [tilespmem:s10+$0xFFFFFFC0];
	[tilespmem:s12+$0xFFFFFFB0] =	vst v4  }
0x260: {  	v7 =	vadd.f32 v10, v9;
	v4 =	vld [tilespmem:s19+$0xFFFFFFD0]  }
0x261: {  	s12 =	sadd.s32 $0xA0, s12;
	v9 =	vld [tilespmem:s10+$0xFFFFFFD0];
	v5 =	vadd.f32 v8, v5  }
0x262: {  	v8 =	vld [tilespmem:s19+$0xFFFFFFE0];
	[tilespmem:s12+$0x40] =	vst v7  }
0x263: {  	v7 =	vld [tilespmem:s10+$0xFFFFFFE0];
	[tilespmem:s14+$0xDE80] =	vst v5  }
0x264: {  	v3 =	vadd.f32 v3, v6;
	v6 =	vld [tilespmem:s19+$0xFFFFFFF0]  }
0x265: {  	v10 =	vld [tilespmem:s10+$0xFFFFFFF0]  }
0x266: {  	[tilespmem:s12+$0xFFFFFFC0] =	vst v3;
	v3 =	vadd.f32 v9, v4;
	v9 =	vld [tilespmem:s19+$0x0]  }
0x267: {  	v11 =	vld [tilespmem:s10+$0x0]  }
.Ltmp11:
0x268: {  	[tilespmem:s12+$0xFFFFFFD0] =	vst v3;
	v4 =	vadd.f32 v7, v8;
	v3 =	vld [tilespmem:s19+$0x10];
	(pc) =	sbr.rel @p1 .LBB2_17-.Ltmp11, $4  }
0x269: {  	v5 =	vld [tilespmem:s10+$0x10]  }
0x26a: {  	[tilespmem:s12+$0xFFFFFFE0] =	vst v4;
	v8 =	vadd.f32 v10, v6;
	v4 =	vld [tilespmem:s19+$0x20]  }
0x26b: {  	v6 =	vld [tilespmem:s10+$0x20]  }
0x26c: {  	v7 =	vld [tilespmem:s19+$0xFFFFFFB0];
	[tilespmem:s12+$0xFFFFFFF0] =	vst v8;
	v8 =	vadd.f32 v11, v9;
	s19 =	sadd.s32 $0xA0, s19  }
0x26d: {  	_ = 	snop  }
0x26e: {  	p1 =	slt.s32 s7, $0x30  }
.Ltmp12:
0x26f: {  	v3 =	vadd.f32 v5, v3;
	(pc) =	sbr.rel @p1 .LBB2_22-.Ltmp12, $4  }
0x270: {  	[tilespmem:s12+$0x0] =	vst v8;
	v4 =	vadd.f32 v6, v4  }
0x271: {  	[tilespmem:s12+$0x10] =	vst v3;
	v2 =	vadd.f32 v2, v7  }
0x272: {  	[tilespmem:s12+$0x20] =	vst v4  }
0x273: {  	[tilespmem:s12+$0xFFFFFFB0] =	vst v2  }
0x274: {  	s10 =	simm.s32 $0x13D0  }
0x275: {  	v3 =	vld [tilespmem:s10+$0x40]  }
0x276: {  	s7 =	simm.s32 $0x0;
	v5 =	vld [tilespmem:s10+$0xFFFFFFC0]  }
0x277: {  	s12 =	sand.u32 $0x3FE0, s7;
	v6 =	vld [tilespmem:s10+$0xFFFFFFD0]  }
0x278: {  	v4 =	vld [tilespmem:s12+$0x1400]  }
0x279: {  	v7 =	vld [tilespmem:s10+$0xFFFFFFE0]  }
0x27a: {  	v2 =	vmov s30;
	v8 =	vld [tilespmem:s10+$0xFFFFFFF0]  }
0x27b: {  	v2 =	vadd.s32 $0x1, v2;
	v9 =	vld [tilespmem:s10+$0x0]  }
0x27c: {  	v10 =	vld [tilespmem:s10+$0x10];
	v2 =	vbroadcast v2, $0x0;
	v3 =	vmul.u32 $0x31, v3  }
0x27d: {  	v11 =	vld [tilespmem:s10+$0xFFFFFFB0];
	v4 =	vmul.u32 $0x31, v4  }
0x27e: {  	s7 =	simm.s32 $0x3AD0;
	v12 =	vld [tilespmem:s10+$0x20];
	v3 =	vadd.s32 v3, v2  }
0x27f: {  	v14 =	vld [tilespmem:s7+$0x40];
	v5 =	vmul.u32 $0x31, v5;
	v4 =	vadd.s32 v4, v2  }
0x280: {  	v16 =	vld [tilespmem:s12+$0x3B00];
	v7 =	vmul.u32 $0x31, v7  }
0x281: {  	v18 =	vld [tilespmem:s7+$0xFFFFFFB0];
	v6 =	vmul.u32 $0x31, v6;
	v8 =	vmul.u32 $0x31, v8;
	v5 =	vadd.s32 v5, v2  }
0x282: {  	v19 =	vld [tilespmem:s7+$0xFFFFFFC0];
	v9 =	vmul.u32 $0x31, v9;
	v7 =	vadd.s32 v7, v2  }
0x283: {  	v6 =	vadd.s32 v6, v2;
	v15 =	vld.idx.msk [tilespmem:v3+s5+$0x0], $0xffff;
	v3 =	vadd.s32 v8, v2;
	v8 =	vmul.u32 $0x31, v10  }
0x284: {  	v10 =	vld.idx.msk [tilespmem:v4+s5+$0x0], $0xffff;
	v4 =	vadd.s32 v9, v2;
	v9 =	vmul.u32 $0x31, v11  }
0x285: {  	v13 =	vld [tilespmem:s7+$0xFFFFFFD0];
	v11 =	vmul.u32 $0x31, v12;
	v12 =	vadd.s32 v8, v2  }
0x286: {  	v17 =	vld.idx.msk [tilespmem:v5+s5+$0x0], $0xffff;
	v9 =	vadd.s32 v9, v2  }
0x287: {  	v7 =	vld.idx.msk [tilespmem:v7+s5+$0x0], $0xffff  }
0x288: {  	v8 =	vld.idx.msk [tilespmem:v6+s5+$0x0], $0xffff;
	v11 =	vadd.s32 v11, v2  }
0x289: {  	v5 =	vld.idx.msk [tilespmem:v4+s5+$0x0], $0xffff  }
0x28a: {  	v4 =	vld.idx.msk [tilespmem:v12+s5+$0x0], $0xffff  }
0x28b: {  	v12 =	vld.idx.msk [tilespmem:v9+s5+$0x0], $0xffff  }
0x28c: {  	v6 =	vld.idx.msk [tilespmem:v3+s5+$0x0], $0xffff  }
0x28d: {  	v3 =	vld.idx.msk [tilespmem:v11+s5+$0x0], $0xffff  }
0x28e: {  	v9 =	vmul.f32 v14, v15;
	v11 =	vld [tilespmem:s7+$0xFFFFFFE0]  }
0x28f: {  	s10 =	simm.s32 $0x6950;
	v14 =	vmul.f32 v16, v10;
	v10 =	vld [tilespmem:s7+$0xFFFFFFF0]  }
0x290: {  	[tilespmem:s10+$0x40] =	vst v9;
	v9 =	vld [tilespmem:s7+$0x0];
	v15 =	vmul.f32 v18, v12  }
0x291: {  	s18 =	simm.s32 $0x1470;
	s19 =	simm.s32 $0xA0;
	[tilespmem:s12+$0x6980] =	vst v14;
	s12 =	simm.s32 $0x0;
	v14 =	vmul.f32 v19, v17;
	v12 =	vld [tilespmem:s7+$0x10]  }
.LBB2_20:
0x292: {  	s20 =	sand.u32 $0x3FE0, s19;
	v16 =	vld [tilespmem:s18+$0x40];
	s12 =	sadd.s32 $0xA, s12;
	[tilespmem:s10+$0xFFFFFFB0] =	vst v15;
	v8 =	vmul.f32 v13, v8  }
0x293: {  	v13 =	vld [tilespmem:s20+$0x1400];
	p1 =	slt.u32 s12, $0x262;
	[tilespmem:s10+$0xFFFFFFC0] =	vst v14;
	v7 =	vmul.f32 v11, v7  }
0x294: {  	v11 =	vld [tilespmem:s18+$0xFFFFFFC0];
	[tilespmem:s10+$0xFFFFFFD0] =	vst v8;
	v6 =	vmul.f32 v10, v6  }
0x295: {  	v8 =	vld [tilespmem:s18+$0xFFFFFFD0];
	[tilespmem:s10+$0xFFFFFFE0] =	vst v7;
	v5 =	vmul.f32 v9, v5  }
0x296: {  	v7 =	vld [tilespmem:s18+$0xFFFFFFE0];
	[tilespmem:s10+$0xFFFFFFF0] =	vst v6;
	v4 =	vmul.f32 v12, v4  }
0x297: {  	v6 =	vld [tilespmem:s18+$0xFFFFFFF0];
	v9 =	vmul.u32 $0x31, v16;
	[tilespmem:s10+$0x0] =	vst v5  }
0x298: {  	v5 =	vld [tilespmem:s18+$0x0];
	v10 =	vmul.u32 $0x31, v13;
	[tilespmem:s10+$0x10] =	vst v4  }
0x299: {  	v4 =	vmul.u32 $0x31, v11;
	v11 =	vld [tilespmem:s18+$0x10];
	v9 =	vadd.s32 v9, v2  }
0x29a: {  	v8 =	vmul.u32 $0x31, v8;
	v12 =	vld [tilespmem:s18+$0x20];
	v10 =	vadd.s32 v10, v2  }
0x29b: {  	v13 =	vld [tilespmem:s18+$0xFFFFFFB0];
	v4 =	vadd.s32 v4, v2;
	v7 =	vmul.u32 $0x31, v7  }
0x29c: {  	v8 =	vadd.s32 v8, v2;
	v6 =	vmul.u32 $0x31, v6;
	v14 =	vld [tilespmem:s7+$0x20];
	s7 =	sadd.s32 $0xA0, s7  }
0x29d: {  	v7 =	vadd.s32 v7, v2;
	v5 =	vmul.u32 $0x31, v5;
	v15 =	vld [tilespmem:s7+$0x40]  }
0x29e: {  	v6 =	vadd.s32 v6, v2;
	v11 =	vmul.u32 $0x31, v11;
	v9 =	vld.idx.msk [tilespmem:v9+s5+$0x0], $0xffff  }
0x29f: {  	v5 =	vadd.s32 v5, v2;
	v12 =	vmul.u32 $0x31, v12;
	v10 =	vld.idx.msk [tilespmem:v10+s5+$0x0], $0xffff  }
0x2a0: {  	v13 =	vmul.u32 $0x31, v13;
	v11 =	vadd.s32 v11, v2;
	v16 =	vld [tilespmem:s20+$0x3B00]  }
0x2a1: {  	v17 =	vld.idx.msk [tilespmem:v4+s5+$0x0], $0xffff;
	v12 =	vadd.s32 v12, v2;
	v3 =	vmul.f32 v14, v3  }
0x2a2: {  	v13 =	vadd.s32 v13, v2;
	v8 =	vld.idx.msk [tilespmem:v8+s5+$0x0], $0xffff  }
0x2a3: {  	v7 =	vld.idx.msk [tilespmem:v7+s5+$0x0], $0xffff;
	[tilespmem:s10+$0x20] =	vst v3  }
0x2a4: {  	v3 =	vmul.f32 v15, v9;
	v6 =	vld.idx.msk [tilespmem:v6+s5+$0x0], $0xffff  }
0x2a5: {  	s10 =	sadd.s32 $0xA0, s10;
	v5 =	vld.idx.msk [tilespmem:v5+s5+$0x0], $0xffff;
	v9 =	vmul.f32 v16, v10  }
0x2a6: {  	v4 =	vld.idx.msk [tilespmem:v11+s5+$0x0], $0xffff;
	[tilespmem:s10+$0x40] =	vst v3  }
0x2a7: {  	v14 =	vld.idx.msk [tilespmem:v13+s5+$0x0], $0xffff;
	[tilespmem:s20+$0x6980] =	vst v9  }
0x2a8: {  	v3 =	vld.idx.msk [tilespmem:v12+s5+$0x0], $0xffff  }
0x2a9: {  	v9 =	vld [tilespmem:s7+$0xFFFFFFB0]  }
0x2aa: {  	v12 =	vld [tilespmem:s7+$0xFFFFFFC0]  }
.Ltmp13:
0x2ab: {  	v13 =	vld [tilespmem:s7+$0xFFFFFFD0];
	(pc) =	sbr.rel @p1 .LBB2_20-.Ltmp13, $4  }
0x2ac: {  	v11 =	vld [tilespmem:s7+$0xFFFFFFE0]  }
0x2ad: {  	v10 =	vld [tilespmem:s7+$0xFFFFFFF0]  }
0x2ae: {  	v15 =	vmul.f32 v9, v14;
	v9 =	vld [tilespmem:s7+$0x0]  }
0x2af: {  	s19 =	sadd.s32 $0xA0, s19;
	s18 =	sadd.s32 $0xA0, s18;
	v14 =	vmul.f32 v12, v17;
	v12 =	vld [tilespmem:s7+$0x10]  }
0x2b0: {  	[tilespmem:s10+$0xFFFFFFB0] =	vst v15;
	v2 =	vmul.f32 v13, v8;
	v63 =	vld [tilespmem:s7+$0x20]  }
0x2b1: {  	[tilespmem:s10+$0xFFFFFFC0] =	vst v14;
	v7 =	vmul.f32 v11, v7  }
0x2b2: {  	[tilespmem:s10+$0xFFFFFFD0] =	vst v2;
	v2 =	vmul.f32 v10, v6  }
0x2b3: {  	[tilespmem:s10+$0xFFFFFFE0] =	vst v7;
	v5 =	vmul.f32 v9, v5  }
0x2b4: {  	[tilespmem:s10+$0xFFFFFFF0] =	vst v2;
	v2 =	vmul.f32 v12, v4  }
0x2b5: {  	[tilespmem:s10+$0x0] =	vst v5;
	v3 =	vmul.f32 v63, v3  }
0x2b6: {  	[tilespmem:s10+$0x10] =	vst v2  }
0x2b7: {  	[tilespmem:s10+$0x20] =	vst v3  }
.LBB2_22:
0x2b8: {  	s10 =	sadd.s32 $0x1, s2  }
0x2b9: {  	p1 =	sgt.s32 s10, $0x2F  }
0x2ba: {  	s30 =	smov.u32 @p1 s1  }
0x2bb: {  	s2 =	smov.u32 s10;
	s7 =	sadd.s32 $0x1, s30  }
0x2bc: {  	s2 =	smov.u32 @p1 s7  }
0x2bd: {  	p1 =	slt.s32 s2, $0x2F;
	s12 =	smov.u32 s2  }
0x2be: {  	s12 =	simm.s32 @!p1 $0x2F  }
0x2bf: {  	s12 =	smul.u32 $0x9C00, s12  }
0x2c0: {  	_ =	swait.ge [sflag:s24], $0x2700  }
0x2c1: {  	[sflag:s24] =	ssyncset.done $0x0;
	s12 =	sshra.s32 s12, $0x2  }
0x2c2: {  	s14 =	simm.s32 $0x6950;
	[sflag:s24] =	ssyncadd.s32 $0xFFFFD900;
	s12 =	sadd.s32 s12, s4  }
0x2c3: {  	[tilespmem:s21], [sflag:$0x5] =	stream.linear.gather [spmem:s12], $0x2700, $0x38;
	[tilespmem:$0x1EE00] =	vst v63  }
0x2c4: {  	s12 =	simm.s32 $0xB750;
	v8 =	vld [tilespmem:s14+$0xFFFFFFB0]  }
0x2c5: {  	v9 =	vld [tilespmem:s12+$0xFFFFFFB0]  }
0x2c6: {  	v10 =	vld [tilespmem:s14+$0xFFFFFFC0]  }
0x2c7: {  	v11 =	vld [tilespmem:s12+$0xFFFFFFC0]  }
0x2c8: {  	v12 =	vld [tilespmem:s14+$0xFFFFFFD0]  }
0x2c9: {  	v13 =	vld [tilespmem:s12+$0xFFFFFFD0]  }
0x2ca: {  	v14 =	vld [tilespmem:s14+$0xFFFFFFE0]  }
0x2cb: {  	s19 =	simm.s32 $0x0;
	v15 =	vld [tilespmem:s12+$0xFFFFFFE0]  }
0x2cc: {  	s18 =	sand.u32 $0x3FE0, s19;
	v2 =	vld [tilespmem:s14+$0xFFFFFFF0]  }
0x2cd: {  	v16 =	vld [tilespmem:s18+$0x6980]  }
0x2ce: {  	v17 =	vld [tilespmem:s18+$0xB780]  }
0x2cf: {  	v7 =	vld [tilespmem:s12+$0xFFFFFFF0]  }
0x2d0: {  	v3 =	vld [tilespmem:s14+$0x0]  }
0x2d1: {  	v5 =	vld [tilespmem:s12+$0x0]  }
0x2d2: {  	v4 =	vld [tilespmem:s14+$0x10]  }
0x2d3: {  	v6 =	vld [tilespmem:s12+$0x10];
	v16 =	vadd.f32 v17, v16  }
0x2d4: {  	s18 =	simm.s32 $0x1053C;
	v63 =	vadd.f32 v9, v8;
	v8 =	vld [tilespmem:s14+$0x20]  }
0x2d5: {  	v11 =	vadd.f32 v11, v10;
	v9 =	vld [tilespmem:s12+$0x20];
	[tilespmem:s18+$0xFFFFFFF0] =	vst v16  }
0x2d6: {  	v10 =	vld [tilespmem:s14+$0x40];
	v13 =	vadd.f32 v13, v12;
	[tilespmem:s18+$0xFFFFFF70] =	vst v63  }
0x2d7: {  	s20 =	simm.s32 $0x0;
	s28 =	simm.s32 $0x69F0;
	v12 =	vadd.f32 v15, v14;
	[tilespmem:s18+$0xFFFFFF80] =	vst v11;
	v11 =	vld [tilespmem:s12+$0x40]  }
.LBB2_23:
0x2d8: {  	v14 =	vld [tilespmem:s28+$0xFFFFFFB0];
	[tilespmem:s18+$0xFFFFFF90] =	vst v13;
	v2 =	vadd.f32 v7, v2;
	s12 =	sadd.s32 $0xA0, s12  }
0x2d9: {  	v3 =	vadd.f32 v5, v3;
	v13 =	vld [tilespmem:s12+$0xFFFFFFB0];
	[tilespmem:s18+$0xFFFFFFA0] =	vst v12  }
0x2da: {  	v12 =	vld [tilespmem:s28+$0xFFFFFFC0];
	[tilespmem:s18+$0xFFFFFFB0] =	vst v2;
	v2 =	vadd.f32 v6, v4  }
0x2db: {  	v15 =	vld [tilespmem:s12+$0xFFFFFFC0];
	[tilespmem:s18+$0xFFFFFFC0] =	vst v3;
	v3 =	vadd.f32 v9, v8  }
0x2dc: {  	v16 =	vld [tilespmem:s28+$0xFFFFFFD0];
	[tilespmem:s18+$0xFFFFFFD0] =	vst v2;
	v2 =	vadd.f32 v11, v10  }
0x2dd: {  	v10 =	vld [tilespmem:s12+$0xFFFFFFD0];
	[tilespmem:s18+$0xFFFFFFE0] =	vst v3  }
0x2de: {  	v11 =	vld [tilespmem:s28+$0xFFFFFFE0];
	[tilespmem:s18+$0x0] =	vst v2  }
0x2df: {  	s19 =	sadd.s32 $0xA0, s19;
	v17 =	vld [tilespmem:s12+$0xFFFFFFE0]  }
0x2e0: {  	s14 =	sand.u32 $0x3FE0, s19;
	v2 =	vld [tilespmem:s28+$0xFFFFFFF0]  }
0x2e1: {  	s20 =	sadd.s32 $0xA, s20;
	v8 =	vld [tilespmem:s14+$0x6980]  }
0x2e2: {  	p1 =	slt.u32 s20, $0x262;
	v9 =	vld [tilespmem:s14+$0xB780]  }
0x2e3: {  	v7 =	vld [tilespmem:s12+$0xFFFFFFF0]  }
0x2e4: {  	v3 =	vld [tilespmem:s28+$0x0]  }
0x2e5: {  	v5 =	vld [tilespmem:s12+$0x0]  }
0x2e6: {  	v4 =	vld [tilespmem:s28+$0x10]  }
.Ltmp14:
0x2e7: {  	v6 =	vld [tilespmem:s12+$0x10];
	v18 =	vadd.f32 v9, v8;
	(pc) =	sbr.rel @p1 .LBB2_23-.Ltmp14, $4  }
0x2e8: {  	v13 =	vadd.f32 v13, v14;
	s18 =	sadd.s32 $0xA0, s18;
	v8 =	vld [tilespmem:s28+$0x20]  }
0x2e9: {  	v12 =	vadd.f32 v15, v12;
	v9 =	vld [tilespmem:s12+$0x20];
	[tilespmem:s18+$0xFFFFFFF0] =	vst v18  }
0x2ea: {  	[tilespmem:s18+$0xFFFFFF70] =	vst v13;
	v13 =	vadd.f32 v10, v16;
	v10 =	vld [tilespmem:s28+$0x40]  }
0x2eb: {  	s28 =	sadd.s32 $0xA0, s28;
	[tilespmem:s18+$0xFFFFFF80] =	vst v12;
	v12 =	vadd.f32 v17, v11;
	v11 =	vld [tilespmem:s12+$0x40]  }
0x2ec: {  	[tilespmem:s18+$0xFFFFFF90] =	vst v13;
	v2 =	vadd.f32 v7, v2  }
0x2ed: {  	v3 =	vadd.f32 v5, v3;
	p1 =	slt.s32 s10, $0x30;
	[tilespmem:s18+$0xFFFFFFA0] =	vst v12  }
.Ltmp15:
0x2ee: {  	[tilespmem:s18+$0xFFFFFFB0] =	vst v2;
	v2 =	vadd.f32 v6, v4;
	(pc) =	sbr.rel @p1 .LBB2_28-.Ltmp15, $4  }
0x2ef: {  	[tilespmem:s18+$0xFFFFFFC0] =	vst v3;
	v3 =	vadd.f32 v9, v8  }
0x2f0: {  	[tilespmem:s18+$0xFFFFFFD0] =	vst v2;
	v2 =	vadd.f32 v11, v10  }
0x2f1: {  	[tilespmem:s18+$0xFFFFFFE0] =	vst v3  }
0x2f2: {  	[tilespmem:s18+$0x0] =	vst v2  }
0x2f3: {  	s10 =	simm.s32 $0x13D0  }
0x2f4: {  	v3 =	vld [tilespmem:s10+$0x40]  }
0x2f5: {  	s12 =	simm.s32 $0x0;
	v5 =	vld [tilespmem:s10+$0xFFFFFFC0]  }
0x2f6: {  	s12 =	sand.u32 $0x3FE0, s12;
	v6 =	vld [tilespmem:s10+$0xFFFFFFD0]  }
0x2f7: {  	v4 =	vld [tilespmem:s12+$0x1400]  }
0x2f8: {  	v7 =	vld [tilespmem:s10+$0xFFFFFFE0]  }
0x2f9: {  	v2 =	vmov s1;
	v8 =	vld [tilespmem:s10+$0xFFFFFFF0]  }
0x2fa: {  	v2 =	vadd.s32 $0x1, v2;
	v9 =	vld [tilespmem:s10+$0x0]  }
0x2fb: {  	v10 =	vld [tilespmem:s10+$0x10];
	v2 =	vbroadcast v2, $0x0;
	v3 =	vmul.u32 $0x31, v3  }
0x2fc: {  	v11 =	vld [tilespmem:s10+$0xFFFFFFB0];
	v4 =	vmul.u32 $0x31, v4  }
0x2fd: {  	s1 =	simm.s32 $0x3AD0;
	v12 =	vld [tilespmem:s10+$0x20];
	v3 =	vadd.s32 v3, v2  }
0x2fe: {  	v14 =	vld [tilespmem:s1+$0x40];
	v5 =	vmul.u32 $0x31, v5;
	v4 =	vadd.s32 v4, v2  }
0x2ff: {  	v18 =	vld [tilespmem:s1+$0xFFFFFFB0];
	v7 =	vmul.u32 $0x31, v7  }
0x300: {  	v19 =	vld [tilespmem:s1+$0xFFFFFFC0];
	v6 =	vmul.u32 $0x31, v6;
	v8 =	vmul.u32 $0x31, v8;
	v5 =	vadd.s32 v5, v2  }
0x301: {  	v13 =	vld [tilespmem:s1+$0xFFFFFFD0];
	v9 =	vmul.u32 $0x31, v9;
	v7 =	vadd.s32 v7, v2  }
0x302: {  	v6 =	vadd.s32 v6, v2;
	v15 =	vld.idx.msk [tilespmem:v3+s5+$0x0], $0xffff;
	v3 =	vadd.s32 v8, v2;
	v8 =	vmul.u32 $0x31, v10  }
0x303: {  	v10 =	vld.idx.msk [tilespmem:v4+s5+$0x0], $0xffff;
	v4 =	vadd.s32 v9, v2;
	v9 =	vmul.u32 $0x31, v11  }
0x304: {  	v16 =	vld [tilespmem:s12+$0x3B00];
	v11 =	vmul.u32 $0x31, v12;
	v12 =	vadd.s32 v8, v2  }
0x305: {  	v17 =	vld.idx.msk [tilespmem:v5+s5+$0x0], $0xffff;
	v9 =	vadd.s32 v9, v2  }
0x306: {  	v7 =	vld.idx.msk [tilespmem:v7+s5+$0x0], $0xffff  }
0x307: {  	v8 =	vld.idx.msk [tilespmem:v6+s5+$0x0], $0xffff;
	v11 =	vadd.s32 v11, v2  }
0x308: {  	v5 =	vld.idx.msk [tilespmem:v4+s5+$0x0], $0xffff  }
0x309: {  	v4 =	vld.idx.msk [tilespmem:v12+s5+$0x0], $0xffff  }
0x30a: {  	v12 =	vld.idx.msk [tilespmem:v9+s5+$0x0], $0xffff  }
0x30b: {  	v6 =	vld.idx.msk [tilespmem:v3+s5+$0x0], $0xffff  }
0x30c: {  	v3 =	vld.idx.msk [tilespmem:v11+s5+$0x0], $0xffff  }
0x30d: {  	v9 =	vmul.f32 v14, v15;
	v11 =	vld [tilespmem:s1+$0xFFFFFFE0]  }
0x30e: {  	s10 =	simm.s32 $0x6950;
	v14 =	vmul.f32 v16, v10;
	v10 =	vld [tilespmem:s1+$0xFFFFFFF0]  }
0x30f: {  	[tilespmem:s10+$0x40] =	vst v9;
	v9 =	vld [tilespmem:s1+$0x0];
	v15 =	vmul.f32 v18, v12  }
0x310: {  	s18 =	simm.s32 $0x1470;
	s19 =	simm.s32 $0xA0;
	[tilespmem:s12+$0x6980] =	vst v14;
	s12 =	simm.s32 $0x0;
	v14 =	vmul.f32 v19, v17;
	v12 =	vld [tilespmem:s1+$0x10]  }
.LBB2_26:
0x311: {  	s20 =	sand.u32 $0x3FE0, s19;
	v16 =	vld [tilespmem:s18+$0x40];
	s12 =	sadd.s32 $0xA, s12;
	[tilespmem:s10+$0xFFFFFFB0] =	vst v15;
	v8 =	vmul.f32 v13, v8  }
0x312: {  	v13 =	vld [tilespmem:s20+$0x1400];
	p1 =	slt.u32 s12, $0x262;
	[tilespmem:s10+$0xFFFFFFC0] =	vst v14;
	v7 =	vmul.f32 v11, v7  }
0x313: {  	v11 =	vld [tilespmem:s18+$0xFFFFFFC0];
	[tilespmem:s10+$0xFFFFFFD0] =	vst v8;
	v6 =	vmul.f32 v10, v6  }
0x314: {  	v8 =	vld [tilespmem:s18+$0xFFFFFFD0];
	[tilespmem:s10+$0xFFFFFFE0] =	vst v7;
	v5 =	vmul.f32 v9, v5  }
0x315: {  	v7 =	vld [tilespmem:s18+$0xFFFFFFE0];
	[tilespmem:s10+$0xFFFFFFF0] =	vst v6;
	v4 =	vmul.f32 v12, v4  }
0x316: {  	v6 =	vld [tilespmem:s18+$0xFFFFFFF0];
	v9 =	vmul.u32 $0x31, v16;
	[tilespmem:s10+$0x0] =	vst v5  }
0x317: {  	v5 =	vld [tilespmem:s18+$0x0];
	v10 =	vmul.u32 $0x31, v13;
	[tilespmem:s10+$0x10] =	vst v4  }
0x318: {  	v4 =	vmul.u32 $0x31, v11;
	v11 =	vld [tilespmem:s18+$0x10];
	v9 =	vadd.s32 v9, v2  }
0x319: {  	v8 =	vmul.u32 $0x31, v8;
	v12 =	vld [tilespmem:s18+$0x20];
	v10 =	vadd.s32 v10, v2  }
0x31a: {  	v13 =	vld [tilespmem:s18+$0xFFFFFFB0];
	v4 =	vadd.s32 v4, v2;
	v7 =	vmul.u32 $0x31, v7  }
0x31b: {  	v8 =	vadd.s32 v8, v2;
	v6 =	vmul.u32 $0x31, v6;
	v14 =	vld [tilespmem:s1+$0x20];
	s1 =	sadd.s32 $0xA0, s1  }
0x31c: {  	v7 =	vadd.s32 v7, v2;
	v5 =	vmul.u32 $0x31, v5;
	v15 =	vld [tilespmem:s1+$0x40]  }
0x31d: {  	v6 =	vadd.s32 v6, v2;
	v11 =	vmul.u32 $0x31, v11;
	v9 =	vld.idx.msk [tilespmem:v9+s5+$0x0], $0xffff  }
0x31e: {  	v5 =	vadd.s32 v5, v2;
	v12 =	vmul.u32 $0x31, v12;
	v10 =	vld.idx.msk [tilespmem:v10+s5+$0x0], $0xffff  }
0x31f: {  	v13 =	vmul.u32 $0x31, v13;
	v11 =	vadd.s32 v11, v2;
	v16 =	vld [tilespmem:s20+$0x3B00]  }
0x320: {  	v17 =	vld.idx.msk [tilespmem:v4+s5+$0x0], $0xffff;
	v12 =	vadd.s32 v12, v2;
	v3 =	vmul.f32 v14, v3  }
0x321: {  	v13 =	vadd.s32 v13, v2;
	v8 =	vld.idx.msk [tilespmem:v8+s5+$0x0], $0xffff  }
0x322: {  	v7 =	vld.idx.msk [tilespmem:v7+s5+$0x0], $0xffff;
	[tilespmem:s10+$0x20] =	vst v3  }
0x323: {  	v3 =	vmul.f32 v15, v9;
	v6 =	vld.idx.msk [tilespmem:v6+s5+$0x0], $0xffff  }
0x324: {  	s10 =	sadd.s32 $0xA0, s10;
	v5 =	vld.idx.msk [tilespmem:v5+s5+$0x0], $0xffff;
	v9 =	vmul.f32 v16, v10  }
0x325: {  	v4 =	vld.idx.msk [tilespmem:v11+s5+$0x0], $0xffff;
	[tilespmem:s10+$0x40] =	vst v3  }
0x326: {  	v14 =	vld.idx.msk [tilespmem:v13+s5+$0x0], $0xffff;
	[tilespmem:s20+$0x6980] =	vst v9  }
0x327: {  	v3 =	vld.idx.msk [tilespmem:v12+s5+$0x0], $0xffff  }
0x328: {  	v9 =	vld [tilespmem:s1+$0xFFFFFFB0]  }
0x329: {  	v12 =	vld [tilespmem:s1+$0xFFFFFFC0]  }
.Ltmp16:
0x32a: {  	v13 =	vld [tilespmem:s1+$0xFFFFFFD0];
	(pc) =	sbr.rel @p1 .LBB2_26-.Ltmp16, $4  }
0x32b: {  	v11 =	vld [tilespmem:s1+$0xFFFFFFE0]  }
0x32c: {  	v10 =	vld [tilespmem:s1+$0xFFFFFFF0]  }
0x32d: {  	v15 =	vmul.f32 v9, v14;
	v9 =	vld [tilespmem:s1+$0x0]  }
0x32e: {  	s19 =	sadd.s32 $0xA0, s19;
	s18 =	sadd.s32 $0xA0, s18;
	v14 =	vmul.f32 v12, v17;
	v12 =	vld [tilespmem:s1+$0x10]  }
0x32f: {  	[tilespmem:s10+$0xFFFFFFB0] =	vst v15;
	v2 =	vmul.f32 v13, v8;
	v63 =	vld [tilespmem:s1+$0x20]  }
0x330: {  	[tilespmem:s10+$0xFFFFFFC0] =	vst v14;
	v7 =	vmul.f32 v11, v7  }
0x331: {  	[tilespmem:s10+$0xFFFFFFD0] =	vst v2;
	v2 =	vmul.f32 v10, v6  }
0x332: {  	[tilespmem:s10+$0xFFFFFFE0] =	vst v7;
	v5 =	vmul.f32 v9, v5  }
0x333: {  	[tilespmem:s10+$0xFFFFFFF0] =	vst v2;
	v2 =	vmul.f32 v12, v4  }
0x334: {  	[tilespmem:s10+$0x0] =	vst v5;
	v3 =	vmul.f32 v63, v3  }
0x335: {  	[tilespmem:s10+$0x10] =	vst v2  }
0x336: {  	[tilespmem:s10+$0x20] =	vst v3  }
.LBB2_28:
0x337: {  	s1 =	sshll.u32 s0, $0x2  }
0x338: {  	s10 =	sadd.s32 s8, s1  }
0x339: {  	s10 =	smul.u32 $0x26AC, s10;
	_ =	sdelay $0x1  }
0x33a: {  	s10 =	sshrl.u32 s10, $0x3  }
0x33b: {  	s10 =	sadd.s32 s3, s10  }
0x33c: {  	[hbm4b:s10+s5] =	stream.linear.scatter [tilespmem:s25], [sflag:$0x1], $0x4D58, $0x38;
	[tilespmem:$0x1EE00] =	vst v63  }
0x33d: {  	s10 =	sadd.s32 $0x1, s2  }
0x33e: {  	p1 =	sgt.s32 s10, $0x2F  }
0x33f: {  	s30 =	smov.u32 @p1 s7  }
0x340: {  	s12 =	smov.u32 s10;
	s2 =	sadd.s32 $0x1, s30  }
0x341: {  	s14 =	simm.s32 @!p0 $0x2;
	s12 =	smov.u32 @p1 s2  }
0x342: {  	_ =	swait.ge @!p0 [sflag:s14], $0x4D58;
	p1 =	slt.s32 s12, $0x2F;
	s18 =	smov.u32 s12  }
0x343: {  	[sflag:s14] =	ssyncset.done @!p0 $0x0;
	s18 =	simm.s32 @!p1 $0x2F  }
0x344: {  	[sflag:s14] =	ssyncadd.s32 @!p0 $0xFFFFB2A8;
	s20 =	smul.u32 $0x9C00, s18  }
0x345: {  	_ =	swait.ge [sflag:s22], $0x2700  }
0x346: {  	[sflag:s22] =	ssyncset.done $0x0;
	s14 =	sshra.s32 s20, $0x2  }
0x347: {  	s29 =	simm.s32 $0x6950;
	[sflag:s22] =	ssyncadd.s32 $0xFFFFD900;
	s14 =	sadd.s32 s14, s4  }
0x348: {  	[tilespmem:s23], [sflag:$0x6] =	stream.linear.gather [spmem:s14], $0x2700, $0x38;
	[tilespmem:$0x1EE00] =	vst v63  }
0x349: {  	s19 =	simm.s32 $0x0;
	s18 =	simm.s32 $0x9050;
	v3 =	vld [tilespmem:s29+$0x40]  }
0x34a: {  	s28 =	sand.u32 $0x3FE0, s19;
	v4 =	vld [tilespmem:s18+$0x40]  }
0x34b: {  	v5 =	vld [tilespmem:s28+$0x6980]  }
0x34c: {  	v6 =	vld [tilespmem:s28+$0x9080]  }
0x34d: {  	v2 =	vld [tilespmem:s18+$0xFFFFFFB0]  }
0x34e: {  	v7 =	vld [tilespmem:s29+$0xFFFFFFC0]  }
0x34f: {  	v8 =	vld [tilespmem:s18+$0xFFFFFFC0]  }
0x350: {  	v9 =	vld [tilespmem:s29+$0xFFFFFFD0]  }
0x351: {  	v10 =	vld [tilespmem:s18+$0xFFFFFFD0]  }
0x352: {  	v11 =	vld [tilespmem:s29+$0xFFFFFFE0]  }
0x353: {  	v12 =	vld [tilespmem:s18+$0xFFFFFFE0]  }
0x354: {  	v13 =	vld [tilespmem:s29+$0xFFFFFFF0]  }
0x355: {  	v3 =	vadd.f32 v4, v3;
	v4 =	vld [tilespmem:s18+$0xFFFFFFF0]  }
0x356: {  	s20 =	simm.s32 $0x12BD0;
	v14 =	vld [tilespmem:s29+$0x0];
	v5 =	vadd.f32 v6, v5;
	v6 =	vadd.f32 v8, v7  }
0x357: {  	v8 =	vld [tilespmem:s18+$0x0];
	[tilespmem:s20+$0x40] =	vst v3  }
0x358: {  	v3 =	vld [tilespmem:s29+$0x10];
	[tilespmem:s20+$0xFFFFFFC0] =	vst v6;
	v6 =	vadd.f32 v12, v11  }
0x359: {  	v7 =	vadd.f32 v10, v9;
	[tilespmem:s28+$0x12C00] =	vst v5;
	v5 =	vld [tilespmem:s18+$0x10]  }
0x35a: {  	[tilespmem:s20+$0xFFFFFFE0] =	vst v6;
	v6 =	vld [tilespmem:s18+$0x20];
	v9 =	vadd.f32 v4, v13  }
0x35b: {  	[tilespmem:s20+$0xFFFFFFD0] =	vst v7;
	v4 =	vld [tilespmem:s29+$0x20]  }
0x35c: {  	s14 =	simm.s32 $0x69F0;
	s28 =	simm.s32 $0x0;
	v7 =	vld [tilespmem:s29+$0xFFFFFFB0];
	v8 =	vadd.f32 v8, v14;
	[tilespmem:s20+$0xFFFFFFF0] =	vst v9  }
.LBB2_29:
0x35d: {  	v9 =	vld [tilespmem:s14+$0x40];
	s18 =	sadd.s32 $0xA0, s18;
	s19 =	sadd.s32 $0xA0, s19  }
0x35e: {  	s29 =	sand.u32 $0x3FE0, s19;
	v10 =	vld [tilespmem:s18+$0x40];
	[tilespmem:s20+$0x0] =	vst v8;
	v3 =	vadd.f32 v5, v3  }
0x35f: {  	s28 =	sadd.s32 $0xA, s28;
	v5 =	vld [tilespmem:s29+$0x6980]  }
0x360: {  	p0 =	slt.u32 s28, $0x262;
	v8 =	vld [tilespmem:s29+$0x9080];
	[tilespmem:s20+$0x10] =	vst v3;
	v3 =	vadd.f32 v6, v4  }
0x361: {  	v4 =	vadd.f32 v2, v7;
	v2 =	vld [tilespmem:s18+$0xFFFFFFB0]  }
0x362: {  	v6 =	vld [tilespmem:s14+$0xFFFFFFC0];
	[tilespmem:s20+$0x20] =	vst v3  }
0x363: {  	v3 =	vld [tilespmem:s18+$0xFFFFFFC0];
	[tilespmem:s20+$0xFFFFFFB0] =	vst v4  }
0x364: {  	v7 =	vadd.f32 v10, v9;
	v4 =	vld [tilespmem:s14+$0xFFFFFFD0]  }
0x365: {  	s20 =	sadd.s32 $0xA0, s20;
	v9 =	vld [tilespmem:s18+$0xFFFFFFD0];
	v5 =	vadd.f32 v8, v5  }
0x366: {  	v8 =	vld [tilespmem:s14+$0xFFFFFFE0];
	[tilespmem:s20+$0x40] =	vst v7  }
0x367: {  	v7 =	vld [tilespmem:s18+$0xFFFFFFE0];
	[tilespmem:s29+$0x12C00] =	vst v5  }
0x368: {  	v3 =	vadd.f32 v3, v6;
	v6 =	vld [tilespmem:s14+$0xFFFFFFF0]  }
0x369: {  	v10 =	vld [tilespmem:s18+$0xFFFFFFF0]  }
0x36a: {  	[tilespmem:s20+$0xFFFFFFC0] =	vst v3;
	v3 =	vadd.f32 v9, v4;
	v9 =	vld [tilespmem:s14+$0x0]  }
0x36b: {  	v11 =	vld [tilespmem:s18+$0x0]  }
.Ltmp17:
0x36c: {  	[tilespmem:s20+$0xFFFFFFD0] =	vst v3;
	v4 =	vadd.f32 v7, v8;
	v3 =	vld [tilespmem:s14+$0x10];
	(pc) =	sbr.rel @p0 .LBB2_29-.Ltmp17, $4  }
0x36d: {  	v5 =	vld [tilespmem:s18+$0x10]  }
0x36e: {  	[tilespmem:s20+$0xFFFFFFE0] =	vst v4;
	v8 =	vadd.f32 v10, v6;
	v4 =	vld [tilespmem:s14+$0x20]  }
0x36f: {  	v6 =	vld [tilespmem:s18+$0x20]  }
0x370: {  	v7 =	vld [tilespmem:s14+$0xFFFFFFB0];
	[tilespmem:s20+$0xFFFFFFF0] =	vst v8;
	v8 =	vadd.f32 v11, v9;
	s14 =	sadd.s32 $0xA0, s14  }
0x371: {  	_ = 	snop  }
0x372: {  	p0 =	slt.s32 s10, $0x30  }
.Ltmp18:
0x373: {  	v3 =	vadd.f32 v5, v3;
	(pc) =	sbr.rel @p0 .LBB2_34-.Ltmp18, $4  }
0x374: {  	[tilespmem:s20+$0x0] =	vst v8;
	v4 =	vadd.f32 v6, v4  }
0x375: {  	[tilespmem:s20+$0x10] =	vst v3;
	v2 =	vadd.f32 v2, v7  }
0x376: {  	[tilespmem:s20+$0x20] =	vst v4  }
0x377: {  	[tilespmem:s20+$0xFFFFFFB0] =	vst v2  }
0x378: {  	s10 =	simm.s32 $0x13D0  }
0x379: {  	v3 =	vld [tilespmem:s10+$0x40]  }
0x37a: {  	s14 =	simm.s32 $0x0;
	v5 =	vld [tilespmem:s10+$0xFFFFFFC0]  }
0x37b: {  	s14 =	sand.u32 $0x3FE0, s14;
	v6 =	vld [tilespmem:s10+$0xFFFFFFD0]  }
0x37c: {  	v4 =	vld [tilespmem:s14+$0x1400]  }
0x37d: {  	v7 =	vld [tilespmem:s10+$0xFFFFFFE0]  }
0x37e: {  	v2 =	vmov s7;
	v8 =	vld [tilespmem:s10+$0xFFFFFFF0]  }
0x37f: {  	v2 =	vadd.s32 $0x1, v2;
	v9 =	vld [tilespmem:s10+$0x0]  }
0x380: {  	v10 =	vld [tilespmem:s10+$0x10];
	v2 =	vbroadcast v2, $0x0;
	v3 =	vmul.u32 $0x31, v3  }
0x381: {  	v11 =	vld [tilespmem:s10+$0xFFFFFFB0];
	v4 =	vmul.u32 $0x31, v4  }
0x382: {  	s7 =	simm.s32 $0x3AD0;
	v12 =	vld [tilespmem:s10+$0x20];
	v3 =	vadd.s32 v3, v2  }
0x383: {  	v14 =	vld [tilespmem:s7+$0x40];
	v5 =	vmul.u32 $0x31, v5;
	v4 =	vadd.s32 v4, v2  }
0x384: {  	v18 =	vld [tilespmem:s7+$0xFFFFFFB0];
	v7 =	vmul.u32 $0x31, v7  }
0x385: {  	v19 =	vld [tilespmem:s7+$0xFFFFFFC0];
	v6 =	vmul.u32 $0x31, v6;
	v8 =	vmul.u32 $0x31, v8;
	v5 =	vadd.s32 v5, v2  }
0x386: {  	v13 =	vld [tilespmem:s7+$0xFFFFFFD0];
	v9 =	vmul.u32 $0x31, v9;
	v7 =	vadd.s32 v7, v2  }
0x387: {  	v6 =	vadd.s32 v6, v2;
	v15 =	vld.idx.msk [tilespmem:v3+s5+$0x0], $0xffff;
	v3 =	vadd.s32 v8, v2;
	v8 =	vmul.u32 $0x31, v10  }
0x388: {  	v10 =	vld.idx.msk [tilespmem:v4+s5+$0x0], $0xffff;
	v4 =	vadd.s32 v9, v2;
	v9 =	vmul.u32 $0x31, v11  }
0x389: {  	v16 =	vld [tilespmem:s14+$0x3B00];
	v11 =	vmul.u32 $0x31, v12;
	v12 =	vadd.s32 v8, v2  }
0x38a: {  	v17 =	vld.idx.msk [tilespmem:v5+s5+$0x0], $0xffff;
	v9 =	vadd.s32 v9, v2  }
0x38b: {  	v7 =	vld.idx.msk [tilespmem:v7+s5+$0x0], $0xffff  }
0x38c: {  	v8 =	vld.idx.msk [tilespmem:v6+s5+$0x0], $0xffff;
	v11 =	vadd.s32 v11, v2  }
0x38d: {  	v5 =	vld.idx.msk [tilespmem:v4+s5+$0x0], $0xffff  }
0x38e: {  	v4 =	vld.idx.msk [tilespmem:v12+s5+$0x0], $0xffff  }
0x38f: {  	v12 =	vld.idx.msk [tilespmem:v9+s5+$0x0], $0xffff  }
0x390: {  	v6 =	vld.idx.msk [tilespmem:v3+s5+$0x0], $0xffff  }
0x391: {  	v3 =	vld.idx.msk [tilespmem:v11+s5+$0x0], $0xffff  }
0x392: {  	v9 =	vmul.f32 v14, v15;
	v11 =	vld [tilespmem:s7+$0xFFFFFFE0]  }
0x393: {  	s10 =	simm.s32 $0x6950;
	v14 =	vmul.f32 v16, v10;
	v10 =	vld [tilespmem:s7+$0xFFFFFFF0]  }
0x394: {  	[tilespmem:s10+$0x40] =	vst v9;
	v9 =	vld [tilespmem:s7+$0x0];
	v15 =	vmul.f32 v18, v12  }
0x395: {  	s18 =	simm.s32 $0x0;
	s19 =	simm.s32 $0x1470;
	s20 =	simm.s32 $0xA0;
	[tilespmem:s14+$0x6980] =	vst v14;
	v14 =	vmul.f32 v19, v17;
	v12 =	vld [tilespmem:s7+$0x10]  }
.LBB2_32:
0x396: {  	s28 =	sand.u32 $0x3FE0, s20;
	v16 =	vld [tilespmem:s19+$0x40];
	s18 =	sadd.s32 $0xA, s18;
	[tilespmem:s10+$0xFFFFFFB0] =	vst v15;
	v8 =	vmul.f32 v13, v8  }
0x397: {  	v13 =	vld [tilespmem:s28+$0x1400];
	p0 =	slt.u32 s18, $0x262;
	[tilespmem:s10+$0xFFFFFFC0] =	vst v14;
	v7 =	vmul.f32 v11, v7  }
0x398: {  	v11 =	vld [tilespmem:s19+$0xFFFFFFC0];
	[tilespmem:s10+$0xFFFFFFD0] =	vst v8;
	v6 =	vmul.f32 v10, v6  }
0x399: {  	v8 =	vld [tilespmem:s19+$0xFFFFFFD0];
	[tilespmem:s10+$0xFFFFFFE0] =	vst v7;
	v5 =	vmul.f32 v9, v5  }
0x39a: {  	v7 =	vld [tilespmem:s19+$0xFFFFFFE0];
	[tilespmem:s10+$0xFFFFFFF0] =	vst v6;
	v4 =	vmul.f32 v12, v4  }
0x39b: {  	v6 =	vld [tilespmem:s19+$0xFFFFFFF0];
	v9 =	vmul.u32 $0x31, v16;
	[tilespmem:s10+$0x0] =	vst v5  }
0x39c: {  	v5 =	vld [tilespmem:s19+$0x0];
	v10 =	vmul.u32 $0x31, v13;
	[tilespmem:s10+$0x10] =	vst v4  }
0x39d: {  	v4 =	vmul.u32 $0x31, v11;
	v11 =	vld [tilespmem:s19+$0x10];
	v9 =	vadd.s32 v9, v2  }
0x39e: {  	v8 =	vmul.u32 $0x31, v8;
	v12 =	vld [tilespmem:s19+$0x20];
	v10 =	vadd.s32 v10, v2  }
0x39f: {  	v13 =	vld [tilespmem:s19+$0xFFFFFFB0];
	v4 =	vadd.s32 v4, v2;
	v7 =	vmul.u32 $0x31, v7  }
0x3a0: {  	v8 =	vadd.s32 v8, v2;
	v6 =	vmul.u32 $0x31, v6;
	v14 =	vld [tilespmem:s7+$0x20];
	s7 =	sadd.s32 $0xA0, s7  }
0x3a1: {  	v7 =	vadd.s32 v7, v2;
	v5 =	vmul.u32 $0x31, v5;
	v15 =	vld [tilespmem:s7+$0x40]  }
0x3a2: {  	v6 =	vadd.s32 v6, v2;
	v11 =	vmul.u32 $0x31, v11;
	v9 =	vld.idx.msk [tilespmem:v9+s5+$0x0], $0xffff  }
0x3a3: {  	v5 =	vadd.s32 v5, v2;
	v12 =	vmul.u32 $0x31, v12;
	v10 =	vld.idx.msk [tilespmem:v10+s5+$0x0], $0xffff  }
0x3a4: {  	v13 =	vmul.u32 $0x31, v13;
	v11 =	vadd.s32 v11, v2;
	v16 =	vld [tilespmem:s28+$0x3B00]  }
0x3a5: {  	v17 =	vld.idx.msk [tilespmem:v4+s5+$0x0], $0xffff;
	v12 =	vadd.s32 v12, v2;
	v3 =	vmul.f32 v14, v3  }
0x3a6: {  	v13 =	vadd.s32 v13, v2;
	v8 =	vld.idx.msk [tilespmem:v8+s5+$0x0], $0xffff  }
0x3a7: {  	v7 =	vld.idx.msk [tilespmem:v7+s5+$0x0], $0xffff;
	[tilespmem:s10+$0x20] =	vst v3  }
0x3a8: {  	v3 =	vmul.f32 v15, v9;
	v6 =	vld.idx.msk [tilespmem:v6+s5+$0x0], $0xffff  }
0x3a9: {  	s10 =	sadd.s32 $0xA0, s10;
	v5 =	vld.idx.msk [tilespmem:v5+s5+$0x0], $0xffff;
	v9 =	vmul.f32 v16, v10  }
0x3aa: {  	v4 =	vld.idx.msk [tilespmem:v11+s5+$0x0], $0xffff;
	[tilespmem:s10+$0x40] =	vst v3  }
0x3ab: {  	v14 =	vld.idx.msk [tilespmem:v13+s5+$0x0], $0xffff;
	[tilespmem:s28+$0x6980] =	vst v9  }
0x3ac: {  	v3 =	vld.idx.msk [tilespmem:v12+s5+$0x0], $0xffff  }
0x3ad: {  	v9 =	vld [tilespmem:s7+$0xFFFFFFB0]  }
0x3ae: {  	v12 =	vld [tilespmem:s7+$0xFFFFFFC0]  }
.Ltmp19:
0x3af: {  	v13 =	vld [tilespmem:s7+$0xFFFFFFD0];
	(pc) =	sbr.rel @p0 .LBB2_32-.Ltmp19, $4  }
0x3b0: {  	v11 =	vld [tilespmem:s7+$0xFFFFFFE0]  }
0x3b1: {  	v10 =	vld [tilespmem:s7+$0xFFFFFFF0]  }
0x3b2: {  	v15 =	vmul.f32 v9, v14;
	v9 =	vld [tilespmem:s7+$0x0]  }
0x3b3: {  	s20 =	sadd.s32 $0xA0, s20;
	s19 =	sadd.s32 $0xA0, s19;
	v14 =	vmul.f32 v12, v17;
	v12 =	vld [tilespmem:s7+$0x10]  }
0x3b4: {  	[tilespmem:s10+$0xFFFFFFB0] =	vst v15;
	v2 =	vmul.f32 v13, v8;
	v63 =	vld [tilespmem:s7+$0x20]  }
0x3b5: {  	[tilespmem:s10+$0xFFFFFFC0] =	vst v14;
	v7 =	vmul.f32 v11, v7  }
0x3b6: {  	[tilespmem:s10+$0xFFFFFFD0] =	vst v2;
	v2 =	vmul.f32 v10, v6  }
0x3b7: {  	[tilespmem:s10+$0xFFFFFFE0] =	vst v7;
	v5 =	vmul.f32 v9, v5  }
0x3b8: {  	[tilespmem:s10+$0xFFFFFFF0] =	vst v2;
	v2 =	vmul.f32 v12, v4  }
0x3b9: {  	[tilespmem:s10+$0x0] =	vst v5;
	v3 =	vmul.f32 v63, v3  }
0x3ba: {  	[tilespmem:s10+$0x10] =	vst v2  }
0x3bb: {  	[tilespmem:s10+$0x20] =	vst v3  }
.LBB2_34:
0x3bc: {  	s10 =	sadd.s32 $0x1, s12  }
0x3bd: {  	s12 =	sadd.s32 $0x2, s30;
	p0 =	sgt.s32 s10, $0x2F;
	s7 =	smov.u32 s10  }
0x3be: {  	s7 =	smov.u32 @p0 s12  }
0x3bf: {  	p1 =	slt.s32 s7, $0x2F;
	s12 =	smov.u32 s7  }
0x3c0: {  	s12 =	simm.s32 @!p1 $0x2F  }
0x3c1: {  	s12 =	smul.u32 $0x9C00, s12  }
0x3c2: {  	_ =	swait.ge [sflag:s24], $0x2700  }
0x3c3: {  	[sflag:s24] =	ssyncset.done $0x0;
	s12 =	sshra.s32 s12, $0x2  }
0x3c4: {  	s14 =	simm.s32 $0x6950;
	[sflag:s24] =	ssyncadd.s32 $0xFFFFD900;
	s12 =	sadd.s32 s12, s4  }
0x3c5: {  	[tilespmem:s21], [sflag:$0x5] =	stream.linear.gather [spmem:s12], $0x2700, $0x38;
	[tilespmem:$0x1EE00] =	vst v63  }
0x3c6: {  	s12 =	simm.s32 $0xB750;
	v8 =	vld [tilespmem:s14+$0xFFFFFFB0]  }
0x3c7: {  	v9 =	vld [tilespmem:s12+$0xFFFFFFB0]  }
0x3c8: {  	v10 =	vld [tilespmem:s14+$0xFFFFFFC0]  }
0x3c9: {  	v11 =	vld [tilespmem:s12+$0xFFFFFFC0]  }
0x3ca: {  	v12 =	vld [tilespmem:s14+$0xFFFFFFD0]  }
0x3cb: {  	v13 =	vld [tilespmem:s12+$0xFFFFFFD0]  }
0x3cc: {  	v14 =	vld [tilespmem:s14+$0xFFFFFFE0]  }
0x3cd: {  	s19 =	simm.s32 $0x0;
	v15 =	vld [tilespmem:s12+$0xFFFFFFE0]  }
0x3ce: {  	s18 =	sand.u32 $0x3FE0, s19;
	v2 =	vld [tilespmem:s14+$0xFFFFFFF0]  }
0x3cf: {  	v16 =	vld [tilespmem:s18+$0x6980]  }
0x3d0: {  	v17 =	vld [tilespmem:s18+$0xB780]  }
0x3d1: {  	v7 =	vld [tilespmem:s12+$0xFFFFFFF0]  }
0x3d2: {  	v3 =	vld [tilespmem:s14+$0x0]  }
0x3d3: {  	v5 =	vld [tilespmem:s12+$0x0]  }
0x3d4: {  	v4 =	vld [tilespmem:s14+$0x10]  }
0x3d5: {  	v6 =	vld [tilespmem:s12+$0x10];
	v16 =	vadd.f32 v17, v16  }
0x3d6: {  	s18 =	simm.s32 $0x152BC;
	v63 =	vadd.f32 v9, v8;
	v8 =	vld [tilespmem:s14+$0x20]  }
0x3d7: {  	v11 =	vadd.f32 v11, v10;
	v9 =	vld [tilespmem:s12+$0x20];
	[tilespmem:s18+$0xFFFFFFF0] =	vst v16  }
0x3d8: {  	v10 =	vld [tilespmem:s14+$0x40];
	v13 =	vadd.f32 v13, v12;
	[tilespmem:s18+$0xFFFFFF70] =	vst v63  }
0x3d9: {  	s20 =	simm.s32 $0x0;
	v12 =	vadd.f32 v15, v14;
	s14 =	simm.s32 $0x69F0;
	[tilespmem:s18+$0xFFFFFF80] =	vst v11;
	v11 =	vld [tilespmem:s12+$0x40]  }
.LBB2_35:
0x3da: {  	v14 =	vld [tilespmem:s14+$0xFFFFFFB0];
	[tilespmem:s18+$0xFFFFFF90] =	vst v13;
	v2 =	vadd.f32 v7, v2;
	s12 =	sadd.s32 $0xA0, s12  }
0x3db: {  	v3 =	vadd.f32 v5, v3;
	v13 =	vld [tilespmem:s12+$0xFFFFFFB0];
	[tilespmem:s18+$0xFFFFFFA0] =	vst v12  }
0x3dc: {  	v12 =	vld [tilespmem:s14+$0xFFFFFFC0];
	[tilespmem:s18+$0xFFFFFFB0] =	vst v2;
	v2 =	vadd.f32 v6, v4  }
0x3dd: {  	v15 =	vld [tilespmem:s12+$0xFFFFFFC0];
	[tilespmem:s18+$0xFFFFFFC0] =	vst v3;
	v3 =	vadd.f32 v9, v8  }
0x3de: {  	v16 =	vld [tilespmem:s14+$0xFFFFFFD0];
	[tilespmem:s18+$0xFFFFFFD0] =	vst v2;
	v2 =	vadd.f32 v11, v10  }
0x3df: {  	v10 =	vld [tilespmem:s12+$0xFFFFFFD0];
	[tilespmem:s18+$0xFFFFFFE0] =	vst v3  }
0x3e0: {  	v11 =	vld [tilespmem:s14+$0xFFFFFFE0];
	[tilespmem:s18+$0x0] =	vst v2  }
0x3e1: {  	s19 =	sadd.s32 $0xA0, s19;
	v17 =	vld [tilespmem:s12+$0xFFFFFFE0]  }
0x3e2: {  	s28 =	sand.u32 $0x3FE0, s19;
	v2 =	vld [tilespmem:s14+$0xFFFFFFF0]  }
0x3e3: {  	s20 =	sadd.s32 $0xA, s20;
	v8 =	vld [tilespmem:s28+$0x6980]  }
0x3e4: {  	p1 =	slt.u32 s20, $0x262;
	v9 =	vld [tilespmem:s28+$0xB780]  }
0x3e5: {  	v7 =	vld [tilespmem:s12+$0xFFFFFFF0]  }
0x3e6: {  	v3 =	vld [tilespmem:s14+$0x0]  }
0x3e7: {  	v5 =	vld [tilespmem:s12+$0x0]  }
0x3e8: {  	v4 =	vld [tilespmem:s14+$0x10]  }
.Ltmp20:
0x3e9: {  	v6 =	vld [tilespmem:s12+$0x10];
	v18 =	vadd.f32 v9, v8;
	(pc) =	sbr.rel @p1 .LBB2_35-.Ltmp20, $4  }
0x3ea: {  	v13 =	vadd.f32 v13, v14;
	s18 =	sadd.s32 $0xA0, s18;
	v8 =	vld [tilespmem:s14+$0x20]  }
0x3eb: {  	v12 =	vadd.f32 v15, v12;
	v9 =	vld [tilespmem:s12+$0x20];
	[tilespmem:s18+$0xFFFFFFF0] =	vst v18  }
0x3ec: {  	[tilespmem:s18+$0xFFFFFF70] =	vst v13;
	v13 =	vadd.f32 v10, v16;
	v10 =	vld [tilespmem:s14+$0x40]  }
0x3ed: {  	s14 =	sadd.s32 $0xA0, s14;
	[tilespmem:s18+$0xFFFFFF80] =	vst v12;
	v12 =	vadd.f32 v17, v11;
	v11 =	vld [tilespmem:s12+$0x40]  }
0x3ee: {  	[tilespmem:s18+$0xFFFFFF90] =	vst v13;
	v2 =	vadd.f32 v7, v2  }
0x3ef: {  	v3 =	vadd.f32 v5, v3;
	p1 =	slt.s32 s10, $0x30;
	[tilespmem:s18+$0xFFFFFFA0] =	vst v12  }
.Ltmp21:
0x3f0: {  	[tilespmem:s18+$0xFFFFFFB0] =	vst v2;
	v2 =	vadd.f32 v6, v4;
	(pc) =	sbr.rel @p1 .LBB2_40-.Ltmp21, $4  }
0x3f1: {  	[tilespmem:s18+$0xFFFFFFC0] =	vst v3;
	v3 =	vadd.f32 v9, v8  }
0x3f2: {  	[tilespmem:s18+$0xFFFFFFD0] =	vst v2;
	v2 =	vadd.f32 v11, v10  }
0x3f3: {  	[tilespmem:s18+$0xFFFFFFE0] =	vst v3  }
0x3f4: {  	[tilespmem:s18+$0x0] =	vst v2  }
0x3f5: {  	s12 =	simm.s32 $0x13D0  }
0x3f6: {  	v3 =	vld [tilespmem:s12+$0x40]  }
0x3f7: {  	s10 =	simm.s32 $0x0;
	v5 =	vld [tilespmem:s12+$0xFFFFFFC0]  }
0x3f8: {  	s14 =	sand.u32 $0x3FE0, s10;
	v6 =	vld [tilespmem:s12+$0xFFFFFFD0]  }
0x3f9: {  	v4 =	vld [tilespmem:s14+$0x1400]  }
0x3fa: {  	v7 =	vld [tilespmem:s12+$0xFFFFFFE0]  }
0x3fb: {  	v2 =	vmov s2;
	v8 =	vld [tilespmem:s12+$0xFFFFFFF0]  }
0x3fc: {  	v2 =	vadd.s32 $0x1, v2;
	v9 =	vld [tilespmem:s12+$0x0]  }
0x3fd: {  	v10 =	vld [tilespmem:s12+$0x10];
	v2 =	vbroadcast v2, $0x0;
	v3 =	vmul.u32 $0x31, v3  }
0x3fe: {  	v11 =	vld [tilespmem:s12+$0xFFFFFFB0];
	v4 =	vmul.u32 $0x31, v4  }
0x3ff: {  	s10 =	simm.s32 $0x3AD0;
	v12 =	vld [tilespmem:s12+$0x20];
	v3 =	vadd.s32 v3, v2  }
0x400: {  	v14 =	vld [tilespmem:s10+$0x40];
	v5 =	vmul.u32 $0x31, v5;
	v4 =	vadd.s32 v4, v2  }
0x401: {  	v16 =	vld [tilespmem:s14+$0x3B00];
	v7 =	vmul.u32 $0x31, v7  }
0x402: {  	v18 =	vld [tilespmem:s10+$0xFFFFFFB0];
	v6 =	vmul.u32 $0x31, v6;
	v8 =	vmul.u32 $0x31, v8;
	v5 =	vadd.s32 v5, v2  }
0x403: {  	v19 =	vld [tilespmem:s10+$0xFFFFFFC0];
	v9 =	vmul.u32 $0x31, v9;
	v7 =	vadd.s32 v7, v2  }
0x404: {  	v6 =	vadd.s32 v6, v2;
	v15 =	vld.idx.msk [tilespmem:v3+s5+$0x0], $0xffff;
	v3 =	vadd.s32 v8, v2;
	v8 =	vmul.u32 $0x31, v10  }
0x405: {  	v10 =	vld.idx.msk [tilespmem:v4+s5+$0x0], $0xffff;
	v4 =	vadd.s32 v9, v2;
	v9 =	vmul.u32 $0x31, v11  }
0x406: {  	v13 =	vld [tilespmem:s10+$0xFFFFFFD0];
	v11 =	vmul.u32 $0x31, v12;
	v12 =	vadd.s32 v8, v2  }
0x407: {  	v17 =	vld.idx.msk [tilespmem:v5+s5+$0x0], $0xffff;
	v9 =	vadd.s32 v9, v2  }
0x408: {  	v7 =	vld.idx.msk [tilespmem:v7+s5+$0x0], $0xffff  }
0x409: {  	v8 =	vld.idx.msk [tilespmem:v6+s5+$0x0], $0xffff;
	v11 =	vadd.s32 v11, v2  }
0x40a: {  	v5 =	vld.idx.msk [tilespmem:v4+s5+$0x0], $0xffff  }
0x40b: {  	v4 =	vld.idx.msk [tilespmem:v12+s5+$0x0], $0xffff  }
0x40c: {  	v12 =	vld.idx.msk [tilespmem:v9+s5+$0x0], $0xffff  }
0x40d: {  	v6 =	vld.idx.msk [tilespmem:v3+s5+$0x0], $0xffff  }
0x40e: {  	v3 =	vld.idx.msk [tilespmem:v11+s5+$0x0], $0xffff  }
0x40f: {  	v9 =	vmul.f32 v14, v15;
	v11 =	vld [tilespmem:s10+$0xFFFFFFE0]  }
0x410: {  	s12 =	simm.s32 $0x6950;
	v14 =	vmul.f32 v16, v10;
	v10 =	vld [tilespmem:s10+$0xFFFFFFF0]  }
0x411: {  	[tilespmem:s12+$0x40] =	vst v9;
	v9 =	vld [tilespmem:s10+$0x0];
	v15 =	vmul.f32 v18, v12  }
0x412: {  	s18 =	simm.s32 $0x0;
	s19 =	simm.s32 $0x1470;
	s20 =	simm.s32 $0xA0;
	[tilespmem:s14+$0x6980] =	vst v14;
	v14 =	vmul.f32 v19, v17;
	v12 =	vld [tilespmem:s10+$0x10]  }
.LBB2_38:
0x413: {  	s28 =	sand.u32 $0x3FE0, s20;
	v16 =	vld [tilespmem:s19+$0x40];
	s18 =	sadd.s32 $0xA, s18;
	[tilespmem:s12+$0xFFFFFFB0] =	vst v15;
	v8 =	vmul.f32 v13, v8  }
0x414: {  	v13 =	vld [tilespmem:s28+$0x1400];
	p1 =	slt.u32 s18, $0x262;
	[tilespmem:s12+$0xFFFFFFC0] =	vst v14;
	v7 =	vmul.f32 v11, v7  }
0x415: {  	v11 =	vld [tilespmem:s19+$0xFFFFFFC0];
	[tilespmem:s12+$0xFFFFFFD0] =	vst v8;
	v6 =	vmul.f32 v10, v6  }
0x416: {  	v8 =	vld [tilespmem:s19+$0xFFFFFFD0];
	[tilespmem:s12+$0xFFFFFFE0] =	vst v7;
	v5 =	vmul.f32 v9, v5  }
0x417: {  	v7 =	vld [tilespmem:s19+$0xFFFFFFE0];
	[tilespmem:s12+$0xFFFFFFF0] =	vst v6;
	v4 =	vmul.f32 v12, v4  }
0x418: {  	v6 =	vld [tilespmem:s19+$0xFFFFFFF0];
	v9 =	vmul.u32 $0x31, v16;
	[tilespmem:s12+$0x0] =	vst v5  }
0x419: {  	v5 =	vld [tilespmem:s19+$0x0];
	v10 =	vmul.u32 $0x31, v13;
	[tilespmem:s12+$0x10] =	vst v4  }
0x41a: {  	v4 =	vmul.u32 $0x31, v11;
	v11 =	vld [tilespmem:s19+$0x10];
	v9 =	vadd.s32 v9, v2  }
0x41b: {  	v8 =	vmul.u32 $0x31, v8;
	v12 =	vld [tilespmem:s19+$0x20];
	v10 =	vadd.s32 v10, v2  }
0x41c: {  	v13 =	vld [tilespmem:s19+$0xFFFFFFB0];
	v4 =	vadd.s32 v4, v2;
	v7 =	vmul.u32 $0x31, v7  }
0x41d: {  	v8 =	vadd.s32 v8, v2;
	v6 =	vmul.u32 $0x31, v6;
	v14 =	vld [tilespmem:s10+$0x20];
	s10 =	sadd.s32 $0xA0, s10  }
0x41e: {  	v7 =	vadd.s32 v7, v2;
	v5 =	vmul.u32 $0x31, v5;
	v15 =	vld [tilespmem:s10+$0x40]  }
0x41f: {  	v6 =	vadd.s32 v6, v2;
	v11 =	vmul.u32 $0x31, v11;
	v9 =	vld.idx.msk [tilespmem:v9+s5+$0x0], $0xffff  }
0x420: {  	v5 =	vadd.s32 v5, v2;
	v12 =	vmul.u32 $0x31, v12;
	v10 =	vld.idx.msk [tilespmem:v10+s5+$0x0], $0xffff  }
0x421: {  	v13 =	vmul.u32 $0x31, v13;
	v11 =	vadd.s32 v11, v2;
	v16 =	vld [tilespmem:s28+$0x3B00]  }
0x422: {  	v17 =	vld.idx.msk [tilespmem:v4+s5+$0x0], $0xffff;
	v12 =	vadd.s32 v12, v2;
	v3 =	vmul.f32 v14, v3  }
0x423: {  	v13 =	vadd.s32 v13, v2;
	v8 =	vld.idx.msk [tilespmem:v8+s5+$0x0], $0xffff  }
0x424: {  	v7 =	vld.idx.msk [tilespmem:v7+s5+$0x0], $0xffff;
	[tilespmem:s12+$0x20] =	vst v3  }
0x425: {  	v3 =	vmul.f32 v15, v9;
	v6 =	vld.idx.msk [tilespmem:v6+s5+$0x0], $0xffff  }
0x426: {  	s12 =	sadd.s32 $0xA0, s12;
	v5 =	vld.idx.msk [tilespmem:v5+s5+$0x0], $0xffff;
	v9 =	vmul.f32 v16, v10  }
0x427: {  	v4 =	vld.idx.msk [tilespmem:v11+s5+$0x0], $0xffff;
	[tilespmem:s12+$0x40] =	vst v3  }
0x428: {  	v14 =	vld.idx.msk [tilespmem:v13+s5+$0x0], $0xffff;
	[tilespmem:s28+$0x6980] =	vst v9  }
0x429: {  	v3 =	vld.idx.msk [tilespmem:v12+s5+$0x0], $0xffff  }
0x42a: {  	v9 =	vld [tilespmem:s10+$0xFFFFFFB0]  }
0x42b: {  	v12 =	vld [tilespmem:s10+$0xFFFFFFC0]  }
.Ltmp22:
0x42c: {  	v13 =	vld [tilespmem:s10+$0xFFFFFFD0];
	(pc) =	sbr.rel @p1 .LBB2_38-.Ltmp22, $4  }
0x42d: {  	v11 =	vld [tilespmem:s10+$0xFFFFFFE0]  }
0x42e: {  	v10 =	vld [tilespmem:s10+$0xFFFFFFF0]  }
0x42f: {  	v15 =	vmul.f32 v9, v14;
	v9 =	vld [tilespmem:s10+$0x0]  }
0x430: {  	s20 =	sadd.s32 $0xA0, s20;
	s19 =	sadd.s32 $0xA0, s19;
	v14 =	vmul.f32 v12, v17;
	v12 =	vld [tilespmem:s10+$0x10]  }
0x431: {  	[tilespmem:s12+$0xFFFFFFB0] =	vst v15;
	v2 =	vmul.f32 v13, v8;
	v63 =	vld [tilespmem:s10+$0x20]  }
0x432: {  	[tilespmem:s12+$0xFFFFFFC0] =	vst v14;
	v7 =	vmul.f32 v11, v7  }
0x433: {  	[tilespmem:s12+$0xFFFFFFD0] =	vst v2;
	v2 =	vmul.f32 v10, v6  }
.Ltmp23:
0x434: {  	[tilespmem:s12+$0xFFFFFFE0] =	vst v7;
	v5 =	vmul.f32 v9, v5;
	(pc) =	sbr.rel .LBB2_40-.Ltmp23, $4  }
0x435: {  	[tilespmem:s12+$0xFFFFFFF0] =	vst v2;
	v2 =	vmul.f32 v12, v4  }
0x436: {  	[tilespmem:s12+$0x0] =	vst v5;
	v3 =	vmul.f32 v63, v3  }
0x437: {  	[tilespmem:s12+$0x10] =	vst v2  }
0x438: {  	[tilespmem:s12+$0x20] =	vst v3  }
.LBB2_42:
0x439: {  	_ =	sfence.sel $0x180000  }
0x43a: {  	[bflag:$0x0] =	sbarrier.arrive $0xFFFF  }
0x43b: {  	_ =	strace $0x90000047  }
0x43c: {  	s0 =	stileid.u32;
	[bflag:$0x2] =	sbarrier.arrive $0xFFFF  }
0x43d: {  	p0 =	sne.s32 s0, $0x0;
	s0 =	rddreg [dreg:$0x4]  }
0x43e: {  	s0 =	sadd.s32 @!p0 $0x100000, s0  }
0x43f: {  	[sflag:s0] =	ssyncadd.tile.s32 @!p0 $0x1;
	_ =	shalt  }
.Lfunc_end2:
_tile_overlayer_lowered:
.L_overlay_start_2:
0x440: {  	(tag) =	ssettag $0x2  }
0x441: {  	s0 =	rddreg [dreg:$0x0];
	s2 =	stileid.u32  }
0x442: {  	s1 =	rddreg [dreg:$0x1];
	p0 =	sne.s32 s2, $0x0  }
0x443: {  	s3 =	rddreg [dreg:$0x2];
	[bflag:$0x3] =	sbarrier.arrive $0xFFFF;
	s2 =	simm.s32 @!p0 $0x1C07  }
0x444: {  	[timem:s3], [sflag:s2] =	dma.local @!p0 [hbm:s0], s1  }
0x445: {  	s0 =	simm.s32 @!p0 $0x7  }
0x446: {  	_ =	swait.ge @!p0 [sflag:s0], s1  }
0x447: {  	s1 =	ssub.s32 @!p0 $0x0, s1;
	[sflag:s0] =	ssyncset.done @!p0 $0x0  }
0x448: {  	[sflag:s0] =	ssyncadd.s32 @!p0 s1  }
0x449: {  	[bflag:$0x3] =	sbarrier.arrive $0xFFFF  }
0x44a: {  	_ =	shalt  }

</sc_bundles>
